<compile_context>
chip_gen: v7x
topology: tpu7x:2x2x1
jax: 0.10.2.dev20260603
libtpu: 0.0.44.dev20260713+nightly
codegen_flags: <defaults>
</compile_context>

<pallas_src>
import functools

import jax
import jax.numpy as jnp
from jax import lax
from jax.experimental import pallas as pl
from jax.experimental.pallas import tpu as pltpu
from jax.experimental.pallas import tpu_sc as plsc

N = 10000
E = 320000
F = 128
R = 8
NB = 4

NC = 2
NS = 16
NW = NC * NS

EPR = 2560
EP = EPR * F
RPW = EPR // NW
PNL = 16
NPAD = 10112
ROWS_PER_TILE = NPAD // NS

XB = 2000
KB = EPR // (N // XB)


def _transform_body(x_ref, basis_ref, wc_ref, src_ref, et_ref,
                    out_ref, keys_ref):
    x = x_ref[...]
    for r in range(R):
        W = (wc_ref[r, 0, 0] * basis_ref[0] + wc_ref[r, 0, 1] * basis_ref[1]
             + wc_ref[r, 0, 2] * basis_ref[2] + wc_ref[r, 0, 3] * basis_ref[3])
        out_ref[r] = jnp.dot(x, W, preferred_element_type=jnp.float32)
    keys_ref[...] = et_ref[...] * N + src_ref[...]


def _all_transform(node_feats, basis, w_comp, src_p, et_p):
    nblk = N // XB
    out, keys = pl.pallas_call(
        _transform_body,
        grid=(nblk,),
        in_specs=[
            pl.BlockSpec((XB, F), lambda j: (j, 0)),
            pl.BlockSpec((NB, F, F), lambda j: (0, 0, 0)),
            pl.BlockSpec((R, 1, NB), lambda j: (0, 0, 0)),
            pl.BlockSpec((KB, F), lambda j: (j, 0)),
            pl.BlockSpec((KB, F), lambda j: (j, 0)),
        ],
        out_specs=[
            pl.BlockSpec((R, XB, F), lambda j: (0, j, 0)),
            pl.BlockSpec((KB, F), lambda j: (j, 0)),
        ],
        out_shape=[
            jax.ShapeDtypeStruct((R, N, F), jnp.float32),
            jax.ShapeDtypeStruct((EPR, F), jnp.int32),
        ],
        compiler_params=pltpu.CompilerParams(
            dimension_semantics=("arbitrary",)),
    )(node_feats, basis, w_comp.reshape(R, 1, NB), src_p, et_p)
    return out.reshape(R * N, F), keys


def _sc_agg_body(table, keys_hbm, dst_hbm, out,
                 keys0, keys1, dst0, dst1, rows0, rows1, acc,
                 sem0, sem1, isk0, isk1, isd0, isd1):
    c = lax.axis_index("c")
    s = lax.axis_index("s")
    wid = c * NS + s
    base = wid * RPW
    kb, db = (keys0, keys1), (dst0, dst1)
    ksem, dsem = (isk0, isk1), (isd0, isd1)

    def load_panel(p, b):
        pltpu.async_copy(
            keys_hbm.at[pl.ds(base + p * PNL, PNL), :], kb[b], ksem[b])
        pltpu.async_copy(
            dst_hbm.at[pl.ds(base + p * PNL, PNL), :], db[b], dsem[b])

    def wait_panel(p, b):
        pltpu.make_async_copy(
            keys_hbm.at[pl.ds(base + p * PNL, PNL), :], kb[b], ksem[b]).wait()
        pltpu.make_async_copy(
            dst_hbm.at[pl.ds(base + p * PNL, PNL), :], db[b], dsem[b]).wait()

    def gather(kref, j, buf, sem):
        pltpu.async_copy(table.at[kref.at[j]], buf, sem)

    def gwait(kref, j, buf, sem):
        pltpu.make_async_copy(table.at[kref.at[j]], buf, sem).wait()

    load_panel(0, 0)
    load_panel(1, 1)

    def zero_body(i, carry):
        z = jnp.zeros((16,), jnp.float32)
        for k in range(8):
            rows0[i, pl.ds(k * 16, 16)] = z
        return carry

    lax.fori_loop(0, F, zero_body, 0, unroll=False)
    for k in range(ROWS_PER_TILE // F):
        pltpu.sync_copy(
            rows0, acc.at[pl.ds(s * ROWS_PER_TILE + k * F, F), :])
    rem = ROWS_PER_TILE % F
    if rem:
        pltpu.sync_copy(
            rows0.at[pl.ds(0, rem), :],
            acc.at[pl.ds(s * ROWS_PER_TILE + (ROWS_PER_TILE // F) * F, rem), :])

    wait_panel(0, 0)
    gather(kb[0], 0, rows0, sem0)
    plsc.subcore_barrier()

    NP = RPW // PNL
    for p in range(NP):
        K, D = kb[p % 2], db[p % 2]

        def body(j, carry, K=K, D=D):
            gather(K, 2 * j + 1, rows1, sem1)
            gwait(K, 2 * j, rows0, sem0)
            pltpu.sync_copy(rows0, acc.at[D.at[2 * j]], add=True)
            gather(K, 2 * j + 2, rows0, sem0)
            gwait(K, 2 * j + 1, rows1, sem1)
            pltpu.sync_copy(rows1, acc.at[D.at[2 * j + 1]], add=True)
            return carry

        lax.fori_loop(0, PNL // 2 - 1, body, 0, unroll=False)
        gather(K, PNL - 1, rows1, sem1)
        gwait(K, PNL - 2, rows0, sem0)
        pltpu.sync_copy(rows0, acc.at[D.at[PNL - 2]], add=True)
        if p + 1 < NP:
            wait_panel(p + 1, (p + 1) % 2)
            gather(kb[(p + 1) % 2], 0, rows0, sem0)
        gwait(K, PNL - 1, rows1, sem1)
        pltpu.sync_copy(rows1, acc.at[D.at[PNL - 1]], add=True)
        if p + 2 < NP:
            load_panel(p + 2, p % 2)

    plsc.subcore_barrier()
    pltpu.sync_copy(acc.at[pl.ds(s * ROWS_PER_TILE, ROWS_PER_TILE), :],
                    out.at[c, pl.ds(s * ROWS_PER_TILE, ROWS_PER_TILE), :])


@functools.cache
def _build_sc_agg():
    return pl.kernel(
        _sc_agg_body,
        out_type=jax.ShapeDtypeStruct((NC, NPAD, F), jnp.float32),
        mesh=plsc.VectorSubcoreMesh(core_axis_name="c", subcore_axis_name="s",
                                    num_cores=NC, num_subcores=NS),
        scratch_types=[
            pltpu.VMEM((PNL, F), jnp.int32),
            pltpu.VMEM((PNL, F), jnp.int32),
            pltpu.VMEM((PNL, F), jnp.int32),
            pltpu.VMEM((PNL, F), jnp.int32),
            pltpu.VMEM((F, F), jnp.float32),
            pltpu.VMEM((F, F), jnp.float32),
            pltpu.VMEM_SHARED((NPAD, F), jnp.float32),
            pltpu.SemaphoreType.DMA,
            pltpu.SemaphoreType.DMA,
            pltpu.SemaphoreType.DMA,
            pltpu.SemaphoreType.DMA,
            pltpu.SemaphoreType.DMA,
            pltpu.SemaphoreType.DMA,
        ],
    )


_SQRT1_2 = 0.7071067811865476


def _final_body(part_ref, x_ref, lw_ref, bias_ref, g_ref, b_ref, out_ref):
    x = x_ref[...]
    h = (part_ref[0] + part_ref[1]
         + jnp.dot(x, lw_ref[...], preferred_element_type=jnp.float32)
         + bias_ref[...] + x)
    g = 0.5 * h * (1.0 + lax.erf(h * _SQRT1_2))
    mean = jnp.mean(g, axis=-1, keepdims=True)
    cent = g - mean
    var = jnp.mean(cent * cent, axis=-1, keepdims=True)
    out_ref[...] = cent * lax.rsqrt(var + 1e-5) * g_ref[...] + b_ref[...]


def _finalize(partials, node_feats, loop_weight, bias, ln_gamma, ln_beta):
    nblk = N // XB
    return pl.pallas_call(
        _final_body,
        grid=(nblk,),
        in_specs=[
            pl.BlockSpec((NC, XB, F), lambda j: (0, j, 0)),
            pl.BlockSpec((XB, F), lambda j: (j, 0)),
            pl.BlockSpec((F, F), lambda j: (0, 0)),
            pl.BlockSpec((1, F), lambda j: (0, 0)),
            pl.BlockSpec((1, F), lambda j: (0, 0)),
            pl.BlockSpec((1, F), lambda j: (0, 0)),
        ],
        out_specs=pl.BlockSpec((XB, F), lambda j: (j, 0)),
        out_shape=jax.ShapeDtypeStruct((N, F), jnp.float32),
    )(partials, node_feats, loop_weight, bias.reshape(1, F),
      ln_gamma.reshape(1, F), ln_beta.reshape(1, F))


def kernel(node_feats, edge_index, edge_types, basis, w_comp, loop_weight,
           bias, ln_gamma, ln_beta):
    src = edge_index[0]
    dst = edge_index[1]
    pad = EP - E
    pad_iota = jnp.arange(pad, dtype=jnp.int32)
    src_p = jnp.concatenate([src, pad_iota % N]).reshape(EPR, F)
    et_p = jnp.concatenate([edge_types, jnp.zeros((pad,), jnp.int32)]
                           ).reshape(EPR, F)
    dst_p = jnp.concatenate([dst, N + pad_iota % (NPAD - N)]).reshape(EPR, F)

    all_t, keys = _all_transform(node_feats, basis, w_comp, src_p, et_p)
    partials = _build_sc_agg()(all_t, keys, dst_p)
    return _finalize(partials, node_feats, loop_weight, bias, ln_gamma, ln_beta)

# --- scband reference (transcript-rebuilt; emitter-appended) ---
"""Pipeline reference for scband-edge-type-rgcn-79637283602842 (READ-ONLY COPY).

The authoritative reference and input builder live on the scoring server;
editing this copy changes nothing except your own understanding.
"""

import jax, jax.numpy as jnp
import numpy as np

N = 10000
E = 320000
IN_FEAT = 128
OUT_FEAT = 128
NUM_RELS = 8
NUM_BASES = 4


def setup_inputs(seed: int = 0) -> dict:
    key = jax.random.key(seed)
    ks = jax.random.split(key, 9)
    node_feats = jax.random.normal(ks[0], (N, IN_FEAT), dtype=jnp.float32)
    edge_index = jax.random.randint(ks[1], (2, E), 0, N, dtype=jnp.int32)
    edge_types = jax.random.randint(ks[2], (E,), 0, NUM_RELS, dtype=jnp.int32)
    # RelGraphConv basis-regularized params
    basis = jax.random.normal(ks[3], (NUM_BASES, IN_FEAT, OUT_FEAT), dtype=jnp.float32) * 0.05
    w_comp = jax.random.normal(ks[4], (NUM_RELS, NUM_BASES), dtype=jnp.float32) * 0.05
    loop_weight = jax.random.normal(ks[5], (IN_FEAT, OUT_FEAT), dtype=jnp.float32) * 0.05
    bias = jnp.zeros((OUT_FEAT,), dtype=jnp.float32)
    ln_gamma = jnp.ones((OUT_FEAT,), dtype=jnp.float32)
    ln_beta = jnp.zeros((OUT_FEAT,), dtype=jnp.float32)
    return {
        'node_feats': node_feats,
        'edge_index': edge_index,
        'edge_types': edge_types,
        'basis': basis,
        'w_comp': w_comp,
        'loop_weight': loop_weight,
        'bias': bias,
        'ln_gamma': ln_gamma,
        'ln_beta': ln_beta,
    }


def reference(node_feats, edge_index, edge_types, basis, w_comp, loop_weight, bias, ln_gamma, ln_beta):
    n = node_feats.shape[0]
    # basis decomposition: W[r] = sum_b w_comp[r,b] * basis[b]
    W = jnp.einsum('rb,bio->rio', w_comp, basis)  # [R, IN, OUT]
    # transform all nodes under every relation (cheaper than per-edge matmul, same math)
    all_t = jnp.einsum('ni,rio->rno', node_feats, W)  # [R, N, OUT]
    src = edge_index[0]
    dst = edge_index[1]
    # per-edge message: h_src @ W_{etype} -> gather from precomputed table
    msg = all_t[edge_types, src]  # [E, OUT]
    # sum aggregation into destination nodes
    agg = jax.ops.segment_sum(msg, dst, num_segments=n)
    # DGL RelGraphConv default: self-loop + bias
    rgcn_out = agg + node_feats @ loop_weight + bias
    # residual (Identity since in_feat == out_feat)
    out = rgcn_out + node_feats
    # GELU (torch default = exact erf)
    out = jax.nn.gelu(out, approximate=False)
    # LayerNorm over last dim, eps=1e-5
    mean = jnp.mean(out, axis=-1, keepdims=True)
    var = jnp.var(out, axis=-1, keepdims=True)
    out = (out - mean) / jnp.sqrt(var + 1e-5) * ln_gamma + ln_beta
    return out

if __name__ == "__main__":
    import jax
    _d = setup_inputs()
    print(jax.jit(kernel)(*tuple(_d.values())))

</pallas_src>

<mosaic_0001>
#map = affine_map<(d0, d1) -> (0, 0)>
#map1 = affine_map<(d0, d1) -> (0, 0, 0)>
module attributes {stable_mosaic.version = 14 : i64} {
  func.func @_sc_agg_body(%arg0: i32, %arg1: i32, %arg2: memref<80000x128xf32, #tpu.memory_space<hbm>>, %arg3: memref<2560x128xi32, #tpu.memory_space<hbm>>, %arg4: memref<2560x128xi32, #tpu.memory_space<hbm>>, %arg5: memref<2x10112x128xf32, #tpu.memory_space<hbm>>, %arg6: memref<16x128xi32, #tpu.memory_space<vmem>>, %arg7: memref<16x128xi32, #tpu.memory_space<vmem>>, %arg8: memref<16x128xi32, #tpu.memory_space<vmem>>, %arg9: memref<16x128xi32, #tpu.memory_space<vmem>>, %arg10: memref<128x128xf32, #tpu.memory_space<vmem>>, %arg11: memref<128x128xf32, #tpu.memory_space<vmem>>, %arg12: memref<10112x128xf32, #tpu.memory_space<vmem_shared>>, %arg13: memref<!tpu.dma_semaphore, #tpu.memory_space<semaphore_mem>>, %arg14: memref<!tpu.dma_semaphore, #tpu.memory_space<semaphore_mem>>, %arg15: memref<!tpu.dma_semaphore, #tpu.memory_space<semaphore_mem>>, %arg16: memref<!tpu.dma_semaphore, #tpu.memory_space<semaphore_mem>>, %arg17: memref<!tpu.dma_semaphore, #tpu.memory_space<semaphore_mem>>, %arg18: memref<!tpu.dma_semaphore, #tpu.memory_space<semaphore_mem>>) attributes {dimension_semantics = [#tpu.dimension_semantics<core_parallel>, #tpu.dimension_semantics<subcore_parallel>], iteration_bounds = array<i64: 2, 16>, scalar_prefetch = 0 : i64, scratch_operands = 13 : i64, tpu.core_type = #tpu.core_type<sc_vector_subcore>, window_params = [{transform_indices = #map}, {transform_indices = #map}, {transform_indices = #map}, {transform_indices = #map1}]} {
    %mul3A = arith.constant 16 : i32
    %mul3A_0 = arith.muli %arg0, %mul3A : i32
    %add3A = arith.addi %mul3A_0, %arg1 : i32
    %mul3A_1 = arith.constant 80 : i32
    %mul3A_2 = arith.muli %add3A, %mul3A_1 : i32
    %add3A_3 = arith.constant 0 : i32
    %add3A_4 = arith.addi %mul3A_2, %add3A_3 : i32
    %dma_start3A = arith.constant 0 : i32
    %dma_start3A_5 = tpu.memref_slice %arg3[%add3A_4, %dma_start3A] : memref<2560x128xi32, #tpu.memory_space<hbm>> -> memref<16x128xi32, #tpu.memory_space<hbm>>
    %dma_start3A_6 = arith.constant 0 : i32
    %dma_start3A_7 = tpu.memref_slice %arg3[%add3A_4, %dma_start3A_6] : memref<2560x128xi32, #tpu.memory_space<hbm>> -> memref<16x128xi32, #tpu.memory_space<hbm>>
    tpu.enqueue_dma source(%dma_start3A_7 : memref<16x128xi32, #tpu.memory_space<hbm>>) target(%arg6 : memref<16x128xi32, #tpu.memory_space<vmem>>) target_semaphore(%arg15 : memref<!tpu.dma_semaphore, #tpu.memory_space<semaphore_mem>>)
    %add3A_8 = arith.constant 0 : i32
    %add3A_9 = arith.addi %mul3A_2, %add3A_8 : i32
    %dma_start3A_10 = arith.constant 0 : i32
    %dma_start3A_11 = tpu.memref_slice %arg4[%add3A_9, %dma_start3A_10] : memref<2560x128xi32, #tpu.memory_space<hbm>> -> memref<16x128xi32, #tpu.memory_space<hbm>>
    %dma_start3A_12 = arith.constant 0 : i32
    %dma_start3A_13 = tpu.memref_slice %arg4[%add3A_9, %dma_start3A_12] : memref<2560x128xi32, #tpu.memory_space<hbm>> -> memref<16x128xi32, #tpu.memory_space<hbm>>
    tpu.enqueue_dma source(%dma_start3A_13 : memref<16x128xi32, #tpu.memory_space<hbm>>) target(%arg8 : memref<16x128xi32, #tpu.memory_space<vmem>>) target_semaphore(%arg17 : memref<!tpu.dma_semaphore, #tpu.memory_space<semaphore_mem>>)
    %add3A_14 = arith.constant 16 : i32
    %add3A_15 = arith.addi %mul3A_2, %add3A_14 : i32
    %dma_start3A_16 = arith.constant 0 : i32
    %dma_start3A_17 = tpu.memref_slice %arg3[%add3A_15, %dma_start3A_16] : memref<2560x128xi32, #tpu.memory_space<hbm>> -> memref<16x128xi32, #tpu.memory_space<hbm>>
    %dma_start3A_18 = arith.constant 0 : i32
    %dma_start3A_19 = tpu.memref_slice %arg3[%add3A_15, %dma_start3A_18] : memref<2560x128xi32, #tpu.memory_space<hbm>> -> memref<16x128xi32, #tpu.memory_space<hbm>>
    tpu.enqueue_dma source(%dma_start3A_19 : memref<16x128xi32, #tpu.memory_space<hbm>>) target(%arg7 : memref<16x128xi32, #tpu.memory_space<vmem>>) target_semaphore(%arg16 : memref<!tpu.dma_semaphore, #tpu.memory_space<semaphore_mem>>)
    %add3A_20 = arith.constant 16 : i32
    %add3A_21 = arith.addi %mul3A_2, %add3A_20 : i32
    %dma_start3A_22 = arith.constant 0 : i32
    %dma_start3A_23 = tpu.memref_slice %arg4[%add3A_21, %dma_start3A_22] : memref<2560x128xi32, #tpu.memory_space<hbm>> -> memref<16x128xi32, #tpu.memory_space<hbm>>
    %dma_start3A_24 = arith.constant 0 : i32
    %dma_start3A_25 = tpu.memref_slice %arg4[%add3A_21, %dma_start3A_24] : memref<2560x128xi32, #tpu.memory_space<hbm>> -> memref<16x128xi32, #tpu.memory_space<hbm>>
    tpu.enqueue_dma source(%dma_start3A_25 : memref<16x128xi32, #tpu.memory_space<hbm>>) target(%arg9 : memref<16x128xi32, #tpu.memory_space<vmem>>) target_semaphore(%arg18 : memref<!tpu.dma_semaphore, #tpu.memory_space<semaphore_mem>>)
    %scan3A = arith.constant 0 : i32
    %scan3A_26 = arith.constant 0 : i32
    %scan3A_27 = arith.constant 128 : i32
    %scan3A_28 = arith.addi %scan3A_26, %scan3A_27 : i32
    %scan3A_29 = arith.constant 1 : i32
    scf.for %scan3A_330 = %scan3A_26 to %scan3A_28 step %scan3A_29  : i32 {
      %broadcast_in_dim3A = arith.constant 0.000000e+00 : f32
      %broadcast_in_dim3A_331 = vector.broadcast %broadcast_in_dim3A : f32 to vector<16xf32>
      %swap3A = arith.index_cast %scan3A_330 : i32 to index
      %swap3A_332 = arith.constant 0 : index
      %swap3A_333 = tpu.vector_load %arg10[%swap3A, %swap3A_332] {strides = array<i32>} : memref<128x128xf32, #tpu.memory_space<vmem>>, vector<1x16xf32>,
      %swap3A_334 = vector.shape_cast %swap3A_333 : vector<1x16xf32> to vector<16xf32>
      %swap3A_335 = vector.shape_cast %broadcast_in_dim3A_331 : vector<16xf32> to vector<1x16xf32>
      tpu.vector_store %arg10[%swap3A, %swap3A_332], %swap3A_335 {strides = array<i32>} : memref<128x128xf32, #tpu.memory_space<vmem>>, vector<1x16xf32>,
      %swap3A_336 = arith.index_cast %scan3A_330 : i32 to index
      %swap3A_337 = arith.constant 16 : index
      %swap3A_338 = tpu.vector_load %arg10[%swap3A_336, %swap3A_337] {strides = array<i32>} : memref<128x128xf32, #tpu.memory_space<vmem>>, vector<1x16xf32>,
      %swap3A_339 = vector.shape_cast %swap3A_338 : vector<1x16xf32> to vector<16xf32>
      %swap3A_340 = vector.shape_cast %broadcast_in_dim3A_331 : vector<16xf32> to vector<1x16xf32>
      tpu.vector_store %arg10[%swap3A_336, %swap3A_337], %swap3A_340 {strides = array<i32>} : memref<128x128xf32, #tpu.memory_space<vmem>>, vector<1x16xf32>,
      %swap3A_341 = arith.index_cast %scan3A_330 : i32 to index
      %swap3A_342 = arith.constant 32 : index
      %swap3A_343 = tpu.vector_load %arg10[%swap3A_341, %swap3A_342] {strides = array<i32>} : memref<128x128xf32, #tpu.memory_space<vmem>>, vector<1x16xf32>,
      %swap3A_344 = vector.shape_cast %swap3A_343 : vector<1x16xf32> to vector<16xf32>
      %swap3A_345 = vector.shape_cast %broadcast_in_dim3A_331 : vector<16xf32> to vector<1x16xf32>
      tpu.vector_store %arg10[%swap3A_341, %swap3A_342], %swap3A_345 {strides = array<i32>} : memref<128x128xf32, #tpu.memory_space<vmem>>, vector<1x16xf32>,
      %swap3A_346 = arith.index_cast %scan3A_330 : i32 to index
      %swap3A_347 = arith.constant 48 : index
      %swap3A_348 = tpu.vector_load %arg10[%swap3A_346, %swap3A_347] {strides = array<i32>} : memref<128x128xf32, #tpu.memory_space<vmem>>, vector<1x16xf32>,
      %swap3A_349 = vector.shape_cast %swap3A_348 : vector<1x16xf32> to vector<16xf32>
      %swap3A_350 = vector.shape_cast %broadcast_in_dim3A_331 : vector<16xf32> to vector<1x16xf32>
      tpu.vector_store %arg10[%swap3A_346, %swap3A_347], %swap3A_350 {strides = array<i32>} : memref<128x128xf32, #tpu.memory_space<vmem>>, vector<1x16xf32>,
      %swap3A_351 = arith.index_cast %scan3A_330 : i32 to index
      %swap3A_352 = arith.constant 64 : index
      %swap3A_353 = tpu.vector_load %arg10[%swap3A_351, %swap3A_352] {strides = array<i32>} : memref<128x128xf32, #tpu.memory_space<vmem>>, vector<1x16xf32>,
      %swap3A_354 = vector.shape_cast %swap3A_353 : vector<1x16xf32> to vector<16xf32>
      %swap3A_355 = vector.shape_cast %broadcast_in_dim3A_331 : vector<16xf32> to vector<1x16xf32>
      tpu.vector_store %arg10[%swap3A_351, %swap3A_352], %swap3A_355 {strides = array<i32>} : memref<128x128xf32, #tpu.memory_space<vmem>>, vector<1x16xf32>,
      %swap3A_356 = arith.index_cast %scan3A_330 : i32 to index
      %swap3A_357 = arith.constant 80 : index
      %swap3A_358 = tpu.vector_load %arg10[%swap3A_356, %swap3A_357] {strides = array<i32>} : memref<128x128xf32, #tpu.memory_space<vmem>>, vector<1x16xf32>,
      %swap3A_359 = vector.shape_cast %swap3A_358 : vector<1x16xf32> to vector<16xf32>
      %swap3A_360 = vector.shape_cast %broadcast_in_dim3A_331 : vector<16xf32> to vector<1x16xf32>
      tpu.vector_store %arg10[%swap3A_356, %swap3A_357], %swap3A_360 {strides = array<i32>} : memref<128x128xf32, #tpu.memory_space<vmem>>, vector<1x16xf32>,
      %swap3A_361 = arith.index_cast %scan3A_330 : i32 to index
      %swap3A_362 = arith.constant 96 : index
      %swap3A_363 = tpu.vector_load %arg10[%swap3A_361, %swap3A_362] {strides = array<i32>} : memref<128x128xf32, #tpu.memory_space<vmem>>, vector<1x16xf32>,
      %swap3A_364 = vector.shape_cast %swap3A_363 : vector<1x16xf32> to vector<16xf32>
      %swap3A_365 = vector.shape_cast %broadcast_in_dim3A_331 : vector<16xf32> to vector<1x16xf32>
      tpu.vector_store %arg10[%swap3A_361, %swap3A_362], %swap3A_365 {strides = array<i32>} : memref<128x128xf32, #tpu.memory_space<vmem>>, vector<1x16xf32>,
      %swap3A_366 = arith.index_cast %scan3A_330 : i32 to index
      %swap3A_367 = arith.constant 112 : index
      %swap3A_368 = tpu.vector_load %arg10[%swap3A_366, %swap3A_367] {strides = array<i32>} : memref<128x128xf32, #tpu.memory_space<vmem>>, vector<1x16xf32>,
      %swap3A_369 = vector.shape_cast %swap3A_368 : vector<1x16xf32> to vector<16xf32>
      %swap3A_370 = vector.shape_cast %broadcast_in_dim3A_331 : vector<16xf32> to vector<1x16xf32>
      tpu.vector_store %arg10[%swap3A_366, %swap3A_367], %swap3A_370 {strides = array<i32>} : memref<128x128xf32, #tpu.memory_space<vmem>>, vector<1x16xf32>,
    }
    %scan3A_30 = arith.constant 128 : i32
    %mul3A_31 = arith.constant 632 : i32
    %mul3A_32 = arith.muli %arg1, %mul3A_31 : i32
    %add3A_33 = arith.constant 0 : i32
    %add3A_34 = arith.addi %mul3A_32, %add3A_33 : i32
    "tpu.region"() ({
      %run_scoped3A_330 = tpu.sem_alloc : memref<!tpu.dma_semaphore, #tpu.memory_space<semaphore_mem>>
      %dma_start3A_331 = arith.constant 0 : i32
      %dma_start3A_332 = tpu.memref_slice %arg12[%add3A_34, %dma_start3A_331] : memref<10112x128xf32, #tpu.memory_space<vmem_shared>> -> memref<128x128xf32, #tpu.memory_space<vmem_shared>>
      %dma_start3A_333 = arith.constant 0 : i32
      %dma_start3A_334 = tpu.memref_slice %arg12[%add3A_34, %dma_start3A_333] : memref<10112x128xf32, #tpu.memory_space<vmem_shared>> -> memref<128x128xf32, #tpu.memory_space<vmem_shared>>
      tpu.enqueue_dma source(%arg10 : memref<128x128xf32, #tpu.memory_space<vmem>>) target(%dma_start3A_334 : memref<128x128xf32, #tpu.memory_space<vmem_shared>>) target_semaphore(%run_scoped3A_330 : memref<!tpu.dma_semaphore, #tpu.memory_space<semaphore_mem>>)
      %dma_wait3A_335 = arith.constant 0 : i32
      %dma_wait3A_336 = tpu.memref_slice %arg12[%add3A_34, %dma_wait3A_335] : memref<10112x128xf32, #tpu.memory_space<vmem_shared>> -> memref<128x128xf32, #tpu.memory_space<vmem_shared>>
      %dma_wait3A_337 = arith.constant 0 : i32
      %dma_wait3A_338 = tpu.memref_slice %arg12[%add3A_34, %dma_wait3A_337] : memref<10112x128xf32, #tpu.memory_space<vmem_shared>> -> memref<128x128xf32, #tpu.memory_space<vmem_shared>>
      tpu.wait_dma2 semaphore(%run_scoped3A_330 : memref<!tpu.dma_semaphore, #tpu.memory_space<semaphore_mem>>) src(%arg10 : memref<128x128xf32, #tpu.memory_space<vmem>>) dst(%dma_wait3A_338 : memref<128x128xf32, #tpu.memory_space<vmem_shared>>)
      tpu.yield
    }) : () -> ()
    %mul3A_35 = arith.constant 632 : i32
    %mul3A_36 = arith.muli %arg1, %mul3A_35 : i32
    %add3A_37 = arith.constant 128 : i32
    %add3A_38 = arith.addi %mul3A_36, %add3A_37 : i32
    "tpu.region"() ({
      %run_scoped3A_330 = tpu.sem_alloc : memref<!tpu.dma_semaphore, #tpu.memory_space<semaphore_mem>>
      %dma_start3A_331 = arith.constant 0 : i32
      %dma_start3A_332 = tpu.memref_slice %arg12[%add3A_38, %dma_start3A_331] : memref<10112x128xf32, #tpu.memory_space<vmem_shared>> -> memref<128x128xf32, #tpu.memory_space<vmem_shared>>
      %dma_start3A_333 = arith.constant 0 : i32
      %dma_start3A_334 = tpu.memref_slice %arg12[%add3A_38, %dma_start3A_333] : memref<10112x128xf32, #tpu.memory_space<vmem_shared>> -> memref<128x128xf32, #tpu.memory_space<vmem_shared>>
      tpu.enqueue_dma source(%arg10 : memref<128x128xf32, #tpu.memory_space<vmem>>) target(%dma_start3A_334 : memref<128x128xf32, #tpu.memory_space<vmem_shared>>) target_semaphore(%run_scoped3A_330 : memref<!tpu.dma_semaphore, #tpu.memory_space<semaphore_mem>>)
      %dma_wait3A_335 = arith.constant 0 : i32
      %dma_wait3A_336 = tpu.memref_slice %arg12[%add3A_38, %dma_wait3A_335] : memref<10112x128xf32, #tpu.memory_space<vmem_shared>> -> memref<128x128xf32, #tpu.memory_space<vmem_shared>>
      %dma_wait3A_337 = arith.constant 0 : i32
      %dma_wait3A_338 = tpu.memref_slice %arg12[%add3A_38, %dma_wait3A_337] : memref<10112x128xf32, #tpu.memory_space<vmem_shared>> -> memref<128x128xf32, #tpu.memory_space<vmem_shared>>
      tpu.wait_dma2 semaphore(%run_scoped3A_330 : memref<!tpu.dma_semaphore, #tpu.memory_space<semaphore_mem>>) src(%arg10 : memref<128x128xf32, #tpu.memory_space<vmem>>) dst(%dma_wait3A_338 : memref<128x128xf32, #tpu.memory_space<vmem_shared>>)
      tpu.yield
    }) : () -> ()
    %mul3A_39 = arith.constant 632 : i32
    %mul3A_40 = arith.muli %arg1, %mul3A_39 : i32
    %add3A_41 = arith.constant 256 : i32
    %add3A_42 = arith.addi %mul3A_40, %add3A_41 : i32
    "tpu.region"() ({
      %run_scoped3A_330 = tpu.sem_alloc : memref<!tpu.dma_semaphore, #tpu.memory_space<semaphore_mem>>
      %dma_start3A_331 = arith.constant 0 : i32
      %dma_start3A_332 = tpu.memref_slice %arg12[%add3A_42, %dma_start3A_331] : memref<10112x128xf32, #tpu.memory_space<vmem_shared>> -> memref<128x128xf32, #tpu.memory_space<vmem_shared>>
      %dma_start3A_333 = arith.constant 0 : i32
      %dma_start3A_334 = tpu.memref_slice %arg12[%add3A_42, %dma_start3A_333] : memref<10112x128xf32, #tpu.memory_space<vmem_shared>> -> memref<128x128xf32, #tpu.memory_space<vmem_shared>>
      tpu.enqueue_dma source(%arg10 : memref<128x128xf32, #tpu.memory_space<vmem>>) target(%dma_start3A_334 : memref<128x128xf32, #tpu.memory_space<vmem_shared>>) target_semaphore(%run_scoped3A_330 : memref<!tpu.dma_semaphore, #tpu.memory_space<semaphore_mem>>)
      %dma_wait3A_335 = arith.constant 0 : i32
      %dma_wait3A_336 = tpu.memref_slice %arg12[%add3A_42, %dma_wait3A_335] : memref<10112x128xf32, #tpu.memory_space<vmem_shared>> -> memref<128x128xf32, #tpu.memory_space<vmem_shared>>
      %dma_wait3A_337 = arith.constant 0 : i32
      %dma_wait3A_338 = tpu.memref_slice %arg12[%add3A_42, %dma_wait3A_337] : memref<10112x128xf32, #tpu.memory_space<vmem_shared>> -> memref<128x128xf32, #tpu.memory_space<vmem_shared>>
      tpu.wait_dma2 semaphore(%run_scoped3A_330 : memref<!tpu.dma_semaphore, #tpu.memory_space<semaphore_mem>>) src(%arg10 : memref<128x128xf32, #tpu.memory_space<vmem>>) dst(%dma_wait3A_338 : memref<128x128xf32, #tpu.memory_space<vmem_shared>>)
      tpu.yield
    }) : () -> ()
    %mul3A_43 = arith.constant 632 : i32
    %mul3A_44 = arith.muli %arg1, %mul3A_43 : i32
    %add3A_45 = arith.constant 384 : i32
    %add3A_46 = arith.addi %mul3A_44, %add3A_45 : i32
    "tpu.region"() ({
      %run_scoped3A_330 = tpu.sem_alloc : memref<!tpu.dma_semaphore, #tpu.memory_space<semaphore_mem>>
      %dma_start3A_331 = arith.constant 0 : i32
      %dma_start3A_332 = tpu.memref_slice %arg12[%add3A_46, %dma_start3A_331] : memref<10112x128xf32, #tpu.memory_space<vmem_shared>> -> memref<128x128xf32, #tpu.memory_space<vmem_shared>>
      %dma_start3A_333 = arith.constant 0 : i32
      %dma_start3A_334 = tpu.memref_slice %arg12[%add3A_46, %dma_start3A_333] : memref<10112x128xf32, #tpu.memory_space<vmem_shared>> -> memref<128x128xf32, #tpu.memory_space<vmem_shared>>
      tpu.enqueue_dma source(%arg10 : memref<128x128xf32, #tpu.memory_space<vmem>>) target(%dma_start3A_334 : memref<128x128xf32, #tpu.memory_space<vmem_shared>>) target_semaphore(%run_scoped3A_330 : memref<!tpu.dma_semaphore, #tpu.memory_space<semaphore_mem>>)
      %dma_wait3A_335 = arith.constant 0 : i32
      %dma_wait3A_336 = tpu.memref_slice %arg12[%add3A_46, %dma_wait3A_335] : memref<10112x128xf32, #tpu.memory_space<vmem_shared>> -> memref<128x128xf32, #tpu.memory_space<vmem_shared>>
      %dma_wait3A_337 = arith.constant 0 : i32
      %dma_wait3A_338 = tpu.memref_slice %arg12[%add3A_46, %dma_wait3A_337] : memref<10112x128xf32, #tpu.memory_space<vmem_shared>> -> memref<128x128xf32, #tpu.memory_space<vmem_shared>>
      tpu.wait_dma2 semaphore(%run_scoped3A_330 : memref<!tpu.dma_semaphore, #tpu.memory_space<semaphore_mem>>) src(%arg10 : memref<128x128xf32, #tpu.memory_space<vmem>>) dst(%dma_wait3A_338 : memref<128x128xf32, #tpu.memory_space<vmem_shared>>)
      tpu.yield
    }) : () -> ()
    %mul3A_47 = arith.constant 632 : i32
    %mul3A_48 = arith.muli %arg1, %mul3A_47 : i32
    %add3A_49 = arith.constant 512 : i32
    %add3A_50 = arith.addi %mul3A_48, %add3A_49 : i32
    "tpu.region"() ({
      %run_scoped3A_330 = tpu.sem_alloc : memref<!tpu.dma_semaphore, #tpu.memory_space<semaphore_mem>>
      %dma_start3A_331 = arith.constant 0 : i32
      %dma_start3A_332 = arith.constant 0 : i32
      %dma_start3A_333 = tpu.memref_slice %arg10[%dma_start3A_331, %dma_start3A_332] : memref<128x128xf32, #tpu.memory_space<vmem>> -> memref<120x128xf32, #tpu.memory_space<vmem>>
      %dma_start3A_334 = arith.constant 0 : i32
      %dma_start3A_335 = tpu.memref_slice %arg12[%add3A_50, %dma_start3A_334] : memref<10112x128xf32, #tpu.memory_space<vmem_shared>> -> memref<120x128xf32, #tpu.memory_space<vmem_shared>>
      %dma_start3A_336 = arith.constant 0 : i32
      %dma_start3A_337 = tpu.memref_slice %arg12[%add3A_50, %dma_start3A_336] : memref<10112x128xf32, #tpu.memory_space<vmem_shared>> -> memref<120x128xf32, #tpu.memory_space<vmem_shared>>
      %dma_start3A_338 = arith.constant 0 : i32
      %dma_start3A_339 = arith.constant 0 : i32
      %dma_start3A_340 = tpu.memref_slice %arg10[%dma_start3A_338, %dma_start3A_339] : memref<128x128xf32, #tpu.memory_space<vmem>> -> memref<120x128xf32, #tpu.memory_space<vmem>>
      tpu.enqueue_dma source(%dma_start3A_340 : memref<120x128xf32, #tpu.memory_space<vmem>>) target(%dma_start3A_337 : memref<120x128xf32, #tpu.memory_space<vmem_shared>>) target_semaphore(%run_scoped3A_330 : memref<!tpu.dma_semaphore, #tpu.memory_space<semaphore_mem>>)
      %dma_wait3A_341 = arith.constant 0 : i32
      %dma_wait3A_342 = arith.constant 0 : i32
      %dma_wait3A_343 = tpu.memref_slice %arg10[%dma_wait3A_341, %dma_wait3A_342] : memref<128x128xf32, #tpu.memory_space<vmem>> -> memref<120x128xf32, #tpu.memory_space<vmem>>
      %dma_wait3A_344 = arith.constant 0 : i32
      %dma_wait3A_345 = tpu.memref_slice %arg12[%add3A_50, %dma_wait3A_344] : memref<10112x128xf32, #tpu.memory_space<vmem_shared>> -> memref<120x128xf32, #tpu.memory_space<vmem_shared>>
      %dma_wait3A_346 = arith.constant 0 : i32
      %dma_wait3A_347 = tpu.memref_slice %arg12[%add3A_50, %dma_wait3A_346] : memref<10112x128xf32, #tpu.memory_space<vmem_shared>> -> memref<120x128xf32, #tpu.memory_space<vmem_shared>>
      %dma_wait3A_348 = arith.constant 0 : i32
      %dma_wait3A_349 = arith.constant 0 : i32
      %dma_wait3A_350 = tpu.memref_slice %arg10[%dma_wait3A_348, %dma_wait3A_349] : memref<128x128xf32, #tpu.memory_space<vmem>> -> memref<120x128xf32, #tpu.memory_space<vmem>>
      tpu.wait_dma2 semaphore(%run_scoped3A_330 : memref<!tpu.dma_semaphore, #tpu.memory_space<semaphore_mem>>) src(%dma_wait3A_350 : memref<120x128xf32, #tpu.memory_space<vmem>>) dst(%dma_wait3A_347 : memref<120x128xf32, #tpu.memory_space<vmem_shared>>)
      tpu.yield
    }) : () -> ()
    %add3A_51 = arith.constant 0 : i32
    %add3A_52 = arith.addi %mul3A_2, %add3A_51 : i32
    %dma_wait3A = arith.constant 0 : i32
    %dma_wait3A_53 = tpu.memref_slice %arg3[%add3A_52, %dma_wait3A] : memref<2560x128xi32, #tpu.memory_space<hbm>> -> memref<16x128xi32, #tpu.memory_space<hbm>>
    %dma_wait3A_54 = arith.constant 0 : i32
    %dma_wait3A_55 = tpu.memref_slice %arg3[%add3A_52, %dma_wait3A_54] : memref<2560x128xi32, #tpu.memory_space<hbm>> -> memref<16x128xi32, #tpu.memory_space<hbm>>
    tpu.wait_dma2 semaphore(%arg15 : memref<!tpu.dma_semaphore, #tpu.memory_space<semaphore_mem>>) src(%dma_wait3A_55 : memref<16x128xi32, #tpu.memory_space<hbm>>) dst(%arg6 : memref<16x128xi32, #tpu.memory_space<vmem>>)
    %add3A_56 = arith.constant 0 : i32
    %add3A_57 = arith.addi %mul3A_2, %add3A_56 : i32
    %dma_wait3A_58 = arith.constant 0 : i32
    %dma_wait3A_59 = tpu.memref_slice %arg4[%add3A_57, %dma_wait3A_58] : memref<2560x128xi32, #tpu.memory_space<hbm>> -> memref<16x128xi32, #tpu.memory_space<hbm>>
    %dma_wait3A_60 = arith.constant 0 : i32
    %dma_wait3A_61 = tpu.memref_slice %arg4[%add3A_57, %dma_wait3A_60] : memref<2560x128xi32, #tpu.memory_space<hbm>> -> memref<16x128xi32, #tpu.memory_space<hbm>>
    tpu.wait_dma2 semaphore(%arg17 : memref<!tpu.dma_semaphore, #tpu.memory_space<semaphore_mem>>) src(%dma_wait3A_61 : memref<16x128xi32, #tpu.memory_space<hbm>>) dst(%arg8 : memref<16x128xi32, #tpu.memory_space<vmem>>)
    %dma_start3A_62 = arith.constant 0 : i32
    %dma_start3A_63 = arith.constant 0 : i32
    %dma_start3A_64 = tpu.memref_slice %arg6[%dma_start3A_62, %dma_start3A_63] : memref<16x128xi32, #tpu.memory_space<vmem>> -> memref<1x128xi32, #tpu.memory_space<vmem>>
    %dma_start3A_65 = tpu.memref_squeeze %dma_start3A_64 : memref<1x128xi32, #tpu.memory_space<vmem>> -> memref<128xi32, #tpu.memory_space<vmem>>
    %dma_start3A_66 = arith.constant 0 : i32
    %dma_start3A_67 = arith.constant 0 : i32
    %dma_start3A_68 = tpu.memref_slice %arg2[%dma_start3A_66, %dma_start3A_67] : memref<80000x128xf32, #tpu.memory_space<hbm>> -> memref<80000x128xf32, #tpu.memory_space<hbm>>
    tpu.enqueue_indirect_dma source(%dma_start3A_68 : memref<80000x128xf32, #tpu.memory_space<hbm>>) target(%arg10 : memref<128x128xf32, #tpu.memory_space<vmem>>) offsets(%dma_start3A_65 : memref<128xi32, #tpu.memory_space<vmem>>) semaphore(%arg13 : memref<!tpu.dma_semaphore, #tpu.memory_space<semaphore_mem>>)
    %barrier3A = arith.constant 0 : index
    tpu.barrier barrier_id(%barrier3A)
    %scan3A_69 = arith.constant 0 : i32
    %scan3A_70 = arith.constant 0 : i32
    %scan3A_71 = arith.constant 7 : i32
    %scan3A_72 = arith.addi %scan3A_70, %scan3A_71 : i32
    %scan3A_73 = arith.constant 1 : i32
    scf.for %scan3A_330 = %scan3A_70 to %scan3A_72 step %scan3A_73  : i32 {
      %mul3A_331 = arith.constant 2 : i32
      %mul3A_332 = arith.muli %mul3A_331, %scan3A_330 : i32
      %add3A_333 = arith.constant 1 : i32
      %add3A_334 = arith.addi %mul3A_332, %add3A_333 : i32
      %dma_start3A_335 = arith.constant 0 : i32
      %dma_start3A_336 = tpu.memref_slice %arg6[%add3A_334, %dma_start3A_335] : memref<16x128xi32, #tpu.memory_space<vmem>> -> memref<1x128xi32, #tpu.memory_space<vmem>>
      %dma_start3A_337 = tpu.memref_squeeze %dma_start3A_336 : memref<1x128xi32, #tpu.memory_space<vmem>> -> memref<128xi32, #tpu.memory_space<vmem>>
      %dma_start3A_338 = arith.constant 0 : i32
      %dma_start3A_339 = arith.constant 0 : i32
      %dma_start3A_340 = tpu.memref_slice %arg2[%dma_start3A_338, %dma_start3A_339] : memref<80000x128xf32, #tpu.memory_space<hbm>> -> memref<80000x128xf32, #tpu.memory_space<hbm>>
      tpu.enqueue_indirect_dma source(%dma_start3A_340 : memref<80000x128xf32, #tpu.memory_space<hbm>>) target(%arg11 : memref<128x128xf32, #tpu.memory_space<vmem>>) offsets(%dma_start3A_337 : memref<128xi32, #tpu.memory_space<vmem>>) semaphore(%arg14 : memref<!tpu.dma_semaphore, #tpu.memory_space<semaphore_mem>>)
      %mul3A_341 = arith.constant 2 : i32
      %mul3A_342 = arith.muli %mul3A_341, %scan3A_330 : i32
      %dma_wait3A_343 = arith.constant 0 : i32
      %dma_wait3A_344 = tpu.memref_slice %arg6[%mul3A_342, %dma_wait3A_343] : memref<16x128xi32, #tpu.memory_space<vmem>> -> memref<1x128xi32, #tpu.memory_space<vmem>>
      %dma_wait3A_345 = tpu.memref_squeeze %dma_wait3A_344 : memref<1x128xi32, #tpu.memory_space<vmem>> -> memref<128xi32, #tpu.memory_space<vmem>>
      %dma_wait3A_346 = arith.constant 0 : i32
      %dma_wait3A_347 = arith.constant 0 : i32
      %dma_wait3A_348 = tpu.memref_slice %arg2[%dma_wait3A_346, %dma_wait3A_347] : memref<80000x128xf32, #tpu.memory_space<hbm>> -> memref<80000x128xf32, #tpu.memory_space<hbm>>
      tpu.wait_indirect_dma semaphore(%arg13 : memref<!tpu.dma_semaphore, #tpu.memory_space<semaphore_mem>>) src(%dma_wait3A_348 : memref<80000x128xf32, #tpu.memory_space<hbm>>) dst(%arg10 : memref<128x128xf32, #tpu.memory_space<vmem>>)
      %mul3A_349 = arith.constant 2 : i32
      %mul3A_350 = arith.muli %mul3A_349, %scan3A_330 : i32
      "tpu.region"() ({
        %run_scoped3A_375 = tpu.sem_alloc : memref<!tpu.dma_semaphore, #tpu.memory_space<semaphore_mem>>
        %dma_start3A_376 = arith.constant 0 : i32
        %dma_start3A_377 = tpu.memref_slice %arg8[%mul3A_350, %dma_start3A_376] : memref<16x128xi32, #tpu.memory_space<vmem>> -> memref<1x128xi32, #tpu.memory_space<vmem>>
        %dma_start3A_378 = tpu.memref_squeeze %dma_start3A_377 : memref<1x128xi32, #tpu.memory_space<vmem>> -> memref<128xi32, #tpu.memory_space<vmem>>
        %dma_start3A_379 = arith.constant 0 : i32
        %dma_start3A_380 = arith.constant 0 : i32
        %dma_start3A_381 = tpu.memref_slice %arg12[%dma_start3A_379, %dma_start3A_380] : memref<10112x128xf32, #tpu.memory_space<vmem_shared>> -> memref<10112x128xf32, #tpu.memory_space<vmem_shared>>
        tpu.enqueue_indirect_dma source(%arg10 : memref<128x128xf32, #tpu.memory_space<vmem>>) target(%dma_start3A_381 : memref<10112x128xf32, #tpu.memory_space<vmem_shared>>) offsets(%dma_start3A_378 : memref<128xi32, #tpu.memory_space<vmem>>) semaphore(%run_scoped3A_375 : memref<!tpu.dma_semaphore, #tpu.memory_space<semaphore_mem>>) {add = true}
        %dma_wait3A_382 = arith.constant 0 : i32
        %dma_wait3A_383 = tpu.memref_slice %arg8[%mul3A_350, %dma_wait3A_382] : memref<16x128xi32, #tpu.memory_space<vmem>> -> memref<1x128xi32, #tpu.memory_space<vmem>>
        %dma_wait3A_384 = tpu.memref_squeeze %dma_wait3A_383 : memref<1x128xi32, #tpu.memory_space<vmem>> -> memref<128xi32, #tpu.memory_space<vmem>>
        %dma_wait3A_385 = arith.constant 0 : i32
        %dma_wait3A_386 = arith.constant 0 : i32
        %dma_wait3A_387 = tpu.memref_slice %arg12[%dma_wait3A_385, %dma_wait3A_386] : memref<10112x128xf32, #tpu.memory_space<vmem_shared>> -> memref<10112x128xf32, #tpu.memory_space<vmem_shared>>
        tpu.wait_indirect_dma semaphore(%run_scoped3A_375 : memref<!tpu.dma_semaphore, #tpu.memory_space<semaphore_mem>>) src(%arg10 : memref<128x128xf32, #tpu.memory_space<vmem>>) dst(%dma_wait3A_387 : memref<10112x128xf32, #tpu.memory_space<vmem_shared>>)
        tpu.yield
      }) : () -> ()
      %mul3A_351 = arith.constant 2 : i32
      %mul3A_352 = arith.muli %mul3A_351, %scan3A_330 : i32
      %add3A_353 = arith.constant 2 : i32
      %add3A_354 = arith.addi %mul3A_352, %add3A_353 : i32
      %dma_start3A_355 = arith.constant 0 : i32
      %dma_start3A_356 = tpu.memref_slice %arg6[%add3A_354, %dma_start3A_355] : memref<16x128xi32, #tpu.memory_space<vmem>> -> memref<1x128xi32, #tpu.memory_space<vmem>>
      %dma_start3A_357 = tpu.memref_squeeze %dma_start3A_356 : memref<1x128xi32, #tpu.memory_space<vmem>> -> memref<128xi32, #tpu.memory_space<vmem>>
      %dma_start3A_358 = arith.constant 0 : i32
      %dma_start3A_359 = arith.constant 0 : i32
      %dma_start3A_360 = tpu.memref_slice %arg2[%dma_start3A_358, %dma_start3A_359] : memref<80000x128xf32, #tpu.memory_space<hbm>> -> memref<80000x128xf32, #tpu.memory_space<hbm>>
      tpu.enqueue_indirect_dma source(%dma_start3A_360 : memref<80000x128xf32, #tpu.memory_space<hbm>>) target(%arg10 : memref<128x128xf32, #tpu.memory_space<vmem>>) offsets(%dma_start3A_357 : memref<128xi32, #tpu.memory_space<vmem>>) semaphore(%arg13 : memref<!tpu.dma_semaphore, #tpu.memory_space<semaphore_mem>>)
      %mul3A_361 = arith.constant 2 : i32
      %mul3A_362 = arith.muli %mul3A_361, %scan3A_330 : i32
      %add3A_363 = arith.constant 1 : i32
      %add3A_364 = arith.addi %mul3A_362, %add3A_363 : i32
      %dma_wait3A_365 = arith.constant 0 : i32
      %dma_wait3A_366 = tpu.memref_slice %arg6[%add3A_364, %dma_wait3A_365] : memref<16x128xi32, #tpu.memory_space<vmem>> -> memref<1x128xi32, #tpu.memory_space<vmem>>
      %dma_wait3A_367 = tpu.memref_squeeze %dma_wait3A_366 : memref<1x128xi32, #tpu.memory_space<vmem>> -> memref<128xi32, #tpu.memory_space<vmem>>
      %dma_wait3A_368 = arith.constant 0 : i32
      %dma_wait3A_369 = arith.constant 0 : i32
      %dma_wait3A_370 = tpu.memref_slice %arg2[%dma_wait3A_368, %dma_wait3A_369] : memref<80000x128xf32, #tpu.memory_space<hbm>> -> memref<80000x128xf32, #tpu.memory_space<hbm>>
      tpu.wait_indirect_dma semaphore(%arg14 : memref<!tpu.dma_semaphore, #tpu.memory_space<semaphore_mem>>) src(%dma_wait3A_370 : memref<80000x128xf32, #tpu.memory_space<hbm>>) dst(%arg11 : memref<128x128xf32, #tpu.memory_space<vmem>>)
      %mul3A_371 = arith.constant 2 : i32
      %mul3A_372 = arith.muli %mul3A_371, %scan3A_330 : i32
      %add3A_373 = arith.constant 1 : i32
      %add3A_374 = arith.addi %mul3A_372, %add3A_373 : i32
      "tpu.region"() ({
        %run_scoped3A_375 = tpu.sem_alloc : memref<!tpu.dma_semaphore, #tpu.memory_space<semaphore_mem>>
        %dma_start3A_376 = arith.constant 0 : i32
        %dma_start3A_377 = tpu.memref_slice %arg8[%add3A_374, %dma_start3A_376] : memref<16x128xi32, #tpu.memory_space<vmem>> -> memref<1x128xi32, #tpu.memory_space<vmem>>
        %dma_start3A_378 = tpu.memref_squeeze %dma_start3A_377 : memref<1x128xi32, #tpu.memory_space<vmem>> -> memref<128xi32, #tpu.memory_space<vmem>>
        %dma_start3A_379 = arith.constant 0 : i32
        %dma_start3A_380 = arith.constant 0 : i32
        %dma_start3A_381 = tpu.memref_slice %arg12[%dma_start3A_379, %dma_start3A_380] : memref<10112x128xf32, #tpu.memory_space<vmem_shared>> -> memref<10112x128xf32, #tpu.memory_space<vmem_shared>>
        tpu.enqueue_indirect_dma source(%arg11 : memref<128x128xf32, #tpu.memory_space<vmem>>) target(%dma_start3A_381 : memref<10112x128xf32, #tpu.memory_space<vmem_shared>>) offsets(%dma_start3A_378 : memref<128xi32, #tpu.memory_space<vmem>>) semaphore(%run_scoped3A_375 : memref<!tpu.dma_semaphore, #tpu.memory_space<semaphore_mem>>) {add = true}
        %dma_wait3A_382 = arith.constant 0 : i32
        %dma_wait3A_383 = tpu.memref_slice %arg8[%add3A_374, %dma_wait3A_382] : memref<16x128xi32, #tpu.memory_space<vmem>> -> memref<1x128xi32, #tpu.memory_space<vmem>>
        %dma_wait3A_384 = tpu.memref_squeeze %dma_wait3A_383 : memref<1x128xi32, #tpu.memory_space<vmem>> -> memref<128xi32, #tpu.memory_space<vmem>>
        %dma_wait3A_385 = arith.constant 0 : i32
        %dma_wait3A_386 = arith.constant 0 : i32
        %dma_wait3A_387 = tpu.memref_slice %arg12[%dma_wait3A_385, %dma_wait3A_386] : memref<10112x128xf32, #tpu.memory_space<vmem_shared>> -> memref<10112x128xf32, #tpu.memory_space<vmem_shared>>
        tpu.wait_indirect_dma semaphore(%run_scoped3A_375 : memref<!tpu.dma_semaphore, #tpu.memory_space<semaphore_mem>>) src(%arg11 : memref<128x128xf32, #tpu.memory_space<vmem>>) dst(%dma_wait3A_387 : memref<10112x128xf32, #tpu.memory_space<vmem_shared>>)
        tpu.yield
      }) : () -> ()
    }
    %scan3A_74 = arith.constant 7 : i32
    %dma_start3A_75 = arith.constant 15 : i32
    %dma_start3A_76 = arith.constant 0 : i32
    %dma_start3A_77 = tpu.memref_slice %arg6[%dma_start3A_75, %dma_start3A_76] : memref<16x128xi32, #tpu.memory_space<vmem>> -> memref<1x128xi32, #tpu.memory_space<vmem>>
    %dma_start3A_78 = tpu.memref_squeeze %dma_start3A_77 : memref<1x128xi32, #tpu.memory_space<vmem>> -> memref<128xi32, #tpu.memory_space<vmem>>
    %dma_start3A_79 = arith.constant 0 : i32
    %dma_start3A_80 = arith.constant 0 : i32
    %dma_start3A_81 = tpu.memref_slice %arg2[%dma_start3A_79, %dma_start3A_80] : memref<80000x128xf32, #tpu.memory_space<hbm>> -> memref<80000x128xf32, #tpu.memory_space<hbm>>
    tpu.enqueue_indirect_dma source(%dma_start3A_81 : memref<80000x128xf32, #tpu.memory_space<hbm>>) target(%arg11 : memref<128x128xf32, #tpu.memory_space<vmem>>) offsets(%dma_start3A_78 : memref<128xi32, #tpu.memory_space<vmem>>) semaphore(%arg14 : memref<!tpu.dma_semaphore, #tpu.memory_space<semaphore_mem>>)
    %dma_wait3A_82 = arith.constant 14 : i32
    %dma_wait3A_83 = arith.constant 0 : i32
    %dma_wait3A_84 = tpu.memref_slice %arg6[%dma_wait3A_82, %dma_wait3A_83] : memref<16x128xi32, #tpu.memory_space<vmem>> -> memref<1x128xi32, #tpu.memory_space<vmem>>
    %dma_wait3A_85 = tpu.memref_squeeze %dma_wait3A_84 : memref<1x128xi32, #tpu.memory_space<vmem>> -> memref<128xi32, #tpu.memory_space<vmem>>
    %dma_wait3A_86 = arith.constant 0 : i32
    %dma_wait3A_87 = arith.constant 0 : i32
    %dma_wait3A_88 = tpu.memref_slice %arg2[%dma_wait3A_86, %dma_wait3A_87] : memref<80000x128xf32, #tpu.memory_space<hbm>> -> memref<80000x128xf32, #tpu.memory_space<hbm>>
    tpu.wait_indirect_dma semaphore(%arg13 : memref<!tpu.dma_semaphore, #tpu.memory_space<semaphore_mem>>) src(%dma_wait3A_88 : memref<80000x128xf32, #tpu.memory_space<hbm>>) dst(%arg10 : memref<128x128xf32, #tpu.memory_space<vmem>>)
    %run_scoped3A = arith.constant 14 : i32
    "tpu.region"() ({
      %run_scoped3A_330 = tpu.sem_alloc : memref<!tpu.dma_semaphore, #tpu.memory_space<semaphore_mem>>
      %dma_start3A_331 = arith.constant 0 : i32
      %dma_start3A_332 = tpu.memref_slice %arg8[%run_scoped3A, %dma_start3A_331] : memref<16x128xi32, #tpu.memory_space<vmem>> -> memref<1x128xi32, #tpu.memory_space<vmem>>
      %dma_start3A_333 = tpu.memref_squeeze %dma_start3A_332 : memref<1x128xi32, #tpu.memory_space<vmem>> -> memref<128xi32, #tpu.memory_space<vmem>>
      %dma_start3A_334 = arith.constant 0 : i32
      %dma_start3A_335 = arith.constant 0 : i32
      %dma_start3A_336 = tpu.memref_slice %arg12[%dma_start3A_334, %dma_start3A_335] : memref<10112x128xf32, #tpu.memory_space<vmem_shared>> -> memref<10112x128xf32, #tpu.memory_space<vmem_shared>>
      tpu.enqueue_indirect_dma source(%arg10 : memref<128x128xf32, #tpu.memory_space<vmem>>) target(%dma_start3A_336 : memref<10112x128xf32, #tpu.memory_space<vmem_shared>>) offsets(%dma_start3A_333 : memref<128xi32, #tpu.memory_space<vmem>>) semaphore(%run_scoped3A_330 : memref<!tpu.dma_semaphore, #tpu.memory_space<semaphore_mem>>) {add = true}
      %dma_wait3A_337 = arith.constant 0 : i32
      %dma_wait3A_338 = tpu.memref_slice %arg8[%run_scoped3A, %dma_wait3A_337] : memref<16x128xi32, #tpu.memory_space<vmem>> -> memref<1x128xi32, #tpu.memory_space<vmem>>
      %dma_wait3A_339 = tpu.memref_squeeze %dma_wait3A_338 : memref<1x128xi32, #tpu.memory_space<vmem>> -> memref<128xi32, #tpu.memory_space<vmem>>
      %dma_wait3A_340 = arith.constant 0 : i32
      %dma_wait3A_341 = arith.constant 0 : i32
      %dma_wait3A_342 = tpu.memref_slice %arg12[%dma_wait3A_340, %dma_wait3A_341] : memref<10112x128xf32, #tpu.memory_space<vmem_shared>> -> memref<10112x128xf32, #tpu.memory_space<vmem_shared>>
      tpu.wait_indirect_dma semaphore(%run_scoped3A_330 : memref<!tpu.dma_semaphore, #tpu.memory_space<semaphore_mem>>) src(%arg10 : memref<128x128xf32, #tpu.memory_space<vmem>>) dst(%dma_wait3A_342 : memref<10112x128xf32, #tpu.memory_space<vmem_shared>>)
      tpu.yield
    }) : () -> ()
    %add3A_89 = arith.constant 16 : i32
    %add3A_90 = arith.addi %mul3A_2, %add3A_89 : i32
    %dma_wait3A_91 = arith.constant 0 : i32
    %dma_wait3A_92 = tpu.memref_slice %arg3[%add3A_90, %dma_wait3A_91] : memref<2560x128xi32, #tpu.memory_space<hbm>> -> memref<16x128xi32, #tpu.memory_space<hbm>>
    %dma_wait3A_93 = arith.constant 0 : i32
    %dma_wait3A_94 = tpu.memref_slice %arg3[%add3A_90, %dma_wait3A_93] : memref<2560x128xi32, #tpu.memory_space<hbm>> -> memref<16x128xi32, #tpu.memory_space<hbm>>
    tpu.wait_dma2 semaphore(%arg16 : memref<!tpu.dma_semaphore, #tpu.memory_space<semaphore_mem>>) src(%dma_wait3A_94 : memref<16x128xi32, #tpu.memory_space<hbm>>) dst(%arg7 : memref<16x128xi32, #tpu.memory_space<vmem>>)
    %add3A_95 = arith.constant 16 : i32
    %add3A_96 = arith.addi %mul3A_2, %add3A_95 : i32
    %dma_wait3A_97 = arith.constant 0 : i32
    %dma_wait3A_98 = tpu.memref_slice %arg4[%add3A_96, %dma_wait3A_97] : memref<2560x128xi32, #tpu.memory_space<hbm>> -> memref<16x128xi32, #tpu.memory_space<hbm>>
    %dma_wait3A_99 = arith.constant 0 : i32
    %dma_wait3A_100 = tpu.memref_slice %arg4[%add3A_96, %dma_wait3A_99] : memref<2560x128xi32, #tpu.memory_space<hbm>> -> memref<16x128xi32, #tpu.memory_space<hbm>>
    tpu.wait_dma2 semaphore(%arg18 : memref<!tpu.dma_semaphore, #tpu.memory_space<semaphore_mem>>) src(%dma_wait3A_100 : memref<16x128xi32, #tpu.memory_space<hbm>>) dst(%arg9 : memref<16x128xi32, #tpu.memory_space<vmem>>)
    %dma_start3A_101 = arith.constant 0 : i32
    %dma_start3A_102 = arith.constant 0 : i32
    %dma_start3A_103 = tpu.memref_slice %arg7[%dma_start3A_101, %dma_start3A_102] : memref<16x128xi32, #tpu.memory_space<vmem>> -> memref<1x128xi32, #tpu.memory_space<vmem>>
    %dma_start3A_104 = tpu.memref_squeeze %dma_start3A_103 : memref<1x128xi32, #tpu.memory_space<vmem>> -> memref<128xi32, #tpu.memory_space<vmem>>
    %dma_start3A_105 = arith.constant 0 : i32
    %dma_start3A_106 = arith.constant 0 : i32
    %dma_start3A_107 = tpu.memref_slice %arg2[%dma_start3A_105, %dma_start3A_106] : memref<80000x128xf32, #tpu.memory_space<hbm>> -> memref<80000x128xf32, #tpu.memory_space<hbm>>
    tpu.enqueue_indirect_dma source(%dma_start3A_107 : memref<80000x128xf32, #tpu.memory_space<hbm>>) target(%arg10 : memref<128x128xf32, #tpu.memory_space<vmem>>) offsets(%dma_start3A_104 : memref<128xi32, #tpu.memory_space<vmem>>) semaphore(%arg13 : memref<!tpu.dma_semaphore, #tpu.memory_space<semaphore_mem>>)
    %dma_wait3A_108 = arith.constant 15 : i32
    %dma_wait3A_109 = arith.constant 0 : i32
    %dma_wait3A_110 = tpu.memref_slice %arg6[%dma_wait3A_108, %dma_wait3A_109] : memref<16x128xi32, #tpu.memory_space<vmem>> -> memref<1x128xi32, #tpu.memory_space<vmem>>
    %dma_wait3A_111 = tpu.memref_squeeze %dma_wait3A_110 : memref<1x128xi32, #tpu.memory_space<vmem>> -> memref<128xi32, #tpu.memory_space<vmem>>
    %dma_wait3A_112 = arith.constant 0 : i32
    %dma_wait3A_113 = arith.constant 0 : i32
    %dma_wait3A_114 = tpu.memref_slice %arg2[%dma_wait3A_112, %dma_wait3A_113] : memref<80000x128xf32, #tpu.memory_space<hbm>> -> memref<80000x128xf32, #tpu.memory_space<hbm>>
    tpu.wait_indirect_dma semaphore(%arg14 : memref<!tpu.dma_semaphore, #tpu.memory_space<semaphore_mem>>) src(%dma_wait3A_114 : memref<80000x128xf32, #tpu.memory_space<hbm>>) dst(%arg11 : memref<128x128xf32, #tpu.memory_space<vmem>>)
    %run_scoped3A_115 = arith.constant 15 : i32
    "tpu.region"() ({
      %run_scoped3A_330 = tpu.sem_alloc : memref<!tpu.dma_semaphore, #tpu.memory_space<semaphore_mem>>
      %dma_start3A_331 = arith.constant 0 : i32
      %dma_start3A_332 = tpu.memref_slice %arg8[%run_scoped3A_115, %dma_start3A_331] : memref<16x128xi32, #tpu.memory_space<vmem>> -> memref<1x128xi32, #tpu.memory_space<vmem>>
      %dma_start3A_333 = tpu.memref_squeeze %dma_start3A_332 : memref<1x128xi32, #tpu.memory_space<vmem>> -> memref<128xi32, #tpu.memory_space<vmem>>
      %dma_start3A_334 = arith.constant 0 : i32
      %dma_start3A_335 = arith.constant 0 : i32
      %dma_start3A_336 = tpu.memref_slice %arg12[%dma_start3A_334, %dma_start3A_335] : memref<10112x128xf32, #tpu.memory_space<vmem_shared>> -> memref<10112x128xf32, #tpu.memory_space<vmem_shared>>
      tpu.enqueue_indirect_dma source(%arg11 : memref<128x128xf32, #tpu.memory_space<vmem>>) target(%dma_start3A_336 : memref<10112x128xf32, #tpu.memory_space<vmem_shared>>) offsets(%dma_start3A_333 : memref<128xi32, #tpu.memory_space<vmem>>) semaphore(%run_scoped3A_330 : memref<!tpu.dma_semaphore, #tpu.memory_space<semaphore_mem>>) {add = true}
      %dma_wait3A_337 = arith.constant 0 : i32
      %dma_wait3A_338 = tpu.memref_slice %arg8[%run_scoped3A_115, %dma_wait3A_337] : memref<16x128xi32, #tpu.memory_space<vmem>> -> memref<1x128xi32, #tpu.memory_space<vmem>>
      %dma_wait3A_339 = tpu.memref_squeeze %dma_wait3A_338 : memref<1x128xi32, #tpu.memory_space<vmem>> -> memref<128xi32, #tpu.memory_space<vmem>>
      %dma_wait3A_340 = arith.constant 0 : i32
      %dma_wait3A_341 = arith.constant 0 : i32
      %dma_wait3A_342 = tpu.memref_slice %arg12[%dma_wait3A_340, %dma_wait3A_341] : memref<10112x128xf32, #tpu.memory_space<vmem_shared>> -> memref<10112x128xf32, #tpu.memory_space<vmem_shared>>
      tpu.wait_indirect_dma semaphore(%run_scoped3A_330 : memref<!tpu.dma_semaphore, #tpu.memory_space<semaphore_mem>>) src(%arg11 : memref<128x128xf32, #tpu.memory_space<vmem>>) dst(%dma_wait3A_342 : memref<10112x128xf32, #tpu.memory_space<vmem_shared>>)
      tpu.yield
    }) : () -> ()
    %add3A_116 = arith.constant 32 : i32
    %add3A_117 = arith.addi %mul3A_2, %add3A_116 : i32
    %dma_start3A_118 = arith.constant 0 : i32
    %dma_start3A_119 = tpu.memref_slice %arg3[%add3A_117, %dma_start3A_118] : memref<2560x128xi32, #tpu.memory_space<hbm>> -> memref<16x128xi32, #tpu.memory_space<hbm>>
    %dma_start3A_120 = arith.constant 0 : i32
    %dma_start3A_121 = tpu.memref_slice %arg3[%add3A_117, %dma_start3A_120] : memref<2560x128xi32, #tpu.memory_space<hbm>> -> memref<16x128xi32, #tpu.memory_space<hbm>>
    tpu.enqueue_dma source(%dma_start3A_121 : memref<16x128xi32, #tpu.memory_space<hbm>>) target(%arg6 : memref<16x128xi32, #tpu.memory_space<vmem>>) target_semaphore(%arg15 : memref<!tpu.dma_semaphore, #tpu.memory_space<semaphore_mem>>)
    %add3A_122 = arith.constant 32 : i32
    %add3A_123 = arith.addi %mul3A_2, %add3A_122 : i32
    %dma_start3A_124 = arith.constant 0 : i32
    %dma_start3A_125 = tpu.memref_slice %arg4[%add3A_123, %dma_start3A_124] : memref<2560x128xi32, #tpu.memory_space<hbm>> -> memref<16x128xi32, #tpu.memory_space<hbm>>
    %dma_start3A_126 = arith.constant 0 : i32
    %dma_start3A_127 = tpu.memref_slice %arg4[%add3A_123, %dma_start3A_126] : memref<2560x128xi32, #tpu.memory_space<hbm>> -> memref<16x128xi32, #tpu.memory_space<hbm>>
    tpu.enqueue_dma source(%dma_start3A_127 : memref<16x128xi32, #tpu.memory_space<hbm>>) target(%arg8 : memref<16x128xi32, #tpu.memory_space<vmem>>) target_semaphore(%arg17 : memref<!tpu.dma_semaphore, #tpu.memory_space<semaphore_mem>>)
    %scan3A_128 = arith.constant 0 : i32
    %scan3A_129 = arith.constant 0 : i32
    %scan3A_130 = arith.constant 7 : i32
    %scan3A_131 = arith.addi %scan3A_129, %scan3A_130 : i32
    %scan3A_132 = arith.constant 1 : i32
    scf.for %scan3A_330 = %scan3A_129 to %scan3A_131 step %scan3A_132  : i32 {
      %mul3A_331 = arith.constant 2 : i32
      %mul3A_332 = arith.muli %mul3A_331, %scan3A_330 : i32
      %add3A_333 = arith.constant 1 : i32
      %add3A_334 = arith.addi %mul3A_332, %add3A_333 : i32
      %dma_start3A_335 = arith.constant 0 : i32
      %dma_start3A_336 = tpu.memref_slice %arg7[%add3A_334, %dma_start3A_335] : memref<16x128xi32, #tpu.memory_space<vmem>> -> memref<1x128xi32, #tpu.memory_space<vmem>>
      %dma_start3A_337 = tpu.memref_squeeze %dma_start3A_336 : memref<1x128xi32, #tpu.memory_space<vmem>> -> memref<128xi32, #tpu.memory_space<vmem>>
      %dma_start3A_338 = arith.constant 0 : i32
      %dma_start3A_339 = arith.constant 0 : i32
      %dma_start3A_340 = tpu.memref_slice %arg2[%dma_start3A_338, %dma_start3A_339] : memref<80000x128xf32, #tpu.memory_space<hbm>> -> memref<80000x128xf32, #tpu.memory_space<hbm>>
      tpu.enqueue_indirect_dma source(%dma_start3A_340 : memref<80000x128xf32, #tpu.memory_space<hbm>>) target(%arg11 : memref<128x128xf32, #tpu.memory_space<vmem>>) offsets(%dma_start3A_337 : memref<128xi32, #tpu.memory_space<vmem>>) semaphore(%arg14 : memref<!tpu.dma_semaphore, #tpu.memory_space<semaphore_mem>>)
      %mul3A_341 = arith.constant 2 : i32
      %mul3A_342 = arith.muli %mul3A_341, %scan3A_330 : i32
      %dma_wait3A_343 = arith.constant 0 : i32
      %dma_wait3A_344 = tpu.memref_slice %arg7[%mul3A_342, %dma_wait3A_343] : memref<16x128xi32, #tpu.memory_space<vmem>> -> memref<1x128xi32, #tpu.memory_space<vmem>>
      %dma_wait3A_345 = tpu.memref_squeeze %dma_wait3A_344 : memref<1x128xi32, #tpu.memory_space<vmem>> -> memref<128xi32, #tpu.memory_space<vmem>>
      %dma_wait3A_346 = arith.constant 0 : i32
      %dma_wait3A_347 = arith.constant 0 : i32
      %dma_wait3A_348 = tpu.memref_slice %arg2[%dma_wait3A_346, %dma_wait3A_347] : memref<80000x128xf32, #tpu.memory_space<hbm>> -> memref<80000x128xf32, #tpu.memory_space<hbm>>
      tpu.wait_indirect_dma semaphore(%arg13 : memref<!tpu.dma_semaphore, #tpu.memory_space<semaphore_mem>>) src(%dma_wait3A_348 : memref<80000x128xf32, #tpu.memory_space<hbm>>) dst(%arg10 : memref<128x128xf32, #tpu.memory_space<vmem>>)
      %mul3A_349 = arith.constant 2 : i32
      %mul3A_350 = arith.muli %mul3A_349, %scan3A_330 : i32
      "tpu.region"() ({
        %run_scoped3A_375 = tpu.sem_alloc : memref<!tpu.dma_semaphore, #tpu.memory_space<semaphore_mem>>
        %dma_start3A_376 = arith.constant 0 : i32
        %dma_start3A_377 = tpu.memref_slice %arg9[%mul3A_350, %dma_start3A_376] : memref<16x128xi32, #tpu.memory_space<vmem>> -> memref<1x128xi32, #tpu.memory_space<vmem>>
        %dma_start3A_378 = tpu.memref_squeeze %dma_start3A_377 : memref<1x128xi32, #tpu.memory_space<vmem>> -> memref<128xi32, #tpu.memory_space<vmem>>
        %dma_start3A_379 = arith.constant 0 : i32
        %dma_start3A_380 = arith.constant 0 : i32
        %dma_start3A_381 = tpu.memref_slice %arg12[%dma_start3A_379, %dma_start3A_380] : memref<10112x128xf32, #tpu.memory_space<vmem_shared>> -> memref<10112x128xf32, #tpu.memory_space<vmem_shared>>
        tpu.enqueue_indirect_dma source(%arg10 : memref<128x128xf32, #tpu.memory_space<vmem>>) target(%dma_start3A_381 : memref<10112x128xf32, #tpu.memory_space<vmem_shared>>) offsets(%dma_start3A_378 : memref<128xi32, #tpu.memory_space<vmem>>) semaphore(%run_scoped3A_375 : memref<!tpu.dma_semaphore, #tpu.memory_space<semaphore_mem>>) {add = true}
        %dma_wait3A_382 = arith.constant 0 : i32
        %dma_wait3A_383 = tpu.memref_slice %arg9[%mul3A_350, %dma_wait3A_382] : memref<16x128xi32, #tpu.memory_space<vmem>> -> memref<1x128xi32, #tpu.memory_space<vmem>>
        %dma_wait3A_384 = tpu.memref_squeeze %dma_wait3A_383 : memref<1x128xi32, #tpu.memory_space<vmem>> -> memref<128xi32, #tpu.memory_space<vmem>>
        %dma_wait3A_385 = arith.constant 0 : i32
        %dma_wait3A_386 = arith.constant 0 : i32
        %dma_wait3A_387 = tpu.memref_slice %arg12[%dma_wait3A_385, %dma_wait3A_386] : memref<10112x128xf32, #tpu.memory_space<vmem_shared>> -> memref<10112x128xf32, #tpu.memory_space<vmem_shared>>
        tpu.wait_indirect_dma semaphore(%run_scoped3A_375 : memref<!tpu.dma_semaphore, #tpu.memory_space<semaphore_mem>>) src(%arg10 : memref<128x128xf32, #tpu.memory_space<vmem>>) dst(%dma_wait3A_387 : memref<10112x128xf32, #tpu.memory_space<vmem_shared>>)
        tpu.yield
      }) : () -> ()
      %mul3A_351 = arith.constant 2 : i32
      %mul3A_352 = arith.muli %mul3A_351, %scan3A_330 : i32
      %add3A_353 = arith.constant 2 : i32
      %add3A_354 = arith.addi %mul3A_352, %add3A_353 : i32
      %dma_start3A_355 = arith.constant 0 : i32
      %dma_start3A_356 = tpu.memref_slice %arg7[%add3A_354, %dma_start3A_355] : memref<16x128xi32, #tpu.memory_space<vmem>> -> memref<1x128xi32, #tpu.memory_space<vmem>>
      %dma_start3A_357 = tpu.memref_squeeze %dma_start3A_356 : memref<1x128xi32, #tpu.memory_space<vmem>> -> memref<128xi32, #tpu.memory_space<vmem>>
      %dma_start3A_358 = arith.constant 0 : i32
      %dma_start3A_359 = arith.constant 0 : i32
      %dma_start3A_360 = tpu.memref_slice %arg2[%dma_start3A_358, %dma_start3A_359] : memref<80000x128xf32, #tpu.memory_space<hbm>> -> memref<80000x128xf32, #tpu.memory_space<hbm>>
      tpu.enqueue_indirect_dma source(%dma_start3A_360 : memref<80000x128xf32, #tpu.memory_space<hbm>>) target(%arg10 : memref<128x128xf32, #tpu.memory_space<vmem>>) offsets(%dma_start3A_357 : memref<128xi32, #tpu.memory_space<vmem>>) semaphore(%arg13 : memref<!tpu.dma_semaphore, #tpu.memory_space<semaphore_mem>>)
      %mul3A_361 = arith.constant 2 : i32
      %mul3A_362 = arith.muli %mul3A_361, %scan3A_330 : i32
      %add3A_363 = arith.constant 1 : i32
      %add3A_364 = arith.addi %mul3A_362, %add3A_363 : i32
      %dma_wait3A_365 = arith.constant 0 : i32
      %dma_wait3A_366 = tpu.memref_slice %arg7[%add3A_364, %dma_wait3A_365] : memref<16x128xi32, #tpu.memory_space<vmem>> -> memref<1x128xi32, #tpu.memory_space<vmem>>
      %dma_wait3A_367 = tpu.memref_squeeze %dma_wait3A_366 : memref<1x128xi32, #tpu.memory_space<vmem>> -> memref<128xi32, #tpu.memory_space<vmem>>
      %dma_wait3A_368 = arith.constant 0 : i32
      %dma_wait3A_369 = arith.constant 0 : i32
      %dma_wait3A_370 = tpu.memref_slice %arg2[%dma_wait3A_368, %dma_wait3A_369] : memref<80000x128xf32, #tpu.memory_space<hbm>> -> memref<80000x128xf32, #tpu.memory_space<hbm>>
      tpu.wait_indirect_dma semaphore(%arg14 : memref<!tpu.dma_semaphore, #tpu.memory_space<semaphore_mem>>) src(%dma_wait3A_370 : memref<80000x128xf32, #tpu.memory_space<hbm>>) dst(%arg11 : memref<128x128xf32, #tpu.memory_space<vmem>>)
      %mul3A_371 = arith.constant 2 : i32
      %mul3A_372 = arith.muli %mul3A_371, %scan3A_330 : i32
      %add3A_373 = arith.constant 1 : i32
      %add3A_374 = arith.addi %mul3A_372, %add3A_373 : i32
      "tpu.region"() ({
        %run_scoped3A_375 = tpu.sem_alloc : memref<!tpu.dma_semaphore, #tpu.memory_space<semaphore_mem>>
        %dma_start3A_376 = arith.constant 0 : i32
        %dma_start3A_377 = tpu.memref_slice %arg9[%add3A_374, %dma_start3A_376] : memref<16x128xi32, #tpu.memory_space<vmem>> -> memref<1x128xi32, #tpu.memory_space<vmem>>
        %dma_start3A_378 = tpu.memref_squeeze %dma_start3A_377 : memref<1x128xi32, #tpu.memory_space<vmem>> -> memref<128xi32, #tpu.memory_space<vmem>>
        %dma_start3A_379 = arith.constant 0 : i32
        %dma_start3A_380 = arith.constant 0 : i32
        %dma_start3A_381 = tpu.memref_slice %arg12[%dma_start3A_379, %dma_start3A_380] : memref<10112x128xf32, #tpu.memory_space<vmem_shared>> -> memref<10112x128xf32, #tpu.memory_space<vmem_shared>>
        tpu.enqueue_indirect_dma source(%arg11 : memref<128x128xf32, #tpu.memory_space<vmem>>) target(%dma_start3A_381 : memref<10112x128xf32, #tpu.memory_space<vmem_shared>>) offsets(%dma_start3A_378 : memref<128xi32, #tpu.memory_space<vmem>>) semaphore(%run_scoped3A_375 : memref<!tpu.dma_semaphore, #tpu.memory_space<semaphore_mem>>) {add = true}
        %dma_wait3A_382 = arith.constant 0 : i32
        %dma_wait3A_383 = tpu.memref_slice %arg9[%add3A_374, %dma_wait3A_382] : memref<16x128xi32, #tpu.memory_space<vmem>> -> memref<1x128xi32, #tpu.memory_space<vmem>>
        %dma_wait3A_384 = tpu.memref_squeeze %dma_wait3A_383 : memref<1x128xi32, #tpu.memory_space<vmem>> -> memref<128xi32, #tpu.memory_space<vmem>>
        %dma_wait3A_385 = arith.constant 0 : i32
        %dma_wait3A_386 = arith.constant 0 : i32
        %dma_wait3A_387 = tpu.memref_slice %arg12[%dma_wait3A_385, %dma_wait3A_386] : memref<10112x128xf32, #tpu.memory_space<vmem_shared>> -> memref<10112x128xf32, #tpu.memory_space<vmem_shared>>
        tpu.wait_indirect_dma semaphore(%run_scoped3A_375 : memref<!tpu.dma_semaphore, #tpu.memory_space<semaphore_mem>>) src(%arg11 : memref<128x128xf32, #tpu.memory_space<vmem>>) dst(%dma_wait3A_387 : memref<10112x128xf32, #tpu.memory_space<vmem_shared>>)
        tpu.yield
      }) : () -> ()
    }
    %scan3A_133 = arith.constant 7 : i32
    %dma_start3A_134 = arith.constant 15 : i32
    %dma_start3A_135 = arith.constant 0 : i32
    %dma_start3A_136 = tpu.memref_slice %arg7[%dma_start3A_134, %dma_start3A_135] : memref<16x128xi32, #tpu.memory_space<vmem>> -> memref<1x128xi32, #tpu.memory_space<vmem>>
    %dma_start3A_137 = tpu.memref_squeeze %dma_start3A_136 : memref<1x128xi32, #tpu.memory_space<vmem>> -> memref<128xi32, #tpu.memory_space<vmem>>
    %dma_start3A_138 = arith.constant 0 : i32
    %dma_start3A_139 = arith.constant 0 : i32
    %dma_start3A_140 = tpu.memref_slice %arg2[%dma_start3A_138, %dma_start3A_139] : memref<80000x128xf32, #tpu.memory_space<hbm>> -> memref<80000x128xf32, #tpu.memory_space<hbm>>
    tpu.enqueue_indirect_dma source(%dma_start3A_140 : memref<80000x128xf32, #tpu.memory_space<hbm>>) target(%arg11 : memref<128x128xf32, #tpu.memory_space<vmem>>) offsets(%dma_start3A_137 : memref<128xi32, #tpu.memory_space<vmem>>) semaphore(%arg14 : memref<!tpu.dma_semaphore, #tpu.memory_space<semaphore_mem>>)
    %dma_wait3A_141 = arith.constant 14 : i32
    %dma_wait3A_142 = arith.constant 0 : i32
    %dma_wait3A_143 = tpu.memref_slice %arg7[%dma_wait3A_141, %dma_wait3A_142] : memref<16x128xi32, #tpu.memory_space<vmem>> -> memref<1x128xi32, #tpu.memory_space<vmem>>
    %dma_wait3A_144 = tpu.memref_squeeze %dma_wait3A_143 : memref<1x128xi32, #tpu.memory_space<vmem>> -> memref<128xi32, #tpu.memory_space<vmem>>
    %dma_wait3A_145 = arith.constant 0 : i32
    %dma_wait3A_146 = arith.constant 0 : i32
    %dma_wait3A_147 = tpu.memref_slice %arg2[%dma_wait3A_145, %dma_wait3A_146] : memref<80000x128xf32, #tpu.memory_space<hbm>> -> memref<80000x128xf32, #tpu.memory_space<hbm>>
    tpu.wait_indirect_dma semaphore(%arg13 : memref<!tpu.dma_semaphore, #tpu.memory_space<semaphore_mem>>) src(%dma_wait3A_147 : memref<80000x128xf32, #tpu.memory_space<hbm>>) dst(%arg10 : memref<128x128xf32, #tpu.memory_space<vmem>>)
    %run_scoped3A_148 = arith.constant 14 : i32
    "tpu.region"() ({
      %run_scoped3A_330 = tpu.sem_alloc : memref<!tpu.dma_semaphore, #tpu.memory_space<semaphore_mem>>
      %dma_start3A_331 = arith.constant 0 : i32
      %dma_start3A_332 = tpu.memref_slice %arg9[%run_scoped3A_148, %dma_start3A_331] : memref<16x128xi32, #tpu.memory_space<vmem>> -> memref<1x128xi32, #tpu.memory_space<vmem>>
      %dma_start3A_333 = tpu.memref_squeeze %dma_start3A_332 : memref<1x128xi32, #tpu.memory_space<vmem>> -> memref<128xi32, #tpu.memory_space<vmem>>
      %dma_start3A_334 = arith.constant 0 : i32
      %dma_start3A_335 = arith.constant 0 : i32
      %dma_start3A_336 = tpu.memref_slice %arg12[%dma_start3A_334, %dma_start3A_335] : memref<10112x128xf32, #tpu.memory_space<vmem_shared>> -> memref<10112x128xf32, #tpu.memory_space<vmem_shared>>
      tpu.enqueue_indirect_dma source(%arg10 : memref<128x128xf32, #tpu.memory_space<vmem>>) target(%dma_start3A_336 : memref<10112x128xf32, #tpu.memory_space<vmem_shared>>) offsets(%dma_start3A_333 : memref<128xi32, #tpu.memory_space<vmem>>) semaphore(%run_scoped3A_330 : memref<!tpu.dma_semaphore, #tpu.memory_space<semaphore_mem>>) {add = true}
      %dma_wait3A_337 = arith.constant 0 : i32
      %dma_wait3A_338 = tpu.memref_slice %arg9[%run_scoped3A_148, %dma_wait3A_337] : memref<16x128xi32, #tpu.memory_space<vmem>> -> memref<1x128xi32, #tpu.memory_space<vmem>>
      %dma_wait3A_339 = tpu.memref_squeeze %dma_wait3A_338 : memref<1x128xi32, #tpu.memory_space<vmem>> -> memref<128xi32, #tpu.memory_space<vmem>>
      %dma_wait3A_340 = arith.constant 0 : i32
      %dma_wait3A_341 = arith.constant 0 : i32
      %dma_wait3A_342 = tpu.memref_slice %arg12[%dma_wait3A_340, %dma_wait3A_341] : memref<10112x128xf32, #tpu.memory_space<vmem_shared>> -> memref<10112x128xf32, #tpu.memory_space<vmem_shared>>
      tpu.wait_indirect_dma semaphore(%run_scoped3A_330 : memref<!tpu.dma_semaphore, #tpu.memory_space<semaphore_mem>>) src(%arg10 : memref<128x128xf32, #tpu.memory_space<vmem>>) dst(%dma_wait3A_342 : memref<10112x128xf32, #tpu.memory_space<vmem_shared>>)
      tpu.yield
    }) : () -> ()
    %add3A_149 = arith.constant 32 : i32
    %add3A_150 = arith.addi %mul3A_2, %add3A_149 : i32
    %dma_wait3A_151 = arith.constant 0 : i32
    %dma_wait3A_152 = tpu.memref_slice %arg3[%add3A_150, %dma_wait3A_151] : memref<2560x128xi32, #tpu.memory_space<hbm>> -> memref<16x128xi32, #tpu.memory_space<hbm>>
    %dma_wait3A_153 = arith.constant 0 : i32
    %dma_wait3A_154 = tpu.memref_slice %arg3[%add3A_150, %dma_wait3A_153] : memref<2560x128xi32, #tpu.memory_space<hbm>> -> memref<16x128xi32, #tpu.memory_space<hbm>>
    tpu.wait_dma2 semaphore(%arg15 : memref<!tpu.dma_semaphore, #tpu.memory_space<semaphore_mem>>) src(%dma_wait3A_154 : memref<16x128xi32, #tpu.memory_space<hbm>>) dst(%arg6 : memref<16x128xi32, #tpu.memory_space<vmem>>)
    %add3A_155 = arith.constant 32 : i32
    %add3A_156 = arith.addi %mul3A_2, %add3A_155 : i32
    %dma_wait3A_157 = arith.constant 0 : i32
    %dma_wait3A_158 = tpu.memref_slice %arg4[%add3A_156, %dma_wait3A_157] : memref<2560x128xi32, #tpu.memory_space<hbm>> -> memref<16x128xi32, #tpu.memory_space<hbm>>
    %dma_wait3A_159 = arith.constant 0 : i32
    %dma_wait3A_160 = tpu.memref_slice %arg4[%add3A_156, %dma_wait3A_159] : memref<2560x128xi32, #tpu.memory_space<hbm>> -> memref<16x128xi32, #tpu.memory_space<hbm>>
    tpu.wait_dma2 semaphore(%arg17 : memref<!tpu.dma_semaphore, #tpu.memory_space<semaphore_mem>>) src(%dma_wait3A_160 : memref<16x128xi32, #tpu.memory_space<hbm>>) dst(%arg8 : memref<16x128xi32, #tpu.memory_space<vmem>>)
    %dma_start3A_161 = arith.constant 0 : i32
    %dma_start3A_162 = arith.constant 0 : i32
    %dma_start3A_163 = tpu.memref_slice %arg6[%dma_start3A_161, %dma_start3A_162] : memref<16x128xi32, #tpu.memory_space<vmem>> -> memref<1x128xi32, #tpu.memory_space<vmem>>
    %dma_start3A_164 = tpu.memref_squeeze %dma_start3A_163 : memref<1x128xi32, #tpu.memory_space<vmem>> -> memref<128xi32, #tpu.memory_space<vmem>>
    %dma_start3A_165 = arith.constant 0 : i32
    %dma_start3A_166 = arith.constant 0 : i32
    %dma_start3A_167 = tpu.memref_slice %arg2[%dma_start3A_165, %dma_start3A_166] : memref<80000x128xf32, #tpu.memory_space<hbm>> -> memref<80000x128xf32, #tpu.memory_space<hbm>>
    tpu.enqueue_indirect_dma source(%dma_start3A_167 : memref<80000x128xf32, #tpu.memory_space<hbm>>) target(%arg10 : memref<128x128xf32, #tpu.memory_space<vmem>>) offsets(%dma_start3A_164 : memref<128xi32, #tpu.memory_space<vmem>>) semaphore(%arg13 : memref<!tpu.dma_semaphore, #tpu.memory_space<semaphore_mem>>)
    %dma_wait3A_168 = arith.constant 15 : i32
    %dma_wait3A_169 = arith.constant 0 : i32
    %dma_wait3A_170 = tpu.memref_slice %arg7[%dma_wait3A_168, %dma_wait3A_169] : memref<16x128xi32, #tpu.memory_space<vmem>> -> memref<1x128xi32, #tpu.memory_space<vmem>>
    %dma_wait3A_171 = tpu.memref_squeeze %dma_wait3A_170 : memref<1x128xi32, #tpu.memory_space<vmem>> -> memref<128xi32, #tpu.memory_space<vmem>>
    %dma_wait3A_172 = arith.constant 0 : i32
    %dma_wait3A_173 = arith.constant 0 : i32
    %dma_wait3A_174 = tpu.memref_slice %arg2[%dma_wait3A_172, %dma_wait3A_173] : memref<80000x128xf32, #tpu.memory_space<hbm>> -> memref<80000x128xf32, #tpu.memory_space<hbm>>
    tpu.wait_indirect_dma semaphore(%arg14 : memref<!tpu.dma_semaphore, #tpu.memory_space<semaphore_mem>>) src(%dma_wait3A_174 : memref<80000x128xf32, #tpu.memory_space<hbm>>) dst(%arg11 : memref<128x128xf32, #tpu.memory_space<vmem>>)
    %run_scoped3A_175 = arith.constant 15 : i32
    "tpu.region"() ({
      %run_scoped3A_330 = tpu.sem_alloc : memref<!tpu.dma_semaphore, #tpu.memory_space<semaphore_mem>>
      %dma_start3A_331 = arith.constant 0 : i32
      %dma_start3A_332 = tpu.memref_slice %arg9[%run_scoped3A_175, %dma_start3A_331] : memref<16x128xi32, #tpu.memory_space<vmem>> -> memref<1x128xi32, #tpu.memory_space<vmem>>
      %dma_start3A_333 = tpu.memref_squeeze %dma_start3A_332 : memref<1x128xi32, #tpu.memory_space<vmem>> -> memref<128xi32, #tpu.memory_space<vmem>>
      %dma_start3A_334 = arith.constant 0 : i32
      %dma_start3A_335 = arith.constant 0 : i32
      %dma_start3A_336 = tpu.memref_slice %arg12[%dma_start3A_334, %dma_start3A_335] : memref<10112x128xf32, #tpu.memory_space<vmem_shared>> -> memref<10112x128xf32, #tpu.memory_space<vmem_shared>>
      tpu.enqueue_indirect_dma source(%arg11 : memref<128x128xf32, #tpu.memory_space<vmem>>) target(%dma_start3A_336 : memref<10112x128xf32, #tpu.memory_space<vmem_shared>>) offsets(%dma_start3A_333 : memref<128xi32, #tpu.memory_space<vmem>>) semaphore(%run_scoped3A_330 : memref<!tpu.dma_semaphore, #tpu.memory_space<semaphore_mem>>) {add = true}
      %dma_wait3A_337 = arith.constant 0 : i32
      %dma_wait3A_338 = tpu.memref_slice %arg9[%run_scoped3A_175, %dma_wait3A_337] : memref<16x128xi32, #tpu.memory_space<vmem>> -> memref<1x128xi32, #tpu.memory_space<vmem>>
      %dma_wait3A_339 = tpu.memref_squeeze %dma_wait3A_338 : memref<1x128xi32, #tpu.memory_space<vmem>> -> memref<128xi32, #tpu.memory_space<vmem>>
      %dma_wait3A_340 = arith.constant 0 : i32
      %dma_wait3A_341 = arith.constant 0 : i32
      %dma_wait3A_342 = tpu.memref_slice %arg12[%dma_wait3A_340, %dma_wait3A_341] : memref<10112x128xf32, #tpu.memory_space<vmem_shared>> -> memref<10112x128xf32, #tpu.memory_space<vmem_shared>>
      tpu.wait_indirect_dma semaphore(%run_scoped3A_330 : memref<!tpu.dma_semaphore, #tpu.memory_space<semaphore_mem>>) src(%arg11 : memref<128x128xf32, #tpu.memory_space<vmem>>) dst(%dma_wait3A_342 : memref<10112x128xf32, #tpu.memory_space<vmem_shared>>)
      tpu.yield
    }) : () -> ()
    %add3A_176 = arith.constant 48 : i32
    %add3A_177 = arith.addi %mul3A_2, %add3A_176 : i32
    %dma_start3A_178 = arith.constant 0 : i32
    %dma_start3A_179 = tpu.memref_slice %arg3[%add3A_177, %dma_start3A_178] : memref<2560x128xi32, #tpu.memory_space<hbm>> -> memref<16x128xi32, #tpu.memory_space<hbm>>
    %dma_start3A_180 = arith.constant 0 : i32
    %dma_start3A_181 = tpu.memref_slice %arg3[%add3A_177, %dma_start3A_180] : memref<2560x128xi32, #tpu.memory_space<hbm>> -> memref<16x128xi32, #tpu.memory_space<hbm>>
    tpu.enqueue_dma source(%dma_start3A_181 : memref<16x128xi32, #tpu.memory_space<hbm>>) target(%arg7 : memref<16x128xi32, #tpu.memory_space<vmem>>) target_semaphore(%arg16 : memref<!tpu.dma_semaphore, #tpu.memory_space<semaphore_mem>>)
    %add3A_182 = arith.constant 48 : i32
    %add3A_183 = arith.addi %mul3A_2, %add3A_182 : i32
    %dma_start3A_184 = arith.constant 0 : i32
    %dma_start3A_185 = tpu.memref_slice %arg4[%add3A_183, %dma_start3A_184] : memref<2560x128xi32, #tpu.memory_space<hbm>> -> memref<16x128xi32, #tpu.memory_space<hbm>>
    %dma_start3A_186 = arith.constant 0 : i32
    %dma_start3A_187 = tpu.memref_slice %arg4[%add3A_183, %dma_start3A_186] : memref<2560x128xi32, #tpu.memory_space<hbm>> -> memref<16x128xi32, #tpu.memory_space<hbm>>
    tpu.enqueue_dma source(%dma_start3A_187 : memref<16x128xi32, #tpu.memory_space<hbm>>) target(%arg9 : memref<16x128xi32, #tpu.memory_space<vmem>>) target_semaphore(%arg18 : memref<!tpu.dma_semaphore, #tpu.memory_space<semaphore_mem>>)
    %scan3A_188 = arith.constant 0 : i32
    %scan3A_189 = arith.constant 0 : i32
    %scan3A_190 = arith.constant 7 : i32
    %scan3A_191 = arith.addi %scan3A_189, %scan3A_190 : i32
    %scan3A_192 = arith.constant 1 : i32
    scf.for %scan3A_330 = %scan3A_189 to %scan3A_191 step %scan3A_192  : i32 {
      %mul3A_331 = arith.constant 2 : i32
      %mul3A_332 = arith.muli %mul3A_331, %scan3A_330 : i32
      %add3A_333 = arith.constant 1 : i32
      %add3A_334 = arith.addi %mul3A_332, %add3A_333 : i32
      %dma_start3A_335 = arith.constant 0 : i32
      %dma_start3A_336 = tpu.memref_slice %arg6[%add3A_334, %dma_start3A_335] : memref<16x128xi32, #tpu.memory_space<vmem>> -> memref<1x128xi32, #tpu.memory_space<vmem>>
      %dma_start3A_337 = tpu.memref_squeeze %dma_start3A_336 : memref<1x128xi32, #tpu.memory_space<vmem>> -> memref<128xi32, #tpu.memory_space<vmem>>
      %dma_start3A_338 = arith.constant 0 : i32
      %dma_start3A_339 = arith.constant 0 : i32
      %dma_start3A_340 = tpu.memref_slice %arg2[%dma_start3A_338, %dma_start3A_339] : memref<80000x128xf32, #tpu.memory_space<hbm>> -> memref<80000x128xf32, #tpu.memory_space<hbm>>
      tpu.enqueue_indirect_dma source(%dma_start3A_340 : memref<80000x128xf32, #tpu.memory_space<hbm>>) target(%arg11 : memref<128x128xf32, #tpu.memory_space<vmem>>) offsets(%dma_start3A_337 : memref<128xi32, #tpu.memory_space<vmem>>) semaphore(%arg14 : memref<!tpu.dma_semaphore, #tpu.memory_space<semaphore_mem>>)
      %mul3A_341 = arith.constant 2 : i32
      %mul3A_342 = arith.muli %mul3A_341, %scan3A_330 : i32
      %dma_wait3A_343 = arith.constant 0 : i32
      %dma_wait3A_344 = tpu.memref_slice %arg6[%mul3A_342, %dma_wait3A_343] : memref<16x128xi32, #tpu.memory_space<vmem>> -> memref<1x128xi32, #tpu.memory_space<vmem>>
      %dma_wait3A_345 = tpu.memref_squeeze %dma_wait3A_344 : memref<1x128xi32, #tpu.memory_space<vmem>> -> memref<128xi32, #tpu.memory_space<vmem>>
      %dma_wait3A_346 = arith.constant 0 : i32
      %dma_wait3A_347 = arith.constant 0 : i32
      %dma_wait3A_348 = tpu.memref_slice %arg2[%dma_wait3A_346, %dma_wait3A_347] : memref<80000x128xf32, #tpu.memory_space<hbm>> -> memref<80000x128xf32, #tpu.memory_space<hbm>>
      tpu.wait_indirect_dma semaphore(%arg13 : memref<!tpu.dma_semaphore, #tpu.memory_space<semaphore_mem>>) src(%dma_wait3A_348 : memref<80000x128xf32, #tpu.memory_space<hbm>>) dst(%arg10 : memref<128x128xf32, #tpu.memory_space<vmem>>)
      %mul3A_349 = arith.constant 2 : i32
      %mul3A_350 = arith.muli %mul3A_349, %scan3A_330 : i32
      "tpu.region"() ({
        %run_scoped3A_375 = tpu.sem_alloc : memref<!tpu.dma_semaphore, #tpu.memory_space<semaphore_mem>>
        %dma_start3A_376 = arith.constant 0 : i32
        %dma_start3A_377 = tpu.memref_slice %arg8[%mul3A_350, %dma_start3A_376] : memref<16x128xi32, #tpu.memory_space<vmem>> -> memref<1x128xi32, #tpu.memory_space<vmem>>
        %dma_start3A_378 = tpu.memref_squeeze %dma_start3A_377 : memref<1x128xi32, #tpu.memory_space<vmem>> -> memref<128xi32, #tpu.memory_space<vmem>>
        %dma_start3A_379 = arith.constant 0 : i32
        %dma_start3A_380 = arith.constant 0 : i32
        %dma_start3A_381 = tpu.memref_slice %arg12[%dma_start3A_379, %dma_start3A_380] : memref<10112x128xf32, #tpu.memory_space<vmem_shared>> -> memref<10112x128xf32, #tpu.memory_space<vmem_shared>>
        tpu.enqueue_indirect_dma source(%arg10 : memref<128x128xf32, #tpu.memory_space<vmem>>) target(%dma_start3A_381 : memref<10112x128xf32, #tpu.memory_space<vmem_shared>>) offsets(%dma_start3A_378 : memref<128xi32, #tpu.memory_space<vmem>>) semaphore(%run_scoped3A_375 : memref<!tpu.dma_semaphore, #tpu.memory_space<semaphore_mem>>) {add = true}
        %dma_wait3A_382 = arith.constant 0 : i32
        %dma_wait3A_383 = tpu.memref_slice %arg8[%mul3A_350, %dma_wait3A_382] : memref<16x128xi32, #tpu.memory_space<vmem>> -> memref<1x128xi32, #tpu.memory_space<vmem>>
        %dma_wait3A_384 = tpu.memref_squeeze %dma_wait3A_383 : memref<1x128xi32, #tpu.memory_space<vmem>> -> memref<128xi32, #tpu.memory_space<vmem>>
        %dma_wait3A_385 = arith.constant 0 : i32
        %dma_wait3A_386 = arith.constant 0 : i32
        %dma_wait3A_387 = tpu.memref_slice %arg12[%dma_wait3A_385, %dma_wait3A_386] : memref<10112x128xf32, #tpu.memory_space<vmem_shared>> -> memref<10112x128xf32, #tpu.memory_space<vmem_shared>>
        tpu.wait_indirect_dma semaphore(%run_scoped3A_375 : memref<!tpu.dma_semaphore, #tpu.memory_space<semaphore_mem>>) src(%arg10 : memref<128x128xf32, #tpu.memory_space<vmem>>) dst(%dma_wait3A_387 : memref<10112x128xf32, #tpu.memory_space<vmem_shared>>)
        tpu.yield
      }) : () -> ()
      %mul3A_351 = arith.constant 2 : i32
      %mul3A_352 = arith.muli %mul3A_351, %scan3A_330 : i32
      %add3A_353 = arith.constant 2 : i32
      %add3A_354 = arith.addi %mul3A_352, %add3A_353 : i32
      %dma_start3A_355 = arith.constant 0 : i32
      %dma_start3A_356 = tpu.memref_slice %arg6[%add3A_354, %dma_start3A_355] : memref<16x128xi32, #tpu.memory_space<vmem>> -> memref<1x128xi32, #tpu.memory_space<vmem>>
      %dma_start3A_357 = tpu.memref_squeeze %dma_start3A_356 : memref<1x128xi32, #tpu.memory_space<vmem>> -> memref<128xi32, #tpu.memory_space<vmem>>
      %dma_start3A_358 = arith.constant 0 : i32
      %dma_start3A_359 = arith.constant 0 : i32
      %dma_start3A_360 = tpu.memref_slice %arg2[%dma_start3A_358, %dma_start3A_359] : memref<80000x128xf32, #tpu.memory_space<hbm>> -> memref<80000x128xf32, #tpu.memory_space<hbm>>
      tpu.enqueue_indirect_dma source(%dma_start3A_360 : memref<80000x128xf32, #tpu.memory_space<hbm>>) target(%arg10 : memref<128x128xf32, #tpu.memory_space<vmem>>) offsets(%dma_start3A_357 : memref<128xi32, #tpu.memory_space<vmem>>) semaphore(%arg13 : memref<!tpu.dma_semaphore, #tpu.memory_space<semaphore_mem>>)
      %mul3A_361 = arith.constant 2 : i32
      %mul3A_362 = arith.muli %mul3A_361, %scan3A_330 : i32
      %add3A_363 = arith.constant 1 : i32
      %add3A_364 = arith.addi %mul3A_362, %add3A_363 : i32
      %dma_wait3A_365 = arith.constant 0 : i32
      %dma_wait3A_366 = tpu.memref_slice %arg6[%add3A_364, %dma_wait3A_365] : memref<16x128xi32, #tpu.memory_space<vmem>> -> memref<1x128xi32, #tpu.memory_space<vmem>>
      %dma_wait3A_367 = tpu.memref_squeeze %dma_wait3A_366 : memref<1x128xi32, #tpu.memory_space<vmem>> -> memref<128xi32, #tpu.memory_space<vmem>>
      %dma_wait3A_368 = arith.constant 0 : i32
      %dma_wait3A_369 = arith.constant 0 : i32
      %dma_wait3A_370 = tpu.memref_slice %arg2[%dma_wait3A_368, %dma_wait3A_369] : memref<80000x128xf32, #tpu.memory_space<hbm>> -> memref<80000x128xf32, #tpu.memory_space<hbm>>
      tpu.wait_indirect_dma semaphore(%arg14 : memref<!tpu.dma_semaphore, #tpu.memory_space<semaphore_mem>>) src(%dma_wait3A_370 : memref<80000x128xf32, #tpu.memory_space<hbm>>) dst(%arg11 : memref<128x128xf32, #tpu.memory_space<vmem>>)
      %mul3A_371 = arith.constant 2 : i32
      %mul3A_372 = arith.muli %mul3A_371, %scan3A_330 : i32
      %add3A_373 = arith.constant 1 : i32
      %add3A_374 = arith.addi %mul3A_372, %add3A_373 : i32
      "tpu.region"() ({
        %run_scoped3A_375 = tpu.sem_alloc : memref<!tpu.dma_semaphore, #tpu.memory_space<semaphore_mem>>
        %dma_start3A_376 = arith.constant 0 : i32
        %dma_start3A_377 = tpu.memref_slice %arg8[%add3A_374, %dma_start3A_376] : memref<16x128xi32, #tpu.memory_space<vmem>> -> memref<1x128xi32, #tpu.memory_space<vmem>>
        %dma_start3A_378 = tpu.memref_squeeze %dma_start3A_377 : memref<1x128xi32, #tpu.memory_space<vmem>> -> memref<128xi32, #tpu.memory_space<vmem>>
        %dma_start3A_379 = arith.constant 0 : i32
        %dma_start3A_380 = arith.constant 0 : i32
        %dma_start3A_381 = tpu.memref_slice %arg12[%dma_start3A_379, %dma_start3A_380] : memref<10112x128xf32, #tpu.memory_space<vmem_shared>> -> memref<10112x128xf32, #tpu.memory_space<vmem_shared>>
        tpu.enqueue_indirect_dma source(%arg11 : memref<128x128xf32, #tpu.memory_space<vmem>>) target(%dma_start3A_381 : memref<10112x128xf32, #tpu.memory_space<vmem_shared>>) offsets(%dma_start3A_378 : memref<128xi32, #tpu.memory_space<vmem>>) semaphore(%run_scoped3A_375 : memref<!tpu.dma_semaphore, #tpu.memory_space<semaphore_mem>>) {add = true}
        %dma_wait3A_382 = arith.constant 0 : i32
        %dma_wait3A_383 = tpu.memref_slice %arg8[%add3A_374, %dma_wait3A_382] : memref<16x128xi32, #tpu.memory_space<vmem>> -> memref<1x128xi32, #tpu.memory_space<vmem>>
        %dma_wait3A_384 = tpu.memref_squeeze %dma_wait3A_383 : memref<1x128xi32, #tpu.memory_space<vmem>> -> memref<128xi32, #tpu.memory_space<vmem>>
        %dma_wait3A_385 = arith.constant 0 : i32
        %dma_wait3A_386 = arith.constant 0 : i32
        %dma_wait3A_387 = tpu.memref_slice %arg12[%dma_wait3A_385, %dma_wait3A_386] : memref<10112x128xf32, #tpu.memory_space<vmem_shared>> -> memref<10112x128xf32, #tpu.memory_space<vmem_shared>>
        tpu.wait_indirect_dma semaphore(%run_scoped3A_375 : memref<!tpu.dma_semaphore, #tpu.memory_space<semaphore_mem>>) src(%arg11 : memref<128x128xf32, #tpu.memory_space<vmem>>) dst(%dma_wait3A_387 : memref<10112x128xf32, #tpu.memory_space<vmem_shared>>)
        tpu.yield
      }) : () -> ()
    }
    %scan3A_193 = arith.constant 7 : i32
    %dma_start3A_194 = arith.constant 15 : i32
    %dma_start3A_195 = arith.constant 0 : i32
    %dma_start3A_196 = tpu.memref_slice %arg6[%dma_start3A_194, %dma_start3A_195] : memref<16x128xi32, #tpu.memory_space<vmem>> -> memref<1x128xi32, #tpu.memory_space<vmem>>
    %dma_start3A_197 = tpu.memref_squeeze %dma_start3A_196 : memref<1x128xi32, #tpu.memory_space<vmem>> -> memref<128xi32, #tpu.memory_space<vmem>>
    %dma_start3A_198 = arith.constant 0 : i32
    %dma_start3A_199 = arith.constant 0 : i32
    %dma_start3A_200 = tpu.memref_slice %arg2[%dma_start3A_198, %dma_start3A_199] : memref<80000x128xf32, #tpu.memory_space<hbm>> -> memref<80000x128xf32, #tpu.memory_space<hbm>>
    tpu.enqueue_indirect_dma source(%dma_start3A_200 : memref<80000x128xf32, #tpu.memory_space<hbm>>) target(%arg11 : memref<128x128xf32, #tpu.memory_space<vmem>>) offsets(%dma_start3A_197 : memref<128xi32, #tpu.memory_space<vmem>>) semaphore(%arg14 : memref<!tpu.dma_semaphore, #tpu.memory_space<semaphore_mem>>)
    %dma_wait3A_201 = arith.constant 14 : i32
    %dma_wait3A_202 = arith.constant 0 : i32
    %dma_wait3A_203 = tpu.memref_slice %arg6[%dma_wait3A_201, %dma_wait3A_202] : memref<16x128xi32, #tpu.memory_space<vmem>> -> memref<1x128xi32, #tpu.memory_space<vmem>>
    %dma_wait3A_204 = tpu.memref_squeeze %dma_wait3A_203 : memref<1x128xi32, #tpu.memory_space<vmem>> -> memref<128xi32, #tpu.memory_space<vmem>>
    %dma_wait3A_205 = arith.constant 0 : i32
    %dma_wait3A_206 = arith.constant 0 : i32
    %dma_wait3A_207 = tpu.memref_slice %arg2[%dma_wait3A_205, %dma_wait3A_206] : memref<80000x128xf32, #tpu.memory_space<hbm>> -> memref<80000x128xf32, #tpu.memory_space<hbm>>
    tpu.wait_indirect_dma semaphore(%arg13 : memref<!tpu.dma_semaphore, #tpu.memory_space<semaphore_mem>>) src(%dma_wait3A_207 : memref<80000x128xf32, #tpu.memory_space<hbm>>) dst(%arg10 : memref<128x128xf32, #tpu.memory_space<vmem>>)
    %run_scoped3A_208 = arith.constant 14 : i32
    "tpu.region"() ({
      %run_scoped3A_330 = tpu.sem_alloc : memref<!tpu.dma_semaphore, #tpu.memory_space<semaphore_mem>>
      %dma_start3A_331 = arith.constant 0 : i32
      %dma_start3A_332 = tpu.memref_slice %arg8[%run_scoped3A_208, %dma_start3A_331] : memref<16x128xi32, #tpu.memory_space<vmem>> -> memref<1x128xi32, #tpu.memory_space<vmem>>
      %dma_start3A_333 = tpu.memref_squeeze %dma_start3A_332 : memref<1x128xi32, #tpu.memory_space<vmem>> -> memref<128xi32, #tpu.memory_space<vmem>>
      %dma_start3A_334 = arith.constant 0 : i32
      %dma_start3A_335 = arith.constant 0 : i32
      %dma_start3A_336 = tpu.memref_slice %arg12[%dma_start3A_334, %dma_start3A_335] : memref<10112x128xf32, #tpu.memory_space<vmem_shared>> -> memref<10112x128xf32, #tpu.memory_space<vmem_shared>>
      tpu.enqueue_indirect_dma source(%arg10 : memref<128x128xf32, #tpu.memory_space<vmem>>) target(%dma_start3A_336 : memref<10112x128xf32, #tpu.memory_space<vmem_shared>>) offsets(%dma_start3A_333 : memref<128xi32, #tpu.memory_space<vmem>>) semaphore(%run_scoped3A_330 : memref<!tpu.dma_semaphore, #tpu.memory_space<semaphore_mem>>) {add = true}
      %dma_wait3A_337 = arith.constant 0 : i32
      %dma_wait3A_338 = tpu.memref_slice %arg8[%run_scoped3A_208, %dma_wait3A_337] : memref<16x128xi32, #tpu.memory_space<vmem>> -> memref<1x128xi32, #tpu.memory_space<vmem>>
      %dma_wait3A_339 = tpu.memref_squeeze %dma_wait3A_338 : memref<1x128xi32, #tpu.memory_space<vmem>> -> memref<128xi32, #tpu.memory_space<vmem>>
      %dma_wait3A_340 = arith.constant 0 : i32
      %dma_wait3A_341 = arith.constant 0 : i32
      %dma_wait3A_342 = tpu.memref_slice %arg12[%dma_wait3A_340, %dma_wait3A_341] : memref<10112x128xf32, #tpu.memory_space<vmem_shared>> -> memref<10112x128xf32, #tpu.memory_space<vmem_shared>>
      tpu.wait_indirect_dma semaphore(%run_scoped3A_330 : memref<!tpu.dma_semaphore, #tpu.memory_space<semaphore_mem>>) src(%arg10 : memref<128x128xf32, #tpu.memory_space<vmem>>) dst(%dma_wait3A_342 : memref<10112x128xf32, #tpu.memory_space<vmem_shared>>)
      tpu.yield
    }) : () -> ()
    %add3A_209 = arith.constant 48 : i32
    %add3A_210 = arith.addi %mul3A_2, %add3A_209 : i32
    %dma_wait3A_211 = arith.constant 0 : i32
    %dma_wait3A_212 = tpu.memref_slice %arg3[%add3A_210, %dma_wait3A_211] : memref<2560x128xi32, #tpu.memory_space<hbm>> -> memref<16x128xi32, #tpu.memory_space<hbm>>
    %dma_wait3A_213 = arith.constant 0 : i32
    %dma_wait3A_214 = tpu.memref_slice %arg3[%add3A_210, %dma_wait3A_213] : memref<2560x128xi32, #tpu.memory_space<hbm>> -> memref<16x128xi32, #tpu.memory_space<hbm>>
    tpu.wait_dma2 semaphore(%arg16 : memref<!tpu.dma_semaphore, #tpu.memory_space<semaphore_mem>>) src(%dma_wait3A_214 : memref<16x128xi32, #tpu.memory_space<hbm>>) dst(%arg7 : memref<16x128xi32, #tpu.memory_space<vmem>>)
    %add3A_215 = arith.constant 48 : i32
    %add3A_216 = arith.addi %mul3A_2, %add3A_215 : i32
    %dma_wait3A_217 = arith.constant 0 : i32
    %dma_wait3A_218 = tpu.memref_slice %arg4[%add3A_216, %dma_wait3A_217] : memref<2560x128xi32, #tpu.memory_space<hbm>> -> memref<16x128xi32, #tpu.memory_space<hbm>>
    %dma_wait3A_219 = arith.constant 0 : i32
    %dma_wait3A_220 = tpu.memref_slice %arg4[%add3A_216, %dma_wait3A_219] : memref<2560x128xi32, #tpu.memory_space<hbm>> -> memref<16x128xi32, #tpu.memory_space<hbm>>
    tpu.wait_dma2 semaphore(%arg18 : memref<!tpu.dma_semaphore, #tpu.memory_space<semaphore_mem>>) src(%dma_wait3A_220 : memref<16x128xi32, #tpu.memory_space<hbm>>) dst(%arg9 : memref<16x128xi32, #tpu.memory_space<vmem>>)
    %dma_start3A_221 = arith.constant 0 : i32
    %dma_start3A_222 = arith.constant 0 : i32
    %dma_start3A_223 = tpu.memref_slice %arg7[%dma_start3A_221, %dma_start3A_222] : memref<16x128xi32, #tpu.memory_space<vmem>> -> memref<1x128xi32, #tpu.memory_space<vmem>>
    %dma_start3A_224 = tpu.memref_squeeze %dma_start3A_223 : memref<1x128xi32, #tpu.memory_space<vmem>> -> memref<128xi32, #tpu.memory_space<vmem>>
    %dma_start3A_225 = arith.constant 0 : i32
    %dma_start3A_226 = arith.constant 0 : i32
    %dma_start3A_227 = tpu.memref_slice %arg2[%dma_start3A_225, %dma_start3A_226] : memref<80000x128xf32, #tpu.memory_space<hbm>> -> memref<80000x128xf32, #tpu.memory_space<hbm>>
    tpu.enqueue_indirect_dma source(%dma_start3A_227 : memref<80000x128xf32, #tpu.memory_space<hbm>>) target(%arg10 : memref<128x128xf32, #tpu.memory_space<vmem>>) offsets(%dma_start3A_224 : memref<128xi32, #tpu.memory_space<vmem>>) semaphore(%arg13 : memref<!tpu.dma_semaphore, #tpu.memory_space<semaphore_mem>>)
    %dma_wait3A_228 = arith.constant 15 : i32
    %dma_wait3A_229 = arith.constant 0 : i32
    %dma_wait3A_230 = tpu.memref_slice %arg6[%dma_wait3A_228, %dma_wait3A_229] : memref<16x128xi32, #tpu.memory_space<vmem>> -> memref<1x128xi32, #tpu.memory_space<vmem>>
    %dma_wait3A_231 = tpu.memref_squeeze %dma_wait3A_230 : memref<1x128xi32, #tpu.memory_space<vmem>> -> memref<128xi32, #tpu.memory_space<vmem>>
    %dma_wait3A_232 = arith.constant 0 : i32
    %dma_wait3A_233 = arith.constant 0 : i32
    %dma_wait3A_234 = tpu.memref_slice %arg2[%dma_wait3A_232, %dma_wait3A_233] : memref<80000x128xf32, #tpu.memory_space<hbm>> -> memref<80000x128xf32, #tpu.memory_space<hbm>>
    tpu.wait_indirect_dma semaphore(%arg14 : memref<!tpu.dma_semaphore, #tpu.memory_space<semaphore_mem>>) src(%dma_wait3A_234 : memref<80000x128xf32, #tpu.memory_space<hbm>>) dst(%arg11 : memref<128x128xf32, #tpu.memory_space<vmem>>)
    %run_scoped3A_235 = arith.constant 15 : i32
    "tpu.region"() ({
      %run_scoped3A_330 = tpu.sem_alloc : memref<!tpu.dma_semaphore, #tpu.memory_space<semaphore_mem>>
      %dma_start3A_331 = arith.constant 0 : i32
      %dma_start3A_332 = tpu.memref_slice %arg8[%run_scoped3A_235, %dma_start3A_331] : memref<16x128xi32, #tpu.memory_space<vmem>> -> memref<1x128xi32, #tpu.memory_space<vmem>>
      %dma_start3A_333 = tpu.memref_squeeze %dma_start3A_332 : memref<1x128xi32, #tpu.memory_space<vmem>> -> memref<128xi32, #tpu.memory_space<vmem>>
      %dma_start3A_334 = arith.constant 0 : i32
      %dma_start3A_335 = arith.constant 0 : i32
      %dma_start3A_336 = tpu.memref_slice %arg12[%dma_start3A_334, %dma_start3A_335] : memref<10112x128xf32, #tpu.memory_space<vmem_shared>> -> memref<10112x128xf32, #tpu.memory_space<vmem_shared>>
      tpu.enqueue_indirect_dma source(%arg11 : memref<128x128xf32, #tpu.memory_space<vmem>>) target(%dma_start3A_336 : memref<10112x128xf32, #tpu.memory_space<vmem_shared>>) offsets(%dma_start3A_333 : memref<128xi32, #tpu.memory_space<vmem>>) semaphore(%run_scoped3A_330 : memref<!tpu.dma_semaphore, #tpu.memory_space<semaphore_mem>>) {add = true}
      %dma_wait3A_337 = arith.constant 0 : i32
      %dma_wait3A_338 = tpu.memref_slice %arg8[%run_scoped3A_235, %dma_wait3A_337] : memref<16x128xi32, #tpu.memory_space<vmem>> -> memref<1x128xi32, #tpu.memory_space<vmem>>
      %dma_wait3A_339 = tpu.memref_squeeze %dma_wait3A_338 : memref<1x128xi32, #tpu.memory_space<vmem>> -> memref<128xi32, #tpu.memory_space<vmem>>
      %dma_wait3A_340 = arith.constant 0 : i32
      %dma_wait3A_341 = arith.constant 0 : i32
      %dma_wait3A_342 = tpu.memref_slice %arg12[%dma_wait3A_340, %dma_wait3A_341] : memref<10112x128xf32, #tpu.memory_space<vmem_shared>> -> memref<10112x128xf32, #tpu.memory_space<vmem_shared>>
      tpu.wait_indirect_dma semaphore(%run_scoped3A_330 : memref<!tpu.dma_semaphore, #tpu.memory_space<semaphore_mem>>) src(%arg11 : memref<128x128xf32, #tpu.memory_space<vmem>>) dst(%dma_wait3A_342 : memref<10112x128xf32, #tpu.memory_space<vmem_shared>>)
      tpu.yield
    }) : () -> ()
    %add3A_236 = arith.constant 64 : i32
    %add3A_237 = arith.addi %mul3A_2, %add3A_236 : i32
    %dma_start3A_238 = arith.constant 0 : i32
    %dma_start3A_239 = tpu.memref_slice %arg3[%add3A_237, %dma_start3A_238] : memref<2560x128xi32, #tpu.memory_space<hbm>> -> memref<16x128xi32, #tpu.memory_space<hbm>>
    %dma_start3A_240 = arith.constant 0 : i32
    %dma_start3A_241 = tpu.memref_slice %arg3[%add3A_237, %dma_start3A_240] : memref<2560x128xi32, #tpu.memory_space<hbm>> -> memref<16x128xi32, #tpu.memory_space<hbm>>
    tpu.enqueue_dma source(%dma_start3A_241 : memref<16x128xi32, #tpu.memory_space<hbm>>) target(%arg6 : memref<16x128xi32, #tpu.memory_space<vmem>>) target_semaphore(%arg15 : memref<!tpu.dma_semaphore, #tpu.memory_space<semaphore_mem>>)
    %add3A_242 = arith.constant 64 : i32
    %add3A_243 = arith.addi %mul3A_2, %add3A_242 : i32
    %dma_start3A_244 = arith.constant 0 : i32
    %dma_start3A_245 = tpu.memref_slice %arg4[%add3A_243, %dma_start3A_244] : memref<2560x128xi32, #tpu.memory_space<hbm>> -> memref<16x128xi32, #tpu.memory_space<hbm>>
    %dma_start3A_246 = arith.constant 0 : i32
    %dma_start3A_247 = tpu.memref_slice %arg4[%add3A_243, %dma_start3A_246] : memref<2560x128xi32, #tpu.memory_space<hbm>> -> memref<16x128xi32, #tpu.memory_space<hbm>>
    tpu.enqueue_dma source(%dma_start3A_247 : memref<16x128xi32, #tpu.memory_space<hbm>>) target(%arg8 : memref<16x128xi32, #tpu.memory_space<vmem>>) target_semaphore(%arg17 : memref<!tpu.dma_semaphore, #tpu.memory_space<semaphore_mem>>)
    %scan3A_248 = arith.constant 0 : i32
    %scan3A_249 = arith.constant 0 : i32
    %scan3A_250 = arith.constant 7 : i32
    %scan3A_251 = arith.addi %scan3A_249, %scan3A_250 : i32
    %scan3A_252 = arith.constant 1 : i32
    scf.for %scan3A_330 = %scan3A_249 to %scan3A_251 step %scan3A_252  : i32 {
      %mul3A_331 = arith.constant 2 : i32
      %mul3A_332 = arith.muli %mul3A_331, %scan3A_330 : i32
      %add3A_333 = arith.constant 1 : i32
      %add3A_334 = arith.addi %mul3A_332, %add3A_333 : i32
      %dma_start3A_335 = arith.constant 0 : i32
      %dma_start3A_336 = tpu.memref_slice %arg7[%add3A_334, %dma_start3A_335] : memref<16x128xi32, #tpu.memory_space<vmem>> -> memref<1x128xi32, #tpu.memory_space<vmem>>
      %dma_start3A_337 = tpu.memref_squeeze %dma_start3A_336 : memref<1x128xi32, #tpu.memory_space<vmem>> -> memref<128xi32, #tpu.memory_space<vmem>>
      %dma_start3A_338 = arith.constant 0 : i32
      %dma_start3A_339 = arith.constant 0 : i32
      %dma_start3A_340 = tpu.memref_slice %arg2[%dma_start3A_338, %dma_start3A_339] : memref<80000x128xf32, #tpu.memory_space<hbm>> -> memref<80000x128xf32, #tpu.memory_space<hbm>>
      tpu.enqueue_indirect_dma source(%dma_start3A_340 : memref<80000x128xf32, #tpu.memory_space<hbm>>) target(%arg11 : memref<128x128xf32, #tpu.memory_space<vmem>>) offsets(%dma_start3A_337 : memref<128xi32, #tpu.memory_space<vmem>>) semaphore(%arg14 : memref<!tpu.dma_semaphore, #tpu.memory_space<semaphore_mem>>)
      %mul3A_341 = arith.constant 2 : i32
      %mul3A_342 = arith.muli %mul3A_341, %scan3A_330 : i32
      %dma_wait3A_343 = arith.constant 0 : i32
      %dma_wait3A_344 = tpu.memref_slice %arg7[%mul3A_342, %dma_wait3A_343] : memref<16x128xi32, #tpu.memory_space<vmem>> -> memref<1x128xi32, #tpu.memory_space<vmem>>
      %dma_wait3A_345 = tpu.memref_squeeze %dma_wait3A_344 : memref<1x128xi32, #tpu.memory_space<vmem>> -> memref<128xi32, #tpu.memory_space<vmem>>
      %dma_wait3A_346 = arith.constant 0 : i32
      %dma_wait3A_347 = arith.constant 0 : i32
      %dma_wait3A_348 = tpu.memref_slice %arg2[%dma_wait3A_346, %dma_wait3A_347] : memref<80000x128xf32, #tpu.memory_space<hbm>> -> memref<80000x128xf32, #tpu.memory_space<hbm>>
      tpu.wait_indirect_dma semaphore(%arg13 : memref<!tpu.dma_semaphore, #tpu.memory_space<semaphore_mem>>) src(%dma_wait3A_348 : memref<80000x128xf32, #tpu.memory_space<hbm>>) dst(%arg10 : memref<128x128xf32, #tpu.memory_space<vmem>>)
      %mul3A_349 = arith.constant 2 : i32
      %mul3A_350 = arith.muli %mul3A_349, %scan3A_330 : i32
      "tpu.region"() ({
        %run_scoped3A_375 = tpu.sem_alloc : memref<!tpu.dma_semaphore, #tpu.memory_space<semaphore_mem>>
        %dma_start3A_376 = arith.constant 0 : i32
        %dma_start3A_377 = tpu.memref_slice %arg9[%mul3A_350, %dma_start3A_376] : memref<16x128xi32, #tpu.memory_space<vmem>> -> memref<1x128xi32, #tpu.memory_space<vmem>>
        %dma_start3A_378 = tpu.memref_squeeze %dma_start3A_377 : memref<1x128xi32, #tpu.memory_space<vmem>> -> memref<128xi32, #tpu.memory_space<vmem>>
        %dma_start3A_379 = arith.constant 0 : i32
        %dma_start3A_380 = arith.constant 0 : i32
        %dma_start3A_381 = tpu.memref_slice %arg12[%dma_start3A_379, %dma_start3A_380] : memref<10112x128xf32, #tpu.memory_space<vmem_shared>> -> memref<10112x128xf32, #tpu.memory_space<vmem_shared>>
        tpu.enqueue_indirect_dma source(%arg10 : memref<128x128xf32, #tpu.memory_space<vmem>>) target(%dma_start3A_381 : memref<10112x128xf32, #tpu.memory_space<vmem_shared>>) offsets(%dma_start3A_378 : memref<128xi32, #tpu.memory_space<vmem>>) semaphore(%run_scoped3A_375 : memref<!tpu.dma_semaphore, #tpu.memory_space<semaphore_mem>>) {add = true}
        %dma_wait3A_382 = arith.constant 0 : i32
        %dma_wait3A_383 = tpu.memref_slice %arg9[%mul3A_350, %dma_wait3A_382] : memref<16x128xi32, #tpu.memory_space<vmem>> -> memref<1x128xi32, #tpu.memory_space<vmem>>
        %dma_wait3A_384 = tpu.memref_squeeze %dma_wait3A_383 : memref<1x128xi32, #tpu.memory_space<vmem>> -> memref<128xi32, #tpu.memory_space<vmem>>
        %dma_wait3A_385 = arith.constant 0 : i32
        %dma_wait3A_386 = arith.constant 0 : i32
        %dma_wait3A_387 = tpu.memref_slice %arg12[%dma_wait3A_385, %dma_wait3A_386] : memref<10112x128xf32, #tpu.memory_space<vmem_shared>> -> memref<10112x128xf32, #tpu.memory_space<vmem_shared>>
        tpu.wait_indirect_dma semaphore(%run_scoped3A_375 : memref<!tpu.dma_semaphore, #tpu.memory_space<semaphore_mem>>) src(%arg10 : memref<128x128xf32, #tpu.memory_space<vmem>>) dst(%dma_wait3A_387 : memref<10112x128xf32, #tpu.memory_space<vmem_shared>>)
        tpu.yield
      }) : () -> ()
      %mul3A_351 = arith.constant 2 : i32
      %mul3A_352 = arith.muli %mul3A_351, %scan3A_330 : i32
      %add3A_353 = arith.constant 2 : i32
      %add3A_354 = arith.addi %mul3A_352, %add3A_353 : i32
      %dma_start3A_355 = arith.constant 0 : i32
      %dma_start3A_356 = tpu.memref_slice %arg7[%add3A_354, %dma_start3A_355] : memref<16x128xi32, #tpu.memory_space<vmem>> -> memref<1x128xi32, #tpu.memory_space<vmem>>
      %dma_start3A_357 = tpu.memref_squeeze %dma_start3A_356 : memref<1x128xi32, #tpu.memory_space<vmem>> -> memref<128xi32, #tpu.memory_space<vmem>>
      %dma_start3A_358 = arith.constant 0 : i32
      %dma_start3A_359 = arith.constant 0 : i32
      %dma_start3A_360 = tpu.memref_slice %arg2[%dma_start3A_358, %dma_start3A_359] : memref<80000x128xf32, #tpu.memory_space<hbm>> -> memref<80000x128xf32, #tpu.memory_space<hbm>>
      tpu.enqueue_indirect_dma source(%dma_start3A_360 : memref<80000x128xf32, #tpu.memory_space<hbm>>) target(%arg10 : memref<128x128xf32, #tpu.memory_space<vmem>>) offsets(%dma_start3A_357 : memref<128xi32, #tpu.memory_space<vmem>>) semaphore(%arg13 : memref<!tpu.dma_semaphore, #tpu.memory_space<semaphore_mem>>)
      %mul3A_361 = arith.constant 2 : i32
      %mul3A_362 = arith.muli %mul3A_361, %scan3A_330 : i32
      %add3A_363 = arith.constant 1 : i32
      %add3A_364 = arith.addi %mul3A_362, %add3A_363 : i32
      %dma_wait3A_365 = arith.constant 0 : i32
      %dma_wait3A_366 = tpu.memref_slice %arg7[%add3A_364, %dma_wait3A_365] : memref<16x128xi32, #tpu.memory_space<vmem>> -> memref<1x128xi32, #tpu.memory_space<vmem>>
      %dma_wait3A_367 = tpu.memref_squeeze %dma_wait3A_366 : memref<1x128xi32, #tpu.memory_space<vmem>> -> memref<128xi32, #tpu.memory_space<vmem>>
      %dma_wait3A_368 = arith.constant 0 : i32
      %dma_wait3A_369 = arith.constant 0 : i32
      %dma_wait3A_370 = tpu.memref_slice %arg2[%dma_wait3A_368, %dma_wait3A_369] : memref<80000x128xf32, #tpu.memory_space<hbm>> -> memref<80000x128xf32, #tpu.memory_space<hbm>>
      tpu.wait_indirect_dma semaphore(%arg14 : memref<!tpu.dma_semaphore, #tpu.memory_space<semaphore_mem>>) src(%dma_wait3A_370 : memref<80000x128xf32, #tpu.memory_space<hbm>>) dst(%arg11 : memref<128x128xf32, #tpu.memory_space<vmem>>)
      %mul3A_371 = arith.constant 2 : i32
      %mul3A_372 = arith.muli %mul3A_371, %scan3A_330 : i32
      %add3A_373 = arith.constant 1 : i32
      %add3A_374 = arith.addi %mul3A_372, %add3A_373 : i32
      "tpu.region"() ({
        %run_scoped3A_375 = tpu.sem_alloc : memref<!tpu.dma_semaphore, #tpu.memory_space<semaphore_mem>>
        %dma_start3A_376 = arith.constant 0 : i32
        %dma_start3A_377 = tpu.memref_slice %arg9[%add3A_374, %dma_start3A_376] : memref<16x128xi32, #tpu.memory_space<vmem>> -> memref<1x128xi32, #tpu.memory_space<vmem>>
        %dma_start3A_378 = tpu.memref_squeeze %dma_start3A_377 : memref<1x128xi32, #tpu.memory_space<vmem>> -> memref<128xi32, #tpu.memory_space<vmem>>
        %dma_start3A_379 = arith.constant 0 : i32
        %dma_start3A_380 = arith.constant 0 : i32
        %dma_start3A_381 = tpu.memref_slice %arg12[%dma_start3A_379, %dma_start3A_380] : memref<10112x128xf32, #tpu.memory_space<vmem_shared>> -> memref<10112x128xf32, #tpu.memory_space<vmem_shared>>
        tpu.enqueue_indirect_dma source(%arg11 : memref<128x128xf32, #tpu.memory_space<vmem>>) target(%dma_start3A_381 : memref<10112x128xf32, #tpu.memory_space<vmem_shared>>) offsets(%dma_start3A_378 : memref<128xi32, #tpu.memory_space<vmem>>) semaphore(%run_scoped3A_375 : memref<!tpu.dma_semaphore, #tpu.memory_space<semaphore_mem>>) {add = true}
        %dma_wait3A_382 = arith.constant 0 : i32
        %dma_wait3A_383 = tpu.memref_slice %arg9[%add3A_374, %dma_wait3A_382] : memref<16x128xi32, #tpu.memory_space<vmem>> -> memref<1x128xi32, #tpu.memory_space<vmem>>
        %dma_wait3A_384 = tpu.memref_squeeze %dma_wait3A_383 : memref<1x128xi32, #tpu.memory_space<vmem>> -> memref<128xi32, #tpu.memory_space<vmem>>
        %dma_wait3A_385 = arith.constant 0 : i32
        %dma_wait3A_386 = arith.constant 0 : i32
        %dma_wait3A_387 = tpu.memref_slice %arg12[%dma_wait3A_385, %dma_wait3A_386] : memref<10112x128xf32, #tpu.memory_space<vmem_shared>> -> memref<10112x128xf32, #tpu.memory_space<vmem_shared>>
        tpu.wait_indirect_dma semaphore(%run_scoped3A_375 : memref<!tpu.dma_semaphore, #tpu.memory_space<semaphore_mem>>) src(%arg11 : memref<128x128xf32, #tpu.memory_space<vmem>>) dst(%dma_wait3A_387 : memref<10112x128xf32, #tpu.memory_space<vmem_shared>>)
        tpu.yield
      }) : () -> ()
    }
    %scan3A_253 = arith.constant 7 : i32
    %dma_start3A_254 = arith.constant 15 : i32
    %dma_start3A_255 = arith.constant 0 : i32
    %dma_start3A_256 = tpu.memref_slice %arg7[%dma_start3A_254, %dma_start3A_255] : memref<16x128xi32, #tpu.memory_space<vmem>> -> memref<1x128xi32, #tpu.memory_space<vmem>>
    %dma_start3A_257 = tpu.memref_squeeze %dma_start3A_256 : memref<1x128xi32, #tpu.memory_space<vmem>> -> memref<128xi32, #tpu.memory_space<vmem>>
    %dma_start3A_258 = arith.constant 0 : i32
    %dma_start3A_259 = arith.constant 0 : i32
    %dma_start3A_260 = tpu.memref_slice %arg2[%dma_start3A_258, %dma_start3A_259] : memref<80000x128xf32, #tpu.memory_space<hbm>> -> memref<80000x128xf32, #tpu.memory_space<hbm>>
    tpu.enqueue_indirect_dma source(%dma_start3A_260 : memref<80000x128xf32, #tpu.memory_space<hbm>>) target(%arg11 : memref<128x128xf32, #tpu.memory_space<vmem>>) offsets(%dma_start3A_257 : memref<128xi32, #tpu.memory_space<vmem>>) semaphore(%arg14 : memref<!tpu.dma_semaphore, #tpu.memory_space<semaphore_mem>>)
    %dma_wait3A_261 = arith.constant 14 : i32
    %dma_wait3A_262 = arith.constant 0 : i32
    %dma_wait3A_263 = tpu.memref_slice %arg7[%dma_wait3A_261, %dma_wait3A_262] : memref<16x128xi32, #tpu.memory_space<vmem>> -> memref<1x128xi32, #tpu.memory_space<vmem>>
    %dma_wait3A_264 = tpu.memref_squeeze %dma_wait3A_263 : memref<1x128xi32, #tpu.memory_space<vmem>> -> memref<128xi32, #tpu.memory_space<vmem>>
    %dma_wait3A_265 = arith.constant 0 : i32
    %dma_wait3A_266 = arith.constant 0 : i32
    %dma_wait3A_267 = tpu.memref_slice %arg2[%dma_wait3A_265, %dma_wait3A_266] : memref<80000x128xf32, #tpu.memory_space<hbm>> -> memref<80000x128xf32, #tpu.memory_space<hbm>>
    tpu.wait_indirect_dma semaphore(%arg13 : memref<!tpu.dma_semaphore, #tpu.memory_space<semaphore_mem>>) src(%dma_wait3A_267 : memref<80000x128xf32, #tpu.memory_space<hbm>>) dst(%arg10 : memref<128x128xf32, #tpu.memory_space<vmem>>)
    %run_scoped3A_268 = arith.constant 14 : i32
    "tpu.region"() ({
      %run_scoped3A_330 = tpu.sem_alloc : memref<!tpu.dma_semaphore, #tpu.memory_space<semaphore_mem>>
      %dma_start3A_331 = arith.constant 0 : i32
      %dma_start3A_332 = tpu.memref_slice %arg9[%run_scoped3A_268, %dma_start3A_331] : memref<16x128xi32, #tpu.memory_space<vmem>> -> memref<1x128xi32, #tpu.memory_space<vmem>>
      %dma_start3A_333 = tpu.memref_squeeze %dma_start3A_332 : memref<1x128xi32, #tpu.memory_space<vmem>> -> memref<128xi32, #tpu.memory_space<vmem>>
      %dma_start3A_334 = arith.constant 0 : i32
      %dma_start3A_335 = arith.constant 0 : i32
      %dma_start3A_336 = tpu.memref_slice %arg12[%dma_start3A_334, %dma_start3A_335] : memref<10112x128xf32, #tpu.memory_space<vmem_shared>> -> memref<10112x128xf32, #tpu.memory_space<vmem_shared>>
      tpu.enqueue_indirect_dma source(%arg10 : memref<128x128xf32, #tpu.memory_space<vmem>>) target(%dma_start3A_336 : memref<10112x128xf32, #tpu.memory_space<vmem_shared>>) offsets(%dma_start3A_333 : memref<128xi32, #tpu.memory_space<vmem>>) semaphore(%run_scoped3A_330 : memref<!tpu.dma_semaphore, #tpu.memory_space<semaphore_mem>>) {add = true}
      %dma_wait3A_337 = arith.constant 0 : i32
      %dma_wait3A_338 = tpu.memref_slice %arg9[%run_scoped3A_268, %dma_wait3A_337] : memref<16x128xi32, #tpu.memory_space<vmem>> -> memref<1x128xi32, #tpu.memory_space<vmem>>
      %dma_wait3A_339 = tpu.memref_squeeze %dma_wait3A_338 : memref<1x128xi32, #tpu.memory_space<vmem>> -> memref<128xi32, #tpu.memory_space<vmem>>
      %dma_wait3A_340 = arith.constant 0 : i32
      %dma_wait3A_341 = arith.constant 0 : i32
      %dma_wait3A_342 = tpu.memref_slice %arg12[%dma_wait3A_340, %dma_wait3A_341] : memref<10112x128xf32, #tpu.memory_space<vmem_shared>> -> memref<10112x128xf32, #tpu.memory_space<vmem_shared>>
      tpu.wait_indirect_dma semaphore(%run_scoped3A_330 : memref<!tpu.dma_semaphore, #tpu.memory_space<semaphore_mem>>) src(%arg10 : memref<128x128xf32, #tpu.memory_space<vmem>>) dst(%dma_wait3A_342 : memref<10112x128xf32, #tpu.memory_space<vmem_shared>>)
      tpu.yield
    }) : () -> ()
    %add3A_269 = arith.constant 64 : i32
    %add3A_270 = arith.addi %mul3A_2, %add3A_269 : i32
    %dma_wait3A_271 = arith.constant 0 : i32
    %dma_wait3A_272 = tpu.memref_slice %arg3[%add3A_270, %dma_wait3A_271] : memref<2560x128xi32, #tpu.memory_space<hbm>> -> memref<16x128xi32, #tpu.memory_space<hbm>>
    %dma_wait3A_273 = arith.constant 0 : i32
    %dma_wait3A_274 = tpu.memref_slice %arg3[%add3A_270, %dma_wait3A_273] : memref<2560x128xi32, #tpu.memory_space<hbm>> -> memref<16x128xi32, #tpu.memory_space<hbm>>
    tpu.wait_dma2 semaphore(%arg15 : memref<!tpu.dma_semaphore, #tpu.memory_space<semaphore_mem>>) src(%dma_wait3A_274 : memref<16x128xi32, #tpu.memory_space<hbm>>) dst(%arg6 : memref<16x128xi32, #tpu.memory_space<vmem>>)
    %add3A_275 = arith.constant 64 : i32
    %add3A_276 = arith.addi %mul3A_2, %add3A_275 : i32
    %dma_wait3A_277 = arith.constant 0 : i32
    %dma_wait3A_278 = tpu.memref_slice %arg4[%add3A_276, %dma_wait3A_277] : memref<2560x128xi32, #tpu.memory_space<hbm>> -> memref<16x128xi32, #tpu.memory_space<hbm>>
    %dma_wait3A_279 = arith.constant 0 : i32
    %dma_wait3A_280 = tpu.memref_slice %arg4[%add3A_276, %dma_wait3A_279] : memref<2560x128xi32, #tpu.memory_space<hbm>> -> memref<16x128xi32, #tpu.memory_space<hbm>>
    tpu.wait_dma2 semaphore(%arg17 : memref<!tpu.dma_semaphore, #tpu.memory_space<semaphore_mem>>) src(%dma_wait3A_280 : memref<16x128xi32, #tpu.memory_space<hbm>>) dst(%arg8 : memref<16x128xi32, #tpu.memory_space<vmem>>)
    %dma_start3A_281 = arith.constant 0 : i32
    %dma_start3A_282 = arith.constant 0 : i32
    %dma_start3A_283 = tpu.memref_slice %arg6[%dma_start3A_281, %dma_start3A_282] : memref<16x128xi32, #tpu.memory_space<vmem>> -> memref<1x128xi32, #tpu.memory_space<vmem>>
    %dma_start3A_284 = tpu.memref_squeeze %dma_start3A_283 : memref<1x128xi32, #tpu.memory_space<vmem>> -> memref<128xi32, #tpu.memory_space<vmem>>
    %dma_start3A_285 = arith.constant 0 : i32
    %dma_start3A_286 = arith.constant 0 : i32
    %dma_start3A_287 = tpu.memref_slice %arg2[%dma_start3A_285, %dma_start3A_286] : memref<80000x128xf32, #tpu.memory_space<hbm>> -> memref<80000x128xf32, #tpu.memory_space<hbm>>
    tpu.enqueue_indirect_dma source(%dma_start3A_287 : memref<80000x128xf32, #tpu.memory_space<hbm>>) target(%arg10 : memref<128x128xf32, #tpu.memory_space<vmem>>) offsets(%dma_start3A_284 : memref<128xi32, #tpu.memory_space<vmem>>) semaphore(%arg13 : memref<!tpu.dma_semaphore, #tpu.memory_space<semaphore_mem>>)
    %dma_wait3A_288 = arith.constant 15 : i32
    %dma_wait3A_289 = arith.constant 0 : i32
    %dma_wait3A_290 = tpu.memref_slice %arg7[%dma_wait3A_288, %dma_wait3A_289] : memref<16x128xi32, #tpu.memory_space<vmem>> -> memref<1x128xi32, #tpu.memory_space<vmem>>
    %dma_wait3A_291 = tpu.memref_squeeze %dma_wait3A_290 : memref<1x128xi32, #tpu.memory_space<vmem>> -> memref<128xi32, #tpu.memory_space<vmem>>
    %dma_wait3A_292 = arith.constant 0 : i32
    %dma_wait3A_293 = arith.constant 0 : i32
    %dma_wait3A_294 = tpu.memref_slice %arg2[%dma_wait3A_292, %dma_wait3A_293] : memref<80000x128xf32, #tpu.memory_space<hbm>> -> memref<80000x128xf32, #tpu.memory_space<hbm>>
    tpu.wait_indirect_dma semaphore(%arg14 : memref<!tpu.dma_semaphore, #tpu.memory_space<semaphore_mem>>) src(%dma_wait3A_294 : memref<80000x128xf32, #tpu.memory_space<hbm>>) dst(%arg11 : memref<128x128xf32, #tpu.memory_space<vmem>>)
    %run_scoped3A_295 = arith.constant 15 : i32
    "tpu.region"() ({
      %run_scoped3A_330 = tpu.sem_alloc : memref<!tpu.dma_semaphore, #tpu.memory_space<semaphore_mem>>
      %dma_start3A_331 = arith.constant 0 : i32
      %dma_start3A_332 = tpu.memref_slice %arg9[%run_scoped3A_295, %dma_start3A_331] : memref<16x128xi32, #tpu.memory_space<vmem>> -> memref<1x128xi32, #tpu.memory_space<vmem>>
      %dma_start3A_333 = tpu.memref_squeeze %dma_start3A_332 : memref<1x128xi32, #tpu.memory_space<vmem>> -> memref<128xi32, #tpu.memory_space<vmem>>
      %dma_start3A_334 = arith.constant 0 : i32
      %dma_start3A_335 = arith.constant 0 : i32
      %dma_start3A_336 = tpu.memref_slice %arg12[%dma_start3A_334, %dma_start3A_335] : memref<10112x128xf32, #tpu.memory_space<vmem_shared>> -> memref<10112x128xf32, #tpu.memory_space<vmem_shared>>
      tpu.enqueue_indirect_dma source(%arg11 : memref<128x128xf32, #tpu.memory_space<vmem>>) target(%dma_start3A_336 : memref<10112x128xf32, #tpu.memory_space<vmem_shared>>) offsets(%dma_start3A_333 : memref<128xi32, #tpu.memory_space<vmem>>) semaphore(%run_scoped3A_330 : memref<!tpu.dma_semaphore, #tpu.memory_space<semaphore_mem>>) {add = true}
      %dma_wait3A_337 = arith.constant 0 : i32
      %dma_wait3A_338 = tpu.memref_slice %arg9[%run_scoped3A_295, %dma_wait3A_337] : memref<16x128xi32, #tpu.memory_space<vmem>> -> memref<1x128xi32, #tpu.memory_space<vmem>>
      %dma_wait3A_339 = tpu.memref_squeeze %dma_wait3A_338 : memref<1x128xi32, #tpu.memory_space<vmem>> -> memref<128xi32, #tpu.memory_space<vmem>>
      %dma_wait3A_340 = arith.constant 0 : i32
      %dma_wait3A_341 = arith.constant 0 : i32
      %dma_wait3A_342 = tpu.memref_slice %arg12[%dma_wait3A_340, %dma_wait3A_341] : memref<10112x128xf32, #tpu.memory_space<vmem_shared>> -> memref<10112x128xf32, #tpu.memory_space<vmem_shared>>
      tpu.wait_indirect_dma semaphore(%run_scoped3A_330 : memref<!tpu.dma_semaphore, #tpu.memory_space<semaphore_mem>>) src(%arg11 : memref<128x128xf32, #tpu.memory_space<vmem>>) dst(%dma_wait3A_342 : memref<10112x128xf32, #tpu.memory_space<vmem_shared>>)
      tpu.yield
    }) : () -> ()
    %scan3A_296 = arith.constant 0 : i32
    %scan3A_297 = arith.constant 0 : i32
    %scan3A_298 = arith.constant 7 : i32
    %scan3A_299 = arith.addi %scan3A_297, %scan3A_298 : i32
    %scan3A_300 = arith.constant 1 : i32
    scf.for %scan3A_330 = %scan3A_297 to %scan3A_299 step %scan3A_300  : i32 {
      %mul3A_331 = arith.constant 2 : i32
      %mul3A_332 = arith.muli %mul3A_331, %scan3A_330 : i32
      %add3A_333 = arith.constant 1 : i32
      %add3A_334 = arith.addi %mul3A_332, %add3A_333 : i32
      %dma_start3A_335 = arith.constant 0 : i32
      %dma_start3A_336 = tpu.memref_slice %arg6[%add3A_334, %dma_start3A_335] : memref<16x128xi32, #tpu.memory_space<vmem>> -> memref<1x128xi32, #tpu.memory_space<vmem>>
      %dma_start3A_337 = tpu.memref_squeeze %dma_start3A_336 : memref<1x128xi32, #tpu.memory_space<vmem>> -> memref<128xi32, #tpu.memory_space<vmem>>
      %dma_start3A_338 = arith.constant 0 : i32
      %dma_start3A_339 = arith.constant 0 : i32
      %dma_start3A_340 = tpu.memref_slice %arg2[%dma_start3A_338, %dma_start3A_339] : memref<80000x128xf32, #tpu.memory_space<hbm>> -> memref<80000x128xf32, #tpu.memory_space<hbm>>
      tpu.enqueue_indirect_dma source(%dma_start3A_340 : memref<80000x128xf32, #tpu.memory_space<hbm>>) target(%arg11 : memref<128x128xf32, #tpu.memory_space<vmem>>) offsets(%dma_start3A_337 : memref<128xi32, #tpu.memory_space<vmem>>) semaphore(%arg14 : memref<!tpu.dma_semaphore, #tpu.memory_space<semaphore_mem>>)
      %mul3A_341 = arith.constant 2 : i32
      %mul3A_342 = arith.muli %mul3A_341, %scan3A_330 : i32
      %dma_wait3A_343 = arith.constant 0 : i32
      %dma_wait3A_344 = tpu.memref_slice %arg6[%mul3A_342, %dma_wait3A_343] : memref<16x128xi32, #tpu.memory_space<vmem>> -> memref<1x128xi32, #tpu.memory_space<vmem>>
      %dma_wait3A_345 = tpu.memref_squeeze %dma_wait3A_344 : memref<1x128xi32, #tpu.memory_space<vmem>> -> memref<128xi32, #tpu.memory_space<vmem>>
      %dma_wait3A_346 = arith.constant 0 : i32
      %dma_wait3A_347 = arith.constant 0 : i32
      %dma_wait3A_348 = tpu.memref_slice %arg2[%dma_wait3A_346, %dma_wait3A_347] : memref<80000x128xf32, #tpu.memory_space<hbm>> -> memref<80000x128xf32, #tpu.memory_space<hbm>>
      tpu.wait_indirect_dma semaphore(%arg13 : memref<!tpu.dma_semaphore, #tpu.memory_space<semaphore_mem>>) src(%dma_wait3A_348 : memref<80000x128xf32, #tpu.memory_space<hbm>>) dst(%arg10 : memref<128x128xf32, #tpu.memory_space<vmem>>)
      %mul3A_349 = arith.constant 2 : i32
      %mul3A_350 = arith.muli %mul3A_349, %scan3A_330 : i32
      "tpu.region"() ({
        %run_scoped3A_375 = tpu.sem_alloc : memref<!tpu.dma_semaphore, #tpu.memory_space<semaphore_mem>>
        %dma_start3A_376 = arith.constant 0 : i32
        %dma_start3A_377 = tpu.memref_slice %arg8[%mul3A_350, %dma_start3A_376] : memref<16x128xi32, #tpu.memory_space<vmem>> -> memref<1x128xi32, #tpu.memory_space<vmem>>
        %dma_start3A_378 = tpu.memref_squeeze %dma_start3A_377 : memref<1x128xi32, #tpu.memory_space<vmem>> -> memref<128xi32, #tpu.memory_space<vmem>>
        %dma_start3A_379 = arith.constant 0 : i32
        %dma_start3A_380 = arith.constant 0 : i32
        %dma_start3A_381 = tpu.memref_slice %arg12[%dma_start3A_379, %dma_start3A_380] : memref<10112x128xf32, #tpu.memory_space<vmem_shared>> -> memref<10112x128xf32, #tpu.memory_space<vmem_shared>>
        tpu.enqueue_indirect_dma source(%arg10 : memref<128x128xf32, #tpu.memory_space<vmem>>) target(%dma_start3A_381 : memref<10112x128xf32, #tpu.memory_space<vmem_shared>>) offsets(%dma_start3A_378 : memref<128xi32, #tpu.memory_space<vmem>>) semaphore(%run_scoped3A_375 : memref<!tpu.dma_semaphore, #tpu.memory_space<semaphore_mem>>) {add = true}
        %dma_wait3A_382 = arith.constant 0 : i32
        %dma_wait3A_383 = tpu.memref_slice %arg8[%mul3A_350, %dma_wait3A_382] : memref<16x128xi32, #tpu.memory_space<vmem>> -> memref<1x128xi32, #tpu.memory_space<vmem>>
        %dma_wait3A_384 = tpu.memref_squeeze %dma_wait3A_383 : memref<1x128xi32, #tpu.memory_space<vmem>> -> memref<128xi32, #tpu.memory_space<vmem>>
        %dma_wait3A_385 = arith.constant 0 : i32
        %dma_wait3A_386 = arith.constant 0 : i32
        %dma_wait3A_387 = tpu.memref_slice %arg12[%dma_wait3A_385, %dma_wait3A_386] : memref<10112x128xf32, #tpu.memory_space<vmem_shared>> -> memref<10112x128xf32, #tpu.memory_space<vmem_shared>>
        tpu.wait_indirect_dma semaphore(%run_scoped3A_375 : memref<!tpu.dma_semaphore, #tpu.memory_space<semaphore_mem>>) src(%arg10 : memref<128x128xf32, #tpu.memory_space<vmem>>) dst(%dma_wait3A_387 : memref<10112x128xf32, #tpu.memory_space<vmem_shared>>)
        tpu.yield
      }) : () -> ()
      %mul3A_351 = arith.constant 2 : i32
      %mul3A_352 = arith.muli %mul3A_351, %scan3A_330 : i32
      %add3A_353 = arith.constant 2 : i32
      %add3A_354 = arith.addi %mul3A_352, %add3A_353 : i32
      %dma_start3A_355 = arith.constant 0 : i32
      %dma_start3A_356 = tpu.memref_slice %arg6[%add3A_354, %dma_start3A_355] : memref<16x128xi32, #tpu.memory_space<vmem>> -> memref<1x128xi32, #tpu.memory_space<vmem>>
      %dma_start3A_357 = tpu.memref_squeeze %dma_start3A_356 : memref<1x128xi32, #tpu.memory_space<vmem>> -> memref<128xi32, #tpu.memory_space<vmem>>
      %dma_start3A_358 = arith.constant 0 : i32
      %dma_start3A_359 = arith.constant 0 : i32
      %dma_start3A_360 = tpu.memref_slice %arg2[%dma_start3A_358, %dma_start3A_359] : memref<80000x128xf32, #tpu.memory_space<hbm>> -> memref<80000x128xf32, #tpu.memory_space<hbm>>
      tpu.enqueue_indirect_dma source(%dma_start3A_360 : memref<80000x128xf32, #tpu.memory_space<hbm>>) target(%arg10 : memref<128x128xf32, #tpu.memory_space<vmem>>) offsets(%dma_start3A_357 : memref<128xi32, #tpu.memory_space<vmem>>) semaphore(%arg13 : memref<!tpu.dma_semaphore, #tpu.memory_space<semaphore_mem>>)
      %mul3A_361 = arith.constant 2 : i32
      %mul3A_362 = arith.muli %mul3A_361, %scan3A_330 : i32
      %add3A_363 = arith.constant 1 : i32
      %add3A_364 = arith.addi %mul3A_362, %add3A_363 : i32
      %dma_wait3A_365 = arith.constant 0 : i32
      %dma_wait3A_366 = tpu.memref_slice %arg6[%add3A_364, %dma_wait3A_365] : memref<16x128xi32, #tpu.memory_space<vmem>> -> memref<1x128xi32, #tpu.memory_space<vmem>>
      %dma_wait3A_367 = tpu.memref_squeeze %dma_wait3A_366 : memref<1x128xi32, #tpu.memory_space<vmem>> -> memref<128xi32, #tpu.memory_space<vmem>>
      %dma_wait3A_368 = arith.constant 0 : i32
      %dma_wait3A_369 = arith.constant 0 : i32
      %dma_wait3A_370 = tpu.memref_slice %arg2[%dma_wait3A_368, %dma_wait3A_369] : memref<80000x128xf32, #tpu.memory_space<hbm>> -> memref<80000x128xf32, #tpu.memory_space<hbm>>
      tpu.wait_indirect_dma semaphore(%arg14 : memref<!tpu.dma_semaphore, #tpu.memory_space<semaphore_mem>>) src(%dma_wait3A_370 : memref<80000x128xf32, #tpu.memory_space<hbm>>) dst(%arg11 : memref<128x128xf32, #tpu.memory_space<vmem>>)
      %mul3A_371 = arith.constant 2 : i32
      %mul3A_372 = arith.muli %mul3A_371, %scan3A_330 : i32
      %add3A_373 = arith.constant 1 : i32
      %add3A_374 = arith.addi %mul3A_372, %add3A_373 : i32
      "tpu.region"() ({
        %run_scoped3A_375 = tpu.sem_alloc : memref<!tpu.dma_semaphore, #tpu.memory_space<semaphore_mem>>
        %dma_start3A_376 = arith.constant 0 : i32
        %dma_start3A_377 = tpu.memref_slice %arg8[%add3A_374, %dma_start3A_376] : memref<16x128xi32, #tpu.memory_space<vmem>> -> memref<1x128xi32, #tpu.memory_space<vmem>>
        %dma_start3A_378 = tpu.memref_squeeze %dma_start3A_377 : memref<1x128xi32, #tpu.memory_space<vmem>> -> memref<128xi32, #tpu.memory_space<vmem>>
        %dma_start3A_379 = arith.constant 0 : i32
        %dma_start3A_380 = arith.constant 0 : i32
        %dma_start3A_381 = tpu.memref_slice %arg12[%dma_start3A_379, %dma_start3A_380] : memref<10112x128xf32, #tpu.memory_space<vmem_shared>> -> memref<10112x128xf32, #tpu.memory_space<vmem_shared>>
        tpu.enqueue_indirect_dma source(%arg11 : memref<128x128xf32, #tpu.memory_space<vmem>>) target(%dma_start3A_381 : memref<10112x128xf32, #tpu.memory_space<vmem_shared>>) offsets(%dma_start3A_378 : memref<128xi32, #tpu.memory_space<vmem>>) semaphore(%run_scoped3A_375 : memref<!tpu.dma_semaphore, #tpu.memory_space<semaphore_mem>>) {add = true}
        %dma_wait3A_382 = arith.constant 0 : i32
        %dma_wait3A_383 = tpu.memref_slice %arg8[%add3A_374, %dma_wait3A_382] : memref<16x128xi32, #tpu.memory_space<vmem>> -> memref<1x128xi32, #tpu.memory_space<vmem>>
        %dma_wait3A_384 = tpu.memref_squeeze %dma_wait3A_383 : memref<1x128xi32, #tpu.memory_space<vmem>> -> memref<128xi32, #tpu.memory_space<vmem>>
        %dma_wait3A_385 = arith.constant 0 : i32
        %dma_wait3A_386 = arith.constant 0 : i32
        %dma_wait3A_387 = tpu.memref_slice %arg12[%dma_wait3A_385, %dma_wait3A_386] : memref<10112x128xf32, #tpu.memory_space<vmem_shared>> -> memref<10112x128xf32, #tpu.memory_space<vmem_shared>>
        tpu.wait_indirect_dma semaphore(%run_scoped3A_375 : memref<!tpu.dma_semaphore, #tpu.memory_space<semaphore_mem>>) src(%arg11 : memref<128x128xf32, #tpu.memory_space<vmem>>) dst(%dma_wait3A_387 : memref<10112x128xf32, #tpu.memory_space<vmem_shared>>)
        tpu.yield
      }) : () -> ()
    }
    %scan3A_301 = arith.constant 7 : i32
    %dma_start3A_302 = arith.constant 15 : i32
    %dma_start3A_303 = arith.constant 0 : i32
    %dma_start3A_304 = tpu.memref_slice %arg6[%dma_start3A_302, %dma_start3A_303] : memref<16x128xi32, #tpu.memory_space<vmem>> -> memref<1x128xi32, #tpu.memory_space<vmem>>
    %dma_start3A_305 = tpu.memref_squeeze %dma_start3A_304 : memref<1x128xi32, #tpu.memory_space<vmem>> -> memref<128xi32, #tpu.memory_space<vmem>>
    %dma_start3A_306 = arith.constant 0 : i32
    %dma_start3A_307 = arith.constant 0 : i32
    %dma_start3A_308 = tpu.memref_slice %arg2[%dma_start3A_306, %dma_start3A_307] : memref<80000x128xf32, #tpu.memory_space<hbm>> -> memref<80000x128xf32, #tpu.memory_space<hbm>>
    tpu.enqueue_indirect_dma source(%dma_start3A_308 : memref<80000x128xf32, #tpu.memory_space<hbm>>) target(%arg11 : memref<128x128xf32, #tpu.memory_space<vmem>>) offsets(%dma_start3A_305 : memref<128xi32, #tpu.memory_space<vmem>>) semaphore(%arg14 : memref<!tpu.dma_semaphore, #tpu.memory_space<semaphore_mem>>)
    %dma_wait3A_309 = arith.constant 14 : i32
    %dma_wait3A_310 = arith.constant 0 : i32
    %dma_wait3A_311 = tpu.memref_slice %arg6[%dma_wait3A_309, %dma_wait3A_310] : memref<16x128xi32, #tpu.memory_space<vmem>> -> memref<1x128xi32, #tpu.memory_space<vmem>>
    %dma_wait3A_312 = tpu.memref_squeeze %dma_wait3A_311 : memref<1x128xi32, #tpu.memory_space<vmem>> -> memref<128xi32, #tpu.memory_space<vmem>>
    %dma_wait3A_313 = arith.constant 0 : i32
    %dma_wait3A_314 = arith.constant 0 : i32
    %dma_wait3A_315 = tpu.memref_slice %arg2[%dma_wait3A_313, %dma_wait3A_314] : memref<80000x128xf32, #tpu.memory_space<hbm>> -> memref<80000x128xf32, #tpu.memory_space<hbm>>
    tpu.wait_indirect_dma semaphore(%arg13 : memref<!tpu.dma_semaphore, #tpu.memory_space<semaphore_mem>>) src(%dma_wait3A_315 : memref<80000x128xf32, #tpu.memory_space<hbm>>) dst(%arg10 : memref<128x128xf32, #tpu.memory_space<vmem>>)
    %run_scoped3A_316 = arith.constant 14 : i32
    "tpu.region"() ({
      %run_scoped3A_330 = tpu.sem_alloc : memref<!tpu.dma_semaphore, #tpu.memory_space<semaphore_mem>>
      %dma_start3A_331 = arith.constant 0 : i32
      %dma_start3A_332 = tpu.memref_slice %arg8[%run_scoped3A_316, %dma_start3A_331] : memref<16x128xi32, #tpu.memory_space<vmem>> -> memref<1x128xi32, #tpu.memory_space<vmem>>
      %dma_start3A_333 = tpu.memref_squeeze %dma_start3A_332 : memref<1x128xi32, #tpu.memory_space<vmem>> -> memref<128xi32, #tpu.memory_space<vmem>>
      %dma_start3A_334 = arith.constant 0 : i32
      %dma_start3A_335 = arith.constant 0 : i32
      %dma_start3A_336 = tpu.memref_slice %arg12[%dma_start3A_334, %dma_start3A_335] : memref<10112x128xf32, #tpu.memory_space<vmem_shared>> -> memref<10112x128xf32, #tpu.memory_space<vmem_shared>>
      tpu.enqueue_indirect_dma source(%arg10 : memref<128x128xf32, #tpu.memory_space<vmem>>) target(%dma_start3A_336 : memref<10112x128xf32, #tpu.memory_space<vmem_shared>>) offsets(%dma_start3A_333 : memref<128xi32, #tpu.memory_space<vmem>>) semaphore(%run_scoped3A_330 : memref<!tpu.dma_semaphore, #tpu.memory_space<semaphore_mem>>) {add = true}
      %dma_wait3A_337 = arith.constant 0 : i32
      %dma_wait3A_338 = tpu.memref_slice %arg8[%run_scoped3A_316, %dma_wait3A_337] : memref<16x128xi32, #tpu.memory_space<vmem>> -> memref<1x128xi32, #tpu.memory_space<vmem>>
      %dma_wait3A_339 = tpu.memref_squeeze %dma_wait3A_338 : memref<1x128xi32, #tpu.memory_space<vmem>> -> memref<128xi32, #tpu.memory_space<vmem>>
      %dma_wait3A_340 = arith.constant 0 : i32
      %dma_wait3A_341 = arith.constant 0 : i32
      %dma_wait3A_342 = tpu.memref_slice %arg12[%dma_wait3A_340, %dma_wait3A_341] : memref<10112x128xf32, #tpu.memory_space<vmem_shared>> -> memref<10112x128xf32, #tpu.memory_space<vmem_shared>>
      tpu.wait_indirect_dma semaphore(%run_scoped3A_330 : memref<!tpu.dma_semaphore, #tpu.memory_space<semaphore_mem>>) src(%arg10 : memref<128x128xf32, #tpu.memory_space<vmem>>) dst(%dma_wait3A_342 : memref<10112x128xf32, #tpu.memory_space<vmem_shared>>)
      tpu.yield
    }) : () -> ()
    %dma_wait3A_317 = arith.constant 15 : i32
    %dma_wait3A_318 = arith.constant 0 : i32
    %dma_wait3A_319 = tpu.memref_slice %arg6[%dma_wait3A_317, %dma_wait3A_318] : memref<16x128xi32, #tpu.memory_space<vmem>> -> memref<1x128xi32, #tpu.memory_space<vmem>>
    %dma_wait3A_320 = tpu.memref_squeeze %dma_wait3A_319 : memref<1x128xi32, #tpu.memory_space<vmem>> -> memref<128xi32, #tpu.memory_space<vmem>>
    %dma_wait3A_321 = arith.constant 0 : i32
    %dma_wait3A_322 = arith.constant 0 : i32
    %dma_wait3A_323 = tpu.memref_slice %arg2[%dma_wait3A_321, %dma_wait3A_322] : memref<80000x128xf32, #tpu.memory_space<hbm>> -> memref<80000x128xf32, #tpu.memory_space<hbm>>
    tpu.wait_indirect_dma semaphore(%arg14 : memref<!tpu.dma_semaphore, #tpu.memory_space<semaphore_mem>>) src(%dma_wait3A_323 : memref<80000x128xf32, #tpu.memory_space<hbm>>) dst(%arg11 : memref<128x128xf32, #tpu.memory_space<vmem>>)
    %run_scoped3A_324 = arith.constant 15 : i32
    "tpu.region"() ({
      %run_scoped3A_330 = tpu.sem_alloc : memref<!tpu.dma_semaphore, #tpu.memory_space<semaphore_mem>>
      %dma_start3A_331 = arith.constant 0 : i32
      %dma_start3A_332 = tpu.memref_slice %arg8[%run_scoped3A_324, %dma_start3A_331] : memref<16x128xi32, #tpu.memory_space<vmem>> -> memref<1x128xi32, #tpu.memory_space<vmem>>
      %dma_start3A_333 = tpu.memref_squeeze %dma_start3A_332 : memref<1x128xi32, #tpu.memory_space<vmem>> -> memref<128xi32, #tpu.memory_space<vmem>>
      %dma_start3A_334 = arith.constant 0 : i32
      %dma_start3A_335 = arith.constant 0 : i32
      %dma_start3A_336 = tpu.memref_slice %arg12[%dma_start3A_334, %dma_start3A_335] : memref<10112x128xf32, #tpu.memory_space<vmem_shared>> -> memref<10112x128xf32, #tpu.memory_space<vmem_shared>>
      tpu.enqueue_indirect_dma source(%arg11 : memref<128x128xf32, #tpu.memory_space<vmem>>) target(%dma_start3A_336 : memref<10112x128xf32, #tpu.memory_space<vmem_shared>>) offsets(%dma_start3A_333 : memref<128xi32, #tpu.memory_space<vmem>>) semaphore(%run_scoped3A_330 : memref<!tpu.dma_semaphore, #tpu.memory_space<semaphore_mem>>) {add = true}
      %dma_wait3A_337 = arith.constant 0 : i32
      %dma_wait3A_338 = tpu.memref_slice %arg8[%run_scoped3A_324, %dma_wait3A_337] : memref<16x128xi32, #tpu.memory_space<vmem>> -> memref<1x128xi32, #tpu.memory_space<vmem>>
      %dma_wait3A_339 = tpu.memref_squeeze %dma_wait3A_338 : memref<1x128xi32, #tpu.memory_space<vmem>> -> memref<128xi32, #tpu.memory_space<vmem>>
      %dma_wait3A_340 = arith.constant 0 : i32
      %dma_wait3A_341 = arith.constant 0 : i32
      %dma_wait3A_342 = tpu.memref_slice %arg12[%dma_wait3A_340, %dma_wait3A_341] : memref<10112x128xf32, #tpu.memory_space<vmem_shared>> -> memref<10112x128xf32, #tpu.memory_space<vmem_shared>>
      tpu.wait_indirect_dma semaphore(%run_scoped3A_330 : memref<!tpu.dma_semaphore, #tpu.memory_space<semaphore_mem>>) src(%arg11 : memref<128x128xf32, #tpu.memory_space<vmem>>) dst(%dma_wait3A_342 : memref<10112x128xf32, #tpu.memory_space<vmem_shared>>)
      tpu.yield
    }) : () -> ()
    %barrier3A_325 = arith.constant 0 : index
    tpu.barrier barrier_id(%barrier3A_325)
    %mul3A_326 = arith.constant 632 : i32
    %mul3A_327 = arith.muli %arg1, %mul3A_326 : i32
    %mul3A_328 = arith.constant 632 : i32
    %mul3A_329 = arith.muli %arg1, %mul3A_328 : i32
    "tpu.region"() ({
      %run_scoped3A_330 = tpu.sem_alloc : memref<!tpu.dma_semaphore, #tpu.memory_space<semaphore_mem>>
      %dma_start3A_331 = arith.constant 0 : i32
      %dma_start3A_332 = tpu.memref_slice %arg5[%arg0, %mul3A_329, %dma_start3A_331] : memref<2x10112x128xf32, #tpu.memory_space<hbm>> -> memref<1x632x128xf32, #tpu.memory_space<hbm>>
      %dma_start3A_333 = tpu.memref_squeeze %dma_start3A_332 : memref<1x632x128xf32, #tpu.memory_space<hbm>> -> memref<632x128xf32, #tpu.memory_space<hbm>>
      %dma_start3A_334 = arith.constant 0 : i32
      %dma_start3A_335 = tpu.memref_slice %arg12[%mul3A_327, %dma_start3A_334] : memref<10112x128xf32, #tpu.memory_space<vmem_shared>> -> memref<632x128xf32, #tpu.memory_space<vmem_shared>>
      tpu.enqueue_dma source(%dma_start3A_335 : memref<632x128xf32, #tpu.memory_space<vmem_shared>>) target(%dma_start3A_333 : memref<632x128xf32, #tpu.memory_space<hbm>>) target_semaphore(%run_scoped3A_330 : memref<!tpu.dma_semaphore, #tpu.memory_space<semaphore_mem>>)
      %dma_wait3A_336 = arith.constant 0 : i32
      %dma_wait3A_337 = tpu.memref_slice %arg5[%arg0, %mul3A_329, %dma_wait3A_336] : memref<2x10112x128xf32, #tpu.memory_space<hbm>> -> memref<1x632x128xf32, #tpu.memory_space<hbm>>
      %dma_wait3A_338 = tpu.memref_squeeze %dma_wait3A_337 : memref<1x632x128xf32, #tpu.memory_space<hbm>> -> memref<632x128xf32, #tpu.memory_space<hbm>>
      %dma_wait3A_339 = arith.constant 0 : i32
      %dma_wait3A_340 = tpu.memref_slice %arg12[%mul3A_327, %dma_wait3A_339] : memref<10112x128xf32, #tpu.memory_space<vmem_shared>> -> memref<632x128xf32, #tpu.memory_space<vmem_shared>>
      tpu.wait_dma2 semaphore(%run_scoped3A_330 : memref<!tpu.dma_semaphore, #tpu.memory_space<semaphore_mem>>) src(%dma_wait3A_340 : memref<632x128xf32, #tpu.memory_space<vmem_shared>>) dst(%dma_wait3A_338 : memref<632x128xf32, #tpu.memory_space<hbm>>)
      tpu.yield
    }) : () -> ()
    return
  }
}

module attributes {stable_mosaic.version = 14 : i64} {
  func.func @_transform_body(%arg0: i32, %arg1: memref<2000x128xf32, #tpu.memory_space<vmem>>, %arg2: memref<4x128x128xf32, #tpu.memory_space<vmem>>, %arg3: memref<8x1x4xf32, #tpu.memory_space<vmem>>, %arg4: memref<512x128xi32, #tpu.memory_space<vmem>>, %arg5: memref<512x128xi32, #tpu.memory_space<vmem>>, %arg6: memref<8x2000x128xf32, #tpu.memory_space<vmem>>, %arg7: memref<512x128xi32, #tpu.memory_space<vmem>>) attributes {dimension_semantics = [#tpu.dimension_semantics<arbitrary>], iteration_bounds = array<i64: 5>, scalar_prefetch = 0 : i64, scratch_operands = 0 : i64, tpu.core_type = #tpu.core_type<tc>, window_params = [{transform_indices = @transform_0, window_bounds = array<i64: 2000, 128>}, {pipeline_mode = #tpu.pipeline_mode<synchronous>, transform_indices = @transform_1, window_bounds = array<i64: 4, 128, 128>}, {pipeline_mode = #tpu.pipeline_mode<synchronous>, transform_indices = @transform_2, window_bounds = array<i64: 8, 1, 4>}, {transform_indices = @transform_3, window_bounds = array<i64: 512, 128>}, {transform_indices = @transform_4, window_bounds = array<i64: 512, 128>}, {transform_indices = @transform_5, window_bounds = array<i64: 8, 2000, 128>}, {transform_indices = @transform_6, window_bounds = array<i64: 512, 128>}]} {
    %get3A = arith.constant 0 : index
    %get3A_0 = arith.constant 0 : index
    %get3A_1 = vector.load %arg1[%get3A, %get3A_0] : memref<2000x128xf32, #tpu.memory_space<vmem>>, vector<2000x128xf32>
    %get3A_2 = arith.constant 0 : index
    %get3A_3 = arith.constant 0 : index
    %get3A_4 = arith.constant 0 : index
    %get3A_5 = vector.load %arg3[%get3A_2, %get3A_3, %get3A_4] : memref<8x1x4xf32, #tpu.memory_space<vmem>>, vector<1x1x1xf32>
    %get3A_6 = vector.extract %get3A_5[0, 0, 0] : f32 from vector<1x1x1xf32>
    %get3A_7 = arith.constant 0 : index
    %get3A_8 = arith.constant 0 : index
    %get3A_9 = arith.constant 0 : index
    %get3A_10 = vector.load %arg2[%get3A_7, %get3A_8, %get3A_9] : memref<4x128x128xf32, #tpu.memory_space<vmem>>, vector<1x128x128xf32>
    %get3A_11 = vector.shape_cast %get3A_10 : vector<1x128x128xf32> to vector<128x128xf32>
    %mul3A = vector.broadcast %get3A_6 : f32 to vector<128x128xf32>
    %mul3A_12 = arith.mulf %mul3A, %get3A_11 : vector<128x128xf32>
    %get3A_13 = arith.constant 0 : index
    %get3A_14 = arith.constant 0 : index
    %get3A_15 = arith.constant 1 : index
    %get3A_16 = vector.load %arg3[%get3A_13, %get3A_14, %get3A_15] : memref<8x1x4xf32, #tpu.memory_space<vmem>>, vector<1x1x1xf32>
    %get3A_17 = vector.extract %get3A_16[0, 0, 0] : f32 from vector<1x1x1xf32>
    %get3A_18 = arith.constant 1 : index
    %get3A_19 = arith.constant 0 : index
    %get3A_20 = arith.constant 0 : index
    %get3A_21 = vector.load %arg2[%get3A_18, %get3A_19, %get3A_20] : memref<4x128x128xf32, #tpu.memory_space<vmem>>, vector<1x128x128xf32>
    %get3A_22 = vector.shape_cast %get3A_21 : vector<1x128x128xf32> to vector<128x128xf32>
    %mul3A_23 = vector.broadcast %get3A_17 : f32 to vector<128x128xf32>
    %mul3A_24 = arith.mulf %mul3A_23, %get3A_22 : vector<128x128xf32>
    %add3A = arith.addf %mul3A_12, %mul3A_24 : vector<128x128xf32>
    %get3A_25 = arith.constant 0 : index
    %get3A_26 = arith.constant 0 : index
    %get3A_27 = arith.constant 2 : index
    %get3A_28 = vector.load %arg3[%get3A_25, %get3A_26, %get3A_27] : memref<8x1x4xf32, #tpu.memory_space<vmem>>, vector<1x1x1xf32>
    %get3A_29 = vector.extract %get3A_28[0, 0, 0] : f32 from vector<1x1x1xf32>
    %get3A_30 = arith.constant 2 : index
    %get3A_31 = arith.constant 0 : index
    %get3A_32 = arith.constant 0 : index
    %get3A_33 = vector.load %arg2[%get3A_30, %get3A_31, %get3A_32] : memref<4x128x128xf32, #tpu.memory_space<vmem>>, vector<1x128x128xf32>
    %get3A_34 = vector.shape_cast %get3A_33 : vector<1x128x128xf32> to vector<128x128xf32>
    %mul3A_35 = vector.broadcast %get3A_29 : f32 to vector<128x128xf32>
    %mul3A_36 = arith.mulf %mul3A_35, %get3A_34 : vector<128x128xf32>
    %add3A_37 = arith.addf %add3A, %mul3A_36 : vector<128x128xf32>
    %get3A_38 = arith.constant 0 : index
    %get3A_39 = arith.constant 0 : index
    %get3A_40 = arith.constant 3 : index
    %get3A_41 = vector.load %arg3[%get3A_38, %get3A_39, %get3A_40] : memref<8x1x4xf32, #tpu.memory_space<vmem>>, vector<1x1x1xf32>
    %get3A_42 = vector.extract %get3A_41[0, 0, 0] : f32 from vector<1x1x1xf32>
    %get3A_43 = arith.constant 3 : index
    %get3A_44 = arith.constant 0 : index
    %get3A_45 = arith.constant 0 : index
    %get3A_46 = vector.load %arg2[%get3A_43, %get3A_44, %get3A_45] : memref<4x128x128xf32, #tpu.memory_space<vmem>>, vector<1x128x128xf32>
    %get3A_47 = vector.shape_cast %get3A_46 : vector<1x128x128xf32> to vector<128x128xf32>
    %mul3A_48 = vector.broadcast %get3A_42 : f32 to vector<128x128xf32>
    %mul3A_49 = arith.mulf %mul3A_48, %get3A_47 : vector<128x128xf32>
    %add3A_50 = arith.addf %add3A_37, %mul3A_49 : vector<128x128xf32>
    %dot_general3A = arith.constant dense<0.000000e+00> : vector<2000x128xf32>
    %dot_general3A_51 = tpu.matmul %get3A_1, %add3A_50, %dot_general3A {dimension_numbers = #tpu.dot_dimension_numbers<[1], [0], [0], [1], [0, 0, 1, 1], [], []>, transpose_lhs_hint = false} : vector<2000x128xf32>, vector<128x128xf32>, vector<2000x128xf32> -> vector<2000x128xf32>
    %swap3A = arith.constant 0 : index
    %swap3A_52 = arith.constant 0 : index
    %swap3A_53 = arith.constant 0 : index
    %swap3A_54 = vector.load %arg6[%swap3A, %swap3A_52, %swap3A_53] : memref<8x2000x128xf32, #tpu.memory_space<vmem>>, vector<1x2000x128xf32>
    %swap3A_55 = vector.shape_cast %swap3A_54 : vector<1x2000x128xf32> to vector<2000x128xf32>
    %swap3A_56 = vector.shape_cast %dot_general3A_51 : vector<2000x128xf32> to vector<1x2000x128xf32>
    tpu.vector_store %arg6[%swap3A, %swap3A_52, %swap3A_53], %swap3A_56 {strides = array<i32>} : memref<8x2000x128xf32, #tpu.memory_space<vmem>>, vector<1x2000x128xf32>,
    %get3A_57 = arith.constant 1 : index
    %get3A_58 = arith.constant 0 : index
    %get3A_59 = arith.constant 0 : index
    %get3A_60 = vector.load %arg3[%get3A_57, %get3A_58, %get3A_59] : memref<8x1x4xf32, #tpu.memory_space<vmem>>, vector<1x1x1xf32>
    %get3A_61 = vector.extract %get3A_60[0, 0, 0] : f32 from vector<1x1x1xf32>
    %get3A_62 = arith.constant 0 : index
    %get3A_63 = arith.constant 0 : index
    %get3A_64 = arith.constant 0 : index
    %get3A_65 = vector.load %arg2[%get3A_62, %get3A_63, %get3A_64] : memref<4x128x128xf32, #tpu.memory_space<vmem>>, vector<1x128x128xf32>
    %get3A_66 = vector.shape_cast %get3A_65 : vector<1x128x128xf32> to vector<128x128xf32>
    %mul3A_67 = vector.broadcast %get3A_61 : f32 to vector<128x128xf32>
    %mul3A_68 = arith.mulf %mul3A_67, %get3A_66 : vector<128x128xf32>
    %get3A_69 = arith.constant 1 : index
    %get3A_70 = arith.constant 0 : index
    %get3A_71 = arith.constant 1 : index
    %get3A_72 = vector.load %arg3[%get3A_69, %get3A_70, %get3A_71] : memref<8x1x4xf32, #tpu.memory_space<vmem>>, vector<1x1x1xf32>
    %get3A_73 = vector.extract %get3A_72[0, 0, 0] : f32 from vector<1x1x1xf32>
    %get3A_74 = arith.constant 1 : index
    %get3A_75 = arith.constant 0 : index
    %get3A_76 = arith.constant 0 : index
    %get3A_77 = vector.load %arg2[%get3A_74, %get3A_75, %get3A_76] : memref<4x128x128xf32, #tpu.memory_space<vmem>>, vector<1x128x128xf32>
    %get3A_78 = vector.shape_cast %get3A_77 : vector<1x128x128xf32> to vector<128x128xf32>
    %mul3A_79 = vector.broadcast %get3A_73 : f32 to vector<128x128xf32>
    %mul3A_80 = arith.mulf %mul3A_79, %get3A_78 : vector<128x128xf32>
    %add3A_81 = arith.addf %mul3A_68, %mul3A_80 : vector<128x128xf32>
    %get3A_82 = arith.constant 1 : index
    %get3A_83 = arith.constant 0 : index
    %get3A_84 = arith.constant 2 : index
    %get3A_85 = vector.load %arg3[%get3A_82, %get3A_83, %get3A_84] : memref<8x1x4xf32, #tpu.memory_space<vmem>>, vector<1x1x1xf32>
    %get3A_86 = vector.extract %get3A_85[0, 0, 0] : f32 from vector<1x1x1xf32>
    %get3A_87 = arith.constant 2 : index
    %get3A_88 = arith.constant 0 : index
    %get3A_89 = arith.constant 0 : index
    %get3A_90 = vector.load %arg2[%get3A_87, %get3A_88, %get3A_89] : memref<4x128x128xf32, #tpu.memory_space<vmem>>, vector<1x128x128xf32>
    %get3A_91 = vector.shape_cast %get3A_90 : vector<1x128x128xf32> to vector<128x128xf32>
    %mul3A_92 = vector.broadcast %get3A_86 : f32 to vector<128x128xf32>
    %mul3A_93 = arith.mulf %mul3A_92, %get3A_91 : vector<128x128xf32>
    %add3A_94 = arith.addf %add3A_81, %mul3A_93 : vector<128x128xf32>
    %get3A_95 = arith.constant 1 : index
    %get3A_96 = arith.constant 0 : index
    %get3A_97 = arith.constant 3 : index
    %get3A_98 = vector.load %arg3[%get3A_95, %get3A_96, %get3A_97] : memref<8x1x4xf32, #tpu.memory_space<vmem>>, vector<1x1x1xf32>
    %get3A_99 = vector.extract %get3A_98[0, 0, 0] : f32 from vector<1x1x1xf32>
    %get3A_100 = arith.constant 3 : index
    %get3A_101 = arith.constant 0 : index
    %get3A_102 = arith.constant 0 : index
    %get3A_103 = vector.load %arg2[%get3A_100, %get3A_101, %get3A_102] : memref<4x128x128xf32, #tpu.memory_space<vmem>>, vector<1x128x128xf32>
    %get3A_104 = vector.shape_cast %get3A_103 : vector<1x128x128xf32> to vector<128x128xf32>
    %mul3A_105 = vector.broadcast %get3A_99 : f32 to vector<128x128xf32>
    %mul3A_106 = arith.mulf %mul3A_105, %get3A_104 : vector<128x128xf32>
    %add3A_107 = arith.addf %add3A_94, %mul3A_106 : vector<128x128xf32>
    %dot_general3A_108 = arith.constant dense<0.000000e+00> : vector<2000x128xf32>
    %dot_general3A_109 = tpu.matmul %get3A_1, %add3A_107, %dot_general3A_108 {dimension_numbers = #tpu.dot_dimension_numbers<[1], [0], [0], [1], [0, 0, 1, 1], [], []>, transpose_lhs_hint = false} : vector<2000x128xf32>, vector<128x128xf32>, vector<2000x128xf32> -> vector<2000x128xf32>
    %swap3A_110 = arith.constant 1 : index
    %swap3A_111 = arith.constant 0 : index
    %swap3A_112 = arith.constant 0 : index
    %swap3A_113 = vector.load %arg6[%swap3A_110, %swap3A_111, %swap3A_112] : memref<8x2000x128xf32, #tpu.memory_space<vmem>>, vector<1x2000x128xf32>
    %swap3A_114 = vector.shape_cast %swap3A_113 : vector<1x2000x128xf32> to vector<2000x128xf32>
    %swap3A_115 = vector.shape_cast %dot_general3A_109 : vector<2000x128xf32> to vector<1x2000x128xf32>
    tpu.vector_store %arg6[%swap3A_110, %swap3A_111, %swap3A_112], %swap3A_115 {strides = array<i32>} : memref<8x2000x128xf32, #tpu.memory_space<vmem>>, vector<1x2000x128xf32>,
    %get3A_116 = arith.constant 2 : index
    %get3A_117 = arith.constant 0 : index
    %get3A_118 = arith.constant 0 : index
    %get3A_119 = vector.load %arg3[%get3A_116, %get3A_117, %get3A_118] : memref<8x1x4xf32, #tpu.memory_space<vmem>>, vector<1x1x1xf32>
    %get3A_120 = vector.extract %get3A_119[0, 0, 0] : f32 from vector<1x1x1xf32>
    %get3A_121 = arith.constant 0 : index
    %get3A_122 = arith.constant 0 : index
    %get3A_123 = arith.constant 0 : index
    %get3A_124 = vector.load %arg2[%get3A_121, %get3A_122, %get3A_123] : memref<4x128x128xf32, #tpu.memory_space<vmem>>, vector<1x128x128xf32>
    %get3A_125 = vector.shape_cast %get3A_124 : vector<1x128x128xf32> to vector<128x128xf32>
    %mul3A_126 = vector.broadcast %get3A_120 : f32 to vector<128x128xf32>
    %mul3A_127 = arith.mulf %mul3A_126, %get3A_125 : vector<128x128xf32>
    %get3A_128 = arith.constant 2 : index
    %get3A_129 = arith.constant 0 : index
    %get3A_130 = arith.constant 1 : index
    %get3A_131 = vector.load %arg3[%get3A_128, %get3A_129, %get3A_130] : memref<8x1x4xf32, #tpu.memory_space<vmem>>, vector<1x1x1xf32>
    %get3A_132 = vector.extract %get3A_131[0, 0, 0] : f32 from vector<1x1x1xf32>
    %get3A_133 = arith.constant 1 : index
    %get3A_134 = arith.constant 0 : index
    %get3A_135 = arith.constant 0 : index
    %get3A_136 = vector.load %arg2[%get3A_133, %get3A_134, %get3A_135] : memref<4x128x128xf32, #tpu.memory_space<vmem>>, vector<1x128x128xf32>
    %get3A_137 = vector.shape_cast %get3A_136 : vector<1x128x128xf32> to vector<128x128xf32>
    %mul3A_138 = vector.broadcast %get3A_132 : f32 to vector<128x128xf32>
    %mul3A_139 = arith.mulf %mul3A_138, %get3A_137 : vector<128x128xf32>
    %add3A_140 = arith.addf %mul3A_127, %mul3A_139 : vector<128x128xf32>
    %get3A_141 = arith.constant 2 : index
    %get3A_142 = arith.constant 0 : index
    %get3A_143 = arith.constant 2 : index
    %get3A_144 = vector.load %arg3[%get3A_141, %get3A_142, %get3A_143] : memref<8x1x4xf32, #tpu.memory_space<vmem>>, vector<1x1x1xf32>
    %get3A_145 = vector.extract %get3A_144[0, 0, 0] : f32 from vector<1x1x1xf32>
    %get3A_146 = arith.constant 2 : index
    %get3A_147 = arith.constant 0 : index
    %get3A_148 = arith.constant 0 : index
    %get3A_149 = vector.load %arg2[%get3A_146, %get3A_147, %get3A_148] : memref<4x128x128xf32, #tpu.memory_space<vmem>>, vector<1x128x128xf32>
    %get3A_150 = vector.shape_cast %get3A_149 : vector<1x128x128xf32> to vector<128x128xf32>
    %mul3A_151 = vector.broadcast %get3A_145 : f32 to vector<128x128xf32>
    %mul3A_152 = arith.mulf %mul3A_151, %get3A_150 : vector<128x128xf32>
    %add3A_153 = arith.addf %add3A_140, %mul3A_152 : vector<128x128xf32>
    %get3A_154 = arith.constant 2 : index
    %get3A_155 = arith.constant 0 : index
    %get3A_156 = arith.constant 3 : index
    %get3A_157 = vector.load %arg3[%get3A_154, %get3A_155, %get3A_156] : memref<8x1x4xf32, #tpu.memory_space<vmem>>, vector<1x1x1xf32>
    %get3A_158 = vector.extract %get3A_157[0, 0, 0] : f32 from vector<1x1x1xf32>
    %get3A_159 = arith.constant 3 : index
    %get3A_160 = arith.constant 0 : index
    %get3A_161 = arith.constant 0 : index
    %get3A_162 = vector.load %arg2[%get3A_159, %get3A_160, %get3A_161] : memref<4x128x128xf32, #tpu.memory_space<vmem>>, vector<1x128x128xf32>
    %get3A_163 = vector.shape_cast %get3A_162 : vector<1x128x128xf32> to vector<128x128xf32>
    %mul3A_164 = vector.broadcast %get3A_158 : f32 to vector<128x128xf32>
    %mul3A_165 = arith.mulf %mul3A_164, %get3A_163 : vector<128x128xf32>
    %add3A_166 = arith.addf %add3A_153, %mul3A_165 : vector<128x128xf32>
    %dot_general3A_167 = arith.constant dense<0.000000e+00> : vector<2000x128xf32>
    %dot_general3A_168 = tpu.matmul %get3A_1, %add3A_166, %dot_general3A_167 {dimension_numbers = #tpu.dot_dimension_numbers<[1], [0], [0], [1], [0, 0, 1, 1], [], []>, transpose_lhs_hint = false} : vector<2000x128xf32>, vector<128x128xf32>, vector<2000x128xf32> -> vector<2000x128xf32>
    %swap3A_169 = arith.constant 2 : index
    %swap3A_170 = arith.constant 0 : index
    %swap3A_171 = arith.constant 0 : index
    %swap3A_172 = vector.load %arg6[%swap3A_169, %swap3A_170, %swap3A_171] : memref<8x2000x128xf32, #tpu.memory_space<vmem>>, vector<1x2000x128xf32>
    %swap3A_173 = vector.shape_cast %swap3A_172 : vector<1x2000x128xf32> to vector<2000x128xf32>
    %swap3A_174 = vector.shape_cast %dot_general3A_168 : vector<2000x128xf32> to vector<1x2000x128xf32>
    tpu.vector_store %arg6[%swap3A_169, %swap3A_170, %swap3A_171], %swap3A_174 {strides = array<i32>} : memref<8x2000x128xf32, #tpu.memory_space<vmem>>, vector<1x2000x128xf32>,
    %get3A_175 = arith.constant 3 : index
    %get3A_176 = arith.constant 0 : index
    %get3A_177 = arith.constant 0 : index
    %get3A_178 = vector.load %arg3[%get3A_175, %get3A_176, %get3A_177] : memref<8x1x4xf32, #tpu.memory_space<vmem>>, vector<1x1x1xf32>
    %get3A_179 = vector.extract %get3A_178[0, 0, 0] : f32 from vector<1x1x1xf32>
    %get3A_180 = arith.constant 0 : index
    %get3A_181 = arith.constant 0 : index
    %get3A_182 = arith.constant 0 : index
    %get3A_183 = vector.load %arg2[%get3A_180, %get3A_181, %get3A_182] : memref<4x128x128xf32, #tpu.memory_space<vmem>>, vector<1x128x128xf32>
    %get3A_184 = vector.shape_cast %get3A_183 : vector<1x128x128xf32> to vector<128x128xf32>
    %mul3A_185 = vector.broadcast %get3A_179 : f32 to vector<128x128xf32>
    %mul3A_186 = arith.mulf %mul3A_185, %get3A_184 : vector<128x128xf32>
    %get3A_187 = arith.constant 3 : index
    %get3A_188 = arith.constant 0 : index
    %get3A_189 = arith.constant 1 : index
    %get3A_190 = vector.load %arg3[%get3A_187, %get3A_188, %get3A_189] : memref<8x1x4xf32, #tpu.memory_space<vmem>>, vector<1x1x1xf32>
    %get3A_191 = vector.extract %get3A_190[0, 0, 0] : f32 from vector<1x1x1xf32>
    %get3A_192 = arith.constant 1 : index
    %get3A_193 = arith.constant 0 : index
    %get3A_194 = arith.constant 0 : index
    %get3A_195 = vector.load %arg2[%get3A_192, %get3A_193, %get3A_194] : memref<4x128x128xf32, #tpu.memory_space<vmem>>, vector<1x128x128xf32>
    %get3A_196 = vector.shape_cast %get3A_195 : vector<1x128x128xf32> to vector<128x128xf32>
    %mul3A_197 = vector.broadcast %get3A_191 : f32 to vector<128x128xf32>
    %mul3A_198 = arith.mulf %mul3A_197, %get3A_196 : vector<128x128xf32>
    %add3A_199 = arith.addf %mul3A_186, %mul3A_198 : vector<128x128xf32>
    %get3A_200 = arith.constant 3 : index
    %get3A_201 = arith.constant 0 : index
    %get3A_202 = arith.constant 2 : index
    %get3A_203 = vector.load %arg3[%get3A_200, %get3A_201, %get3A_202] : memref<8x1x4xf32, #tpu.memory_space<vmem>>, vector<1x1x1xf32>
    %get3A_204 = vector.extract %get3A_203[0, 0, 0] : f32 from vector<1x1x1xf32>
    %get3A_205 = arith.constant 2 : index
    %get3A_206 = arith.constant 0 : index
    %get3A_207 = arith.constant 0 : index
    %get3A_208 = vector.load %arg2[%get3A_205, %get3A_206, %get3A_207] : memref<4x128x128xf32, #tpu.memory_space<vmem>>, vector<1x128x128xf32>
    %get3A_209 = vector.shape_cast %get3A_208 : vector<1x128x128xf32> to vector<128x128xf32>
    %mul3A_210 = vector.broadcast %get3A_204 : f32 to vector<128x128xf32>
    %mul3A_211 = arith.mulf %mul3A_210, %get3A_209 : vector<128x128xf32>
    %add3A_212 = arith.addf %add3A_199, %mul3A_211 : vector<128x128xf32>
    %get3A_213 = arith.constant 3 : index
    %get3A_214 = arith.constant 0 : index
    %get3A_215 = arith.constant 3 : index
    %get3A_216 = vector.load %arg3[%get3A_213, %get3A_214, %get3A_215] : memref<8x1x4xf32, #tpu.memory_space<vmem>>, vector<1x1x1xf32>
    %get3A_217 = vector.extract %get3A_216[0, 0, 0] : f32 from vector<1x1x1xf32>
    %get3A_218 = arith.constant 3 : index
    %get3A_219 = arith.constant 0 : index
    %get3A_220 = arith.constant 0 : index
    %get3A_221 = vector.load %arg2[%get3A_218, %get3A_219, %get3A_220] : memref<4x128x128xf32, #tpu.memory_space<vmem>>, vector<1x128x128xf32>
    %get3A_222 = vector.shape_cast %get3A_221 : vector<1x128x128xf32> to vector<128x128xf32>
    %mul3A_223 = vector.broadcast %get3A_217 : f32 to vector<128x128xf32>
    %mul3A_224 = arith.mulf %mul3A_223, %get3A_222 : vector<128x128xf32>
    %add3A_225 = arith.addf %add3A_212, %mul3A_224 : vector<128x128xf32>
    %dot_general3A_226 = arith.constant dense<0.000000e+00> : vector<2000x128xf32>
    %dot_general3A_227 = tpu.matmul %get3A_1, %add3A_225, %dot_general3A_226 {dimension_numbers = #tpu.dot_dimension_numbers<[1], [0], [0], [1], [0, 0, 1, 1], [], []>, transpose_lhs_hint = false} : vector<2000x128xf32>, vector<128x128xf32>, vector<2000x128xf32> -> vector<2000x128xf32>
    %swap3A_228 = arith.constant 3 : index
    %swap3A_229 = arith.constant 0 : index
    %swap3A_230 = arith.constant 0 : index
    %swap3A_231 = vector.load %arg6[%swap3A_228, %swap3A_229, %swap3A_230] : memref<8x2000x128xf32, #tpu.memory_space<vmem>>, vector<1x2000x128xf32>
    %swap3A_232 = vector.shape_cast %swap3A_231 : vector<1x2000x128xf32> to vector<2000x128xf32>
    %swap3A_233 = vector.shape_cast %dot_general3A_227 : vector<2000x128xf32> to vector<1x2000x128xf32>
    tpu.vector_store %arg6[%swap3A_228, %swap3A_229, %swap3A_230], %swap3A_233 {strides = array<i32>} : memref<8x2000x128xf32, #tpu.memory_space<vmem>>, vector<1x2000x128xf32>,
    %get3A_234 = arith.constant 4 : index
    %get3A_235 = arith.constant 0 : index
    %get3A_236 = arith.constant 0 : index
    %get3A_237 = vector.load %arg3[%get3A_234, %get3A_235, %get3A_236] : memref<8x1x4xf32, #tpu.memory_space<vmem>>, vector<1x1x1xf32>
    %get3A_238 = vector.extract %get3A_237[0, 0, 0] : f32 from vector<1x1x1xf32>
    %get3A_239 = arith.constant 0 : index
    %get3A_240 = arith.constant 0 : index
    %get3A_241 = arith.constant 0 : index
    %get3A_242 = vector.load %arg2[%get3A_239, %get3A_240, %get3A_241] : memref<4x128x128xf32, #tpu.memory_space<vmem>>, vector<1x128x128xf32>
    %get3A_243 = vector.shape_cast %get3A_242 : vector<1x128x128xf32> to vector<128x128xf32>
    %mul3A_244 = vector.broadcast %get3A_238 : f32 to vector<128x128xf32>
    %mul3A_245 = arith.mulf %mul3A_244, %get3A_243 : vector<128x128xf32>
    %get3A_246 = arith.constant 4 : index
    %get3A_247 = arith.constant 0 : index
    %get3A_248 = arith.constant 1 : index
    %get3A_249 = vector.load %arg3[%get3A_246, %get3A_247, %get3A_248] : memref<8x1x4xf32, #tpu.memory_space<vmem>>, vector<1x1x1xf32>
    %get3A_250 = vector.extract %get3A_249[0, 0, 0] : f32 from vector<1x1x1xf32>
    %get3A_251 = arith.constant 1 : index
    %get3A_252 = arith.constant 0 : index
    %get3A_253 = arith.constant 0 : index
    %get3A_254 = vector.load %arg2[%get3A_251, %get3A_252, %get3A_253] : memref<4x128x128xf32, #tpu.memory_space<vmem>>, vector<1x128x128xf32>
    %get3A_255 = vector.shape_cast %get3A_254 : vector<1x128x128xf32> to vector<128x128xf32>
    %mul3A_256 = vector.broadcast %get3A_250 : f32 to vector<128x128xf32>
    %mul3A_257 = arith.mulf %mul3A_256, %get3A_255 : vector<128x128xf32>
    %add3A_258 = arith.addf %mul3A_245, %mul3A_257 : vector<128x128xf32>
    %get3A_259 = arith.constant 4 : index
    %get3A_260 = arith.constant 0 : index
    %get3A_261 = arith.constant 2 : index
    %get3A_262 = vector.load %arg3[%get3A_259, %get3A_260, %get3A_261] : memref<8x1x4xf32, #tpu.memory_space<vmem>>, vector<1x1x1xf32>
    %get3A_263 = vector.extract %get3A_262[0, 0, 0] : f32 from vector<1x1x1xf32>
    %get3A_264 = arith.constant 2 : index
    %get3A_265 = arith.constant 0 : index
    %get3A_266 = arith.constant 0 : index
    %get3A_267 = vector.load %arg2[%get3A_264, %get3A_265, %get3A_266] : memref<4x128x128xf32, #tpu.memory_space<vmem>>, vector<1x128x128xf32>
    %get3A_268 = vector.shape_cast %get3A_267 : vector<1x128x128xf32> to vector<128x128xf32>
    %mul3A_269 = vector.broadcast %get3A_263 : f32 to vector<128x128xf32>
    %mul3A_270 = arith.mulf %mul3A_269, %get3A_268 : vector<128x128xf32>
    %add3A_271 = arith.addf %add3A_258, %mul3A_270 : vector<128x128xf32>
    %get3A_272 = arith.constant 4 : index
    %get3A_273 = arith.constant 0 : index
    %get3A_274 = arith.constant 3 : index
    %get3A_275 = vector.load %arg3[%get3A_272, %get3A_273, %get3A_274] : memref<8x1x4xf32, #tpu.memory_space<vmem>>, vector<1x1x1xf32>
    %get3A_276 = vector.extract %get3A_275[0, 0, 0] : f32 from vector<1x1x1xf32>
    %get3A_277 = arith.constant 3 : index
    %get3A_278 = arith.constant 0 : index
    %get3A_279 = arith.constant 0 : index
    %get3A_280 = vector.load %arg2[%get3A_277, %get3A_278, %get3A_279] : memref<4x128x128xf32, #tpu.memory_space<vmem>>, vector<1x128x128xf32>
    %get3A_281 = vector.shape_cast %get3A_280 : vector<1x128x128xf32> to vector<128x128xf32>
    %mul3A_282 = vector.broadcast %get3A_276 : f32 to vector<128x128xf32>
    %mul3A_283 = arith.mulf %mul3A_282, %get3A_281 : vector<128x128xf32>
    %add3A_284 = arith.addf %add3A_271, %mul3A_283 : vector<128x128xf32>
    %dot_general3A_285 = arith.constant dense<0.000000e+00> : vector<2000x128xf32>
    %dot_general3A_286 = tpu.matmul %get3A_1, %add3A_284, %dot_general3A_285 {dimension_numbers = #tpu.dot_dimension_numbers<[1], [0], [0], [1], [0, 0, 1, 1], [], []>, transpose_lhs_hint = false} : vector<2000x128xf32>, vector<128x128xf32>, vector<2000x128xf32> -> vector<2000x128xf32>
    %swap3A_287 = arith.constant 4 : index
    %swap3A_288 = arith.constant 0 : index
    %swap3A_289 = arith.constant 0 : index
    %swap3A_290 = vector.load %arg6[%swap3A_287, %swap3A_288, %swap3A_289] : memref<8x2000x128xf32, #tpu.memory_space<vmem>>, vector<1x2000x128xf32>
    %swap3A_291 = vector.shape_cast %swap3A_290 : vector<1x2000x128xf32> to vector<2000x128xf32>
    %swap3A_292 = vector.shape_cast %dot_general3A_286 : vector<2000x128xf32> to vector<1x2000x128xf32>
    tpu.vector_store %arg6[%swap3A_287, %swap3A_288, %swap3A_289], %swap3A_292 {strides = array<i32>} : memref<8x2000x128xf32, #tpu.memory_space<vmem>>, vector<1x2000x128xf32>,
    %get3A_293 = arith.constant 5 : index
    %get3A_294 = arith.constant 0 : index
    %get3A_295 = arith.constant 0 : index
    %get3A_296 = vector.load %arg3[%get3A_293, %get3A_294, %get3A_295] : memref<8x1x4xf32, #tpu.memory_space<vmem>>, vector<1x1x1xf32>
    %get3A_297 = vector.extract %get3A_296[0, 0, 0] : f32 from vector<1x1x1xf32>
    %get3A_298 = arith.constant 0 : index
    %get3A_299 = arith.constant 0 : index
    %get3A_300 = arith.constant 0 : index
    %get3A_301 = vector.load %arg2[%get3A_298, %get3A_299, %get3A_300] : memref<4x128x128xf32, #tpu.memory_space<vmem>>, vector<1x128x128xf32>
    %get3A_302 = vector.shape_cast %get3A_301 : vector<1x128x128xf32> to vector<128x128xf32>
    %mul3A_303 = vector.broadcast %get3A_297 : f32 to vector<128x128xf32>
    %mul3A_304 = arith.mulf %mul3A_303, %get3A_302 : vector<128x128xf32>
    %get3A_305 = arith.constant 5 : index
    %get3A_306 = arith.constant 0 : index
    %get3A_307 = arith.constant 1 : index
    %get3A_308 = vector.load %arg3[%get3A_305, %get3A_306, %get3A_307] : memref<8x1x4xf32, #tpu.memory_space<vmem>>, vector<1x1x1xf32>
    %get3A_309 = vector.extract %get3A_308[0, 0, 0] : f32 from vector<1x1x1xf32>
    %get3A_310 = arith.constant 1 : index
    %get3A_311 = arith.constant 0 : index
    %get3A_312 = arith.constant 0 : index
    %get3A_313 = vector.load %arg2[%get3A_310, %get3A_311, %get3A_312] : memref<4x128x128xf32, #tpu.memory_space<vmem>>, vector<1x128x128xf32>
    %get3A_314 = vector.shape_cast %get3A_313 : vector<1x128x128xf32> to vector<128x128xf32>
    %mul3A_315 = vector.broadcast %get3A_309 : f32 to vector<128x128xf32>
    %mul3A_316 = arith.mulf %mul3A_315, %get3A_314 : vector<128x128xf32>
    %add3A_317 = arith.addf %mul3A_304, %mul3A_316 : vector<128x128xf32>
    %get3A_318 = arith.constant 5 : index
    %get3A_319 = arith.constant 0 : index
    %get3A_320 = arith.constant 2 : index
    %get3A_321 = vector.load %arg3[%get3A_318, %get3A_319, %get3A_320] : memref<8x1x4xf32, #tpu.memory_space<vmem>>, vector<1x1x1xf32>
    %get3A_322 = vector.extract %get3A_321[0, 0, 0] : f32 from vector<1x1x1xf32>
    %get3A_323 = arith.constant 2 : index
    %get3A_324 = arith.constant 0 : index
    %get3A_325 = arith.constant 0 : index
    %get3A_326 = vector.load %arg2[%get3A_323, %get3A_324, %get3A_325] : memref<4x128x128xf32, #tpu.memory_space<vmem>>, vector<1x128x128xf32>
    %get3A_327 = vector.shape_cast %get3A_326 : vector<1x128x128xf32> to vector<128x128xf32>
    %mul3A_328 = vector.broadcast %get3A_322 : f32 to vector<128x128xf32>
    %mul3A_329 = arith.mulf %mul3A_328, %get3A_327 : vector<128x128xf32>
    %add3A_330 = arith.addf %add3A_317, %mul3A_329 : vector<128x128xf32>
    %get3A_331 = arith.constant 5 : index
    %get3A_332 = arith.constant 0 : index
    %get3A_333 = arith.constant 3 : index
    %get3A_334 = vector.load %arg3[%get3A_331, %get3A_332, %get3A_333] : memref<8x1x4xf32, #tpu.memory_space<vmem>>, vector<1x1x1xf32>
    %get3A_335 = vector.extract %get3A_334[0, 0, 0] : f32 from vector<1x1x1xf32>
    %get3A_336 = arith.constant 3 : index
    %get3A_337 = arith.constant 0 : index
    %get3A_338 = arith.constant 0 : index
    %get3A_339 = vector.load %arg2[%get3A_336, %get3A_337, %get3A_338] : memref<4x128x128xf32, #tpu.memory_space<vmem>>, vector<1x128x128xf32>
    %get3A_340 = vector.shape_cast %get3A_339 : vector<1x128x128xf32> to vector<128x128xf32>
    %mul3A_341 = vector.broadcast %get3A_335 : f32 to vector<128x128xf32>
    %mul3A_342 = arith.mulf %mul3A_341, %get3A_340 : vector<128x128xf32>
    %add3A_343 = arith.addf %add3A_330, %mul3A_342 : vector<128x128xf32>
    %dot_general3A_344 = arith.constant dense<0.000000e+00> : vector<2000x128xf32>
    %dot_general3A_345 = tpu.matmul %get3A_1, %add3A_343, %dot_general3A_344 {dimension_numbers = #tpu.dot_dimension_numbers<[1], [0], [0], [1], [0, 0, 1, 1], [], []>, transpose_lhs_hint = false} : vector<2000x128xf32>, vector<128x128xf32>, vector<2000x128xf32> -> vector<2000x128xf32>
    %swap3A_346 = arith.constant 5 : index
    %swap3A_347 = arith.constant 0 : index
    %swap3A_348 = arith.constant 0 : index
    %swap3A_349 = vector.load %arg6[%swap3A_346, %swap3A_347, %swap3A_348] : memref<8x2000x128xf32, #tpu.memory_space<vmem>>, vector<1x2000x128xf32>
    %swap3A_350 = vector.shape_cast %swap3A_349 : vector<1x2000x128xf32> to vector<2000x128xf32>
    %swap3A_351 = vector.shape_cast %dot_general3A_345 : vector<2000x128xf32> to vector<1x2000x128xf32>
    tpu.vector_store %arg6[%swap3A_346, %swap3A_347, %swap3A_348], %swap3A_351 {strides = array<i32>} : memref<8x2000x128xf32, #tpu.memory_space<vmem>>, vector<1x2000x128xf32>,
    %get3A_352 = arith.constant 6 : index
    %get3A_353 = arith.constant 0 : index
    %get3A_354 = arith.constant 0 : index
    %get3A_355 = vector.load %arg3[%get3A_352, %get3A_353, %get3A_354] : memref<8x1x4xf32, #tpu.memory_space<vmem>>, vector<1x1x1xf32>
    %get3A_356 = vector.extract %get3A_355[0, 0, 0] : f32 from vector<1x1x1xf32>
    %get3A_357 = arith.constant 0 : index
    %get3A_358 = arith.constant 0 : index
    %get3A_359 = arith.constant 0 : index
    %get3A_360 = vector.load %arg2[%get3A_357, %get3A_358, %get3A_359] : memref<4x128x128xf32, #tpu.memory_space<vmem>>, vector<1x128x128xf32>
    %get3A_361 = vector.shape_cast %get3A_360 : vector<1x128x128xf32> to vector<128x128xf32>
    %mul3A_362 = vector.broadcast %get3A_356 : f32 to vector<128x128xf32>
    %mul3A_363 = arith.mulf %mul3A_362, %get3A_361 : vector<128x128xf32>
    %get3A_364 = arith.constant 6 : index
    %get3A_365 = arith.constant 0 : index
    %get3A_366 = arith.constant 1 : index
    %get3A_367 = vector.load %arg3[%get3A_364, %get3A_365, %get3A_366] : memref<8x1x4xf32, #tpu.memory_space<vmem>>, vector<1x1x1xf32>
    %get3A_368 = vector.extract %get3A_367[0, 0, 0] : f32 from vector<1x1x1xf32>
    %get3A_369 = arith.constant 1 : index
    %get3A_370 = arith.constant 0 : index
    %get3A_371 = arith.constant 0 : index
    %get3A_372 = vector.load %arg2[%get3A_369, %get3A_370, %get3A_371] : memref<4x128x128xf32, #tpu.memory_space<vmem>>, vector<1x128x128xf32>
    %get3A_373 = vector.shape_cast %get3A_372 : vector<1x128x128xf32> to vector<128x128xf32>
    %mul3A_374 = vector.broadcast %get3A_368 : f32 to vector<128x128xf32>
    %mul3A_375 = arith.mulf %mul3A_374, %get3A_373 : vector<128x128xf32>
    %add3A_376 = arith.addf %mul3A_363, %mul3A_375 : vector<128x128xf32>
    %get3A_377 = arith.constant 6 : index
    %get3A_378 = arith.constant 0 : index
    %get3A_379 = arith.constant 2 : index
    %get3A_380 = vector.load %arg3[%get3A_377, %get3A_378, %get3A_379] : memref<8x1x4xf32, #tpu.memory_space<vmem>>, vector<1x1x1xf32>
    %get3A_381 = vector.extract %get3A_380[0, 0, 0] : f32 from vector<1x1x1xf32>
    %get3A_382 = arith.constant 2 : index
    %get3A_383 = arith.constant 0 : index
    %get3A_384 = arith.constant 0 : index
    %get3A_385 = vector.load %arg2[%get3A_382, %get3A_383, %get3A_384] : memref<4x128x128xf32, #tpu.memory_space<vmem>>, vector<1x128x128xf32>
    %get3A_386 = vector.shape_cast %get3A_385 : vector<1x128x128xf32> to vector<128x128xf32>
    %mul3A_387 = vector.broadcast %get3A_381 : f32 to vector<128x128xf32>
    %mul3A_388 = arith.mulf %mul3A_387, %get3A_386 : vector<128x128xf32>
    %add3A_389 = arith.addf %add3A_376, %mul3A_388 : vector<128x128xf32>
    %get3A_390 = arith.constant 6 : index
    %get3A_391 = arith.constant 0 : index
    %get3A_392 = arith.constant 3 : index
    %get3A_393 = vector.load %arg3[%get3A_390, %get3A_391, %get3A_392] : memref<8x1x4xf32, #tpu.memory_space<vmem>>, vector<1x1x1xf32>
    %get3A_394 = vector.extract %get3A_393[0, 0, 0] : f32 from vector<1x1x1xf32>
    %get3A_395 = arith.constant 3 : index
    %get3A_396 = arith.constant 0 : index
    %get3A_397 = arith.constant 0 : index
    %get3A_398 = vector.load %arg2[%get3A_395, %get3A_396, %get3A_397] : memref<4x128x128xf32, #tpu.memory_space<vmem>>, vector<1x128x128xf32>
    %get3A_399 = vector.shape_cast %get3A_398 : vector<1x128x128xf32> to vector<128x128xf32>
    %mul3A_400 = vector.broadcast %get3A_394 : f32 to vector<128x128xf32>
    %mul3A_401 = arith.mulf %mul3A_400, %get3A_399 : vector<128x128xf32>
    %add3A_402 = arith.addf %add3A_389, %mul3A_401 : vector<128x128xf32>
    %dot_general3A_403 = arith.constant dense<0.000000e+00> : vector<2000x128xf32>
    %dot_general3A_404 = tpu.matmul %get3A_1, %add3A_402, %dot_general3A_403 {dimension_numbers = #tpu.dot_dimension_numbers<[1], [0], [0], [1], [0, 0, 1, 1], [], []>, transpose_lhs_hint = false} : vector<2000x128xf32>, vector<128x128xf32>, vector<2000x128xf32> -> vector<2000x128xf32>
    %swap3A_405 = arith.constant 6 : index
    %swap3A_406 = arith.constant 0 : index
    %swap3A_407 = arith.constant 0 : index
    %swap3A_408 = vector.load %arg6[%swap3A_405, %swap3A_406, %swap3A_407] : memref<8x2000x128xf32, #tpu.memory_space<vmem>>, vector<1x2000x128xf32>
    %swap3A_409 = vector.shape_cast %swap3A_408 : vector<1x2000x128xf32> to vector<2000x128xf32>
    %swap3A_410 = vector.shape_cast %dot_general3A_404 : vector<2000x128xf32> to vector<1x2000x128xf32>
    tpu.vector_store %arg6[%swap3A_405, %swap3A_406, %swap3A_407], %swap3A_410 {strides = array<i32>} : memref<8x2000x128xf32, #tpu.memory_space<vmem>>, vector<1x2000x128xf32>,
    %get3A_411 = arith.constant 7 : index
    %get3A_412 = arith.constant 0 : index
    %get3A_413 = arith.constant 0 : index
    %get3A_414 = vector.load %arg3[%get3A_411, %get3A_412, %get3A_413] : memref<8x1x4xf32, #tpu.memory_space<vmem>>, vector<1x1x1xf32>
    %get3A_415 = vector.extract %get3A_414[0, 0, 0] : f32 from vector<1x1x1xf32>
    %get3A_416 = arith.constant 0 : index
    %get3A_417 = arith.constant 0 : index
    %get3A_418 = arith.constant 0 : index
    %get3A_419 = vector.load %arg2[%get3A_416, %get3A_417, %get3A_418] : memref<4x128x128xf32, #tpu.memory_space<vmem>>, vector<1x128x128xf32>
    %get3A_420 = vector.shape_cast %get3A_419 : vector<1x128x128xf32> to vector<128x128xf32>
    %mul3A_421 = vector.broadcast %get3A_415 : f32 to vector<128x128xf32>
    %mul3A_422 = arith.mulf %mul3A_421, %get3A_420 : vector<128x128xf32>
    %get3A_423 = arith.constant 7 : index
    %get3A_424 = arith.constant 0 : index
    %get3A_425 = arith.constant 1 : index
    %get3A_426 = vector.load %arg3[%get3A_423, %get3A_424, %get3A_425] : memref<8x1x4xf32, #tpu.memory_space<vmem>>, vector<1x1x1xf32>
    %get3A_427 = vector.extract %get3A_426[0, 0, 0] : f32 from vector<1x1x1xf32>
    %get3A_428 = arith.constant 1 : index
    %get3A_429 = arith.constant 0 : index
    %get3A_430 = arith.constant 0 : index
    %get3A_431 = vector.load %arg2[%get3A_428, %get3A_429, %get3A_430] : memref<4x128x128xf32, #tpu.memory_space<vmem>>, vector<1x128x128xf32>
    %get3A_432 = vector.shape_cast %get3A_431 : vector<1x128x128xf32> to vector<128x128xf32>
    %mul3A_433 = vector.broadcast %get3A_427 : f32 to vector<128x128xf32>
    %mul3A_434 = arith.mulf %mul3A_433, %get3A_432 : vector<128x128xf32>
    %add3A_435 = arith.addf %mul3A_422, %mul3A_434 : vector<128x128xf32>
    %get3A_436 = arith.constant 7 : index
    %get3A_437 = arith.constant 0 : index
    %get3A_438 = arith.constant 2 : index
    %get3A_439 = vector.load %arg3[%get3A_436, %get3A_437, %get3A_438] : memref<8x1x4xf32, #tpu.memory_space<vmem>>, vector<1x1x1xf32>
    %get3A_440 = vector.extract %get3A_439[0, 0, 0] : f32 from vector<1x1x1xf32>
    %get3A_441 = arith.constant 2 : index
    %get3A_442 = arith.constant 0 : index
    %get3A_443 = arith.constant 0 : index
    %get3A_444 = vector.load %arg2[%get3A_441, %get3A_442, %get3A_443] : memref<4x128x128xf32, #tpu.memory_space<vmem>>, vector<1x128x128xf32>
    %get3A_445 = vector.shape_cast %get3A_444 : vector<1x128x128xf32> to vector<128x128xf32>
    %mul3A_446 = vector.broadcast %get3A_440 : f32 to vector<128x128xf32>
    %mul3A_447 = arith.mulf %mul3A_446, %get3A_445 : vector<128x128xf32>
    %add3A_448 = arith.addf %add3A_435, %mul3A_447 : vector<128x128xf32>
    %get3A_449 = arith.constant 7 : index
    %get3A_450 = arith.constant 0 : index
    %get3A_451 = arith.constant 3 : index
    %get3A_452 = vector.load %arg3[%get3A_449, %get3A_450, %get3A_451] : memref<8x1x4xf32, #tpu.memory_space<vmem>>, vector<1x1x1xf32>
    %get3A_453 = vector.extract %get3A_452[0, 0, 0] : f32 from vector<1x1x1xf32>
    %get3A_454 = arith.constant 3 : index
    %get3A_455 = arith.constant 0 : index
    %get3A_456 = arith.constant 0 : index
    %get3A_457 = vector.load %arg2[%get3A_454, %get3A_455, %get3A_456] : memref<4x128x128xf32, #tpu.memory_space<vmem>>, vector<1x128x128xf32>
    %get3A_458 = vector.shape_cast %get3A_457 : vector<1x128x128xf32> to vector<128x128xf32>
    %mul3A_459 = vector.broadcast %get3A_453 : f32 to vector<128x128xf32>
    %mul3A_460 = arith.mulf %mul3A_459, %get3A_458 : vector<128x128xf32>
    %add3A_461 = arith.addf %add3A_448, %mul3A_460 : vector<128x128xf32>
    %dot_general3A_462 = arith.constant dense<0.000000e+00> : vector<2000x128xf32>
    %dot_general3A_463 = tpu.matmul %get3A_1, %add3A_461, %dot_general3A_462 {dimension_numbers = #tpu.dot_dimension_numbers<[1], [0], [0], [1], [0, 0, 1, 1], [], []>, transpose_lhs_hint = false} : vector<2000x128xf32>, vector<128x128xf32>, vector<2000x128xf32> -> vector<2000x128xf32>
    %swap3A_464 = arith.constant 7 : index
    %swap3A_465 = arith.constant 0 : index
    %swap3A_466 = arith.constant 0 : index
    %swap3A_467 = vector.load %arg6[%swap3A_464, %swap3A_465, %swap3A_466] : memref<8x2000x128xf32, #tpu.memory_space<vmem>>, vector<1x2000x128xf32>
    %swap3A_468 = vector.shape_cast %swap3A_467 : vector<1x2000x128xf32> to vector<2000x128xf32>
    %swap3A_469 = vector.shape_cast %dot_general3A_463 : vector<2000x128xf32> to vector<1x2000x128xf32>
    tpu.vector_store %arg6[%swap3A_464, %swap3A_465, %swap3A_466], %swap3A_469 {strides = array<i32>} : memref<8x2000x128xf32, #tpu.memory_space<vmem>>, vector<1x2000x128xf32>,
    %get3A_470 = arith.constant 0 : index
    %get3A_471 = arith.constant 0 : index
    %get3A_472 = vector.load %arg5[%get3A_470, %get3A_471] : memref<512x128xi32, #tpu.memory_space<vmem>>, vector<512x128xi32>
    %mul3A_473 = arith.constant 10000 : i32
    %mul3A_474 = vector.broadcast %mul3A_473 : i32 to vector<512x128xi32>
    %mul3A_475 = arith.muli %get3A_472, %mul3A_474 : vector<512x128xi32>
    %get3A_476 = arith.constant 0 : index
    %get3A_477 = arith.constant 0 : index
    %get3A_478 = vector.load %arg4[%get3A_476, %get3A_477] : memref<512x128xi32, #tpu.memory_space<vmem>>, vector<512x128xi32>
    %add3A_479 = arith.addi %mul3A_475, %get3A_478 : vector<512x128xi32>
    %swap3A_480 = arith.constant 0 : index
    %swap3A_481 = arith.constant 0 : index
    %swap3A_482 = vector.load %arg7[%swap3A_480, %swap3A_481] : memref<512x128xi32, #tpu.memory_space<vmem>>, vector<512x128xi32>
    tpu.vector_store %arg7[%swap3A_480, %swap3A_481], %add3A_479 {strides = array<i32>} : memref<512x128xi32, #tpu.memory_space<vmem>>, vector<512x128xi32>,
    return
  }
  func.func @transform_0(%arg0: i32) -> (i32, i32) {
    %c0_i32 = arith.constant 0 : i32
    %c0_i32_0 = arith.constant 0 : i32
    return %arg0, %c0_i32 : i32, i32
  }
  func.func @transform_1(%arg0: i32) -> (i32, i32, i32) {
    %c0_i32 = arith.constant 0 : i32
    %c0_i32_0 = arith.constant 0 : i32
    %c0_i32_1 = arith.constant 0 : i32
    %c0_i32_2 = arith.constant 0 : i32
    return %c0_i32, %c0_i32_0, %c0_i32_1 : i32, i32, i32
  }
  func.func @transform_2(%arg0: i32) -> (i32, i32, i32) {
    %c0_i32 = arith.constant 0 : i32
    %c0_i32_0 = arith.constant 0 : i32
    %c0_i32_1 = arith.constant 0 : i32
    %c0_i32_2 = arith.constant 0 : i32
    return %c0_i32, %c0_i32_0, %c0_i32_1 : i32, i32, i32
  }
  func.func @transform_3(%arg0: i32) -> (i32, i32) {
    %c0_i32 = arith.constant 0 : i32
    %c0_i32_0 = arith.constant 0 : i32
    return %arg0, %c0_i32 : i32, i32
  }
  func.func @transform_4(%arg0: i32) -> (i32, i32) {
    %c0_i32 = arith.constant 0 : i32
    %c0_i32_0 = arith.constant 0 : i32
    return %arg0, %c0_i32 : i32, i32
  }
  func.func @transform_5(%arg0: i32) -> (i32, i32, i32) {
    %c0_i32 = arith.constant 0 : i32
    %c0_i32_0 = arith.constant 0 : i32
    %c0_i32_1 = arith.constant 0 : i32
    return %c0_i32, %arg0, %c0_i32_0 : i32, i32, i32
  }
  func.func @transform_6(%arg0: i32) -> (i32, i32) {
    %c0_i32 = arith.constant 0 : i32
    %c0_i32_0 = arith.constant 0 : i32
    return %arg0, %c0_i32 : i32, i32
  }
}

module attributes {stable_mosaic.version = 14 : i64} {
  func.func @_final_body(%arg0: i32, %arg1: memref<2x2000x128xf32, #tpu.memory_space<vmem>>, %arg2: memref<2000x128xf32, #tpu.memory_space<vmem>>, %arg3: memref<128x128xf32, #tpu.memory_space<vmem>>, %arg4: memref<1x128xf32, #tpu.memory_space<vmem>>, %arg5: memref<1x128xf32, #tpu.memory_space<vmem>>, %arg6: memref<1x128xf32, #tpu.memory_space<vmem>>, %arg7: memref<2000x128xf32, #tpu.memory_space<vmem>>) attributes {dimension_semantics = [#tpu.dimension_semantics<arbitrary>], iteration_bounds = array<i64: 5>, scalar_prefetch = 0 : i64, scratch_operands = 0 : i64, tpu.core_type = #tpu.core_type<tc>, window_params = [{transform_indices = @transform_0, window_bounds = array<i64: 2, 2000, 128>}, {transform_indices = @transform_1, window_bounds = array<i64: 2000, 128>}, {pipeline_mode = #tpu.pipeline_mode<synchronous>, transform_indices = @transform_2, window_bounds = array<i64: 128, 128>}, {pipeline_mode = #tpu.pipeline_mode<synchronous>, transform_indices = @transform_3, window_bounds = array<i64: 1, 128>}, {pipeline_mode = #tpu.pipeline_mode<synchronous>, transform_indices = @transform_4, window_bounds = array<i64: 1, 128>}, {pipeline_mode = #tpu.pipeline_mode<synchronous>, transform_indices = @transform_5, window_bounds = array<i64: 1, 128>}, {transform_indices = @transform_6, window_bounds = array<i64: 2000, 128>}]} {
    %get3A = arith.constant 0 : index
    %get3A_0 = arith.constant 0 : index
    %get3A_1 = vector.load %arg2[%get3A, %get3A_0] : memref<2000x128xf32, #tpu.memory_space<vmem>>, vector<2000x128xf32>
    %get3A_2 = arith.constant 0 : index
    %get3A_3 = arith.constant 0 : index
    %get3A_4 = arith.constant 0 : index
    %get3A_5 = vector.load %arg1[%get3A_2, %get3A_3, %get3A_4] : memref<2x2000x128xf32, #tpu.memory_space<vmem>>, vector<1x2000x128xf32>
    %get3A_6 = vector.shape_cast %get3A_5 : vector<1x2000x128xf32> to vector<2000x128xf32>
    %get3A_7 = arith.constant 1 : index
    %get3A_8 = arith.constant 0 : index
    %get3A_9 = arith.constant 0 : index
    %get3A_10 = vector.load %arg1[%get3A_7, %get3A_8, %get3A_9] : memref<2x2000x128xf32, #tpu.memory_space<vmem>>, vector<1x2000x128xf32>
    %get3A_11 = vector.shape_cast %get3A_10 : vector<1x2000x128xf32> to vector<2000x128xf32>
    %add3A = arith.addf %get3A_6, %get3A_11 : vector<2000x128xf32>
    %get3A_12 = arith.constant 0 : index
    %get3A_13 = arith.constant 0 : index
    %get3A_14 = vector.load %arg3[%get3A_12, %get3A_13] : memref<128x128xf32, #tpu.memory_space<vmem>>, vector<128x128xf32>
    %dot_general3A = arith.constant dense<0.000000e+00> : vector<2000x128xf32>
    %dot_general3A_15 = tpu.matmul %get3A_1, %get3A_14, %dot_general3A {dimension_numbers = #tpu.dot_dimension_numbers<[1], [0], [0], [1], [0, 0, 1, 1], [], []>, transpose_lhs_hint = false} : vector<2000x128xf32>, vector<128x128xf32>, vector<2000x128xf32> -> vector<2000x128xf32>
    %add3A_16 = arith.addf %add3A, %dot_general3A_15 : vector<2000x128xf32>
    %get3A_17 = arith.constant 0 : index
    %get3A_18 = arith.constant 0 : index
    %get3A_19 = vector.load %arg4[%get3A_17, %get3A_18] : memref<1x128xf32, #tpu.memory_space<vmem>>, vector<1x128xf32>
    %add3A_20 = vector.broadcast %get3A_19 : vector<1x128xf32> to vector<2000x128xf32>
    %add3A_21 = arith.addf %add3A_16, %add3A_20 : vector<2000x128xf32>
    %add3A_22 = arith.addf %add3A_21, %get3A_1 : vector<2000x128xf32>
    %mul3A = arith.constant 5.000000e-01 : f32
    %mul3A_23 = vector.broadcast %mul3A : f32 to vector<2000x128xf32>
    %mul3A_24 = arith.mulf %mul3A_23, %add3A_22 : vector<2000x128xf32>
    %mul3A_25 = arith.constant 0.707106769 : f32
    %mul3A_26 = vector.broadcast %mul3A_25 : f32 to vector<2000x128xf32>
    %mul3A_27 = arith.mulf %add3A_22, %mul3A_26 : vector<2000x128xf32>
    %erf3A = math.erf %mul3A_27 : vector<2000x128xf32>
    %add3A_28 = arith.constant 1.000000e+00 : f32
    %add3A_29 = vector.broadcast %add3A_28 : f32 to vector<2000x128xf32>
    %add3A_30 = arith.addf %add3A_29, %erf3A : vector<2000x128xf32>
    %mul3A_31 = arith.mulf %mul3A_24, %add3A_30 : vector<2000x128xf32>
    %reduce_sum3A = arith.constant dense<0.000000e+00> : vector<2000xf32>
    %reduce_sum3A_32 = vector.multi_reduction <add>, %mul3A_31, %reduce_sum3A [1] : vector<2000x128xf32> to vector<2000xf32>
    %broadcast_in_dim3A = vector.shape_cast %reduce_sum3A_32 : vector<2000xf32> to vector<2000x1xf32>
    %div3A = arith.constant 1.280000e+02 : f32
    %div3A_33 = vector.broadcast %div3A : f32 to vector<2000x1xf32>
    %div3A_34 = arith.divf %broadcast_in_dim3A, %div3A_33 : vector<2000x1xf32>
    %sub3A = vector.broadcast %div3A_34 : vector<2000x1xf32> to vector<2000x128xf32>
    %sub3A_35 = arith.subf %mul3A_31, %sub3A : vector<2000x128xf32>
    %mul3A_36 = arith.mulf %sub3A_35, %sub3A_35 : vector<2000x128xf32>
    %reduce_sum3A_37 = arith.constant dense<0.000000e+00> : vector<2000xf32>
    %reduce_sum3A_38 = vector.multi_reduction <add>, %mul3A_36, %reduce_sum3A_37 [1] : vector<2000x128xf32> to vector<2000xf32>
    %broadcast_in_dim3A_39 = vector.shape_cast %reduce_sum3A_38 : vector<2000xf32> to vector<2000x1xf32>
    %div3A_40 = arith.constant 1.280000e+02 : f32
    %div3A_41 = vector.broadcast %div3A_40 : f32 to vector<2000x1xf32>
    %div3A_42 = arith.divf %broadcast_in_dim3A_39, %div3A_41 : vector<2000x1xf32>
    %add3A_43 = arith.constant 9.99999974E-6 : f32
    %add3A_44 = vector.broadcast %add3A_43 : f32 to vector<2000x1xf32>
    %add3A_45 = arith.addf %div3A_42, %add3A_44 : vector<2000x1xf32>
    %rsqrt3A = math.rsqrt %add3A_45 : vector<2000x1xf32>
    %mul3A_46 = vector.broadcast %rsqrt3A : vector<2000x1xf32> to vector<2000x128xf32>
    %mul3A_47 = arith.mulf %sub3A_35, %mul3A_46 : vector<2000x128xf32>
    %get3A_48 = arith.constant 0 : index
    %get3A_49 = arith.constant 0 : index
    %get3A_50 = vector.load %arg5[%get3A_48, %get3A_49] : memref<1x128xf32, #tpu.memory_space<vmem>>, vector<1x128xf32>
    %mul3A_51 = vector.broadcast %get3A_50 : vector<1x128xf32> to vector<2000x128xf32>
    %mul3A_52 = arith.mulf %mul3A_47, %mul3A_51 : vector<2000x128xf32>
    %get3A_53 = arith.constant 0 : index
    %get3A_54 = arith.constant 0 : index
    %get3A_55 = vector.load %arg6[%get3A_53, %get3A_54] : memref<1x128xf32, #tpu.memory_space<vmem>>, vector<1x128xf32>
    %add3A_56 = vector.broadcast %get3A_55 : vector<1x128xf32> to vector<2000x128xf32>
    %add3A_57 = arith.addf %mul3A_52, %add3A_56 : vector<2000x128xf32>
    %swap3A = arith.constant 0 : index
    %swap3A_58 = arith.constant 0 : index
    %swap3A_59 = vector.load %arg7[%swap3A, %swap3A_58] : memref<2000x128xf32, #tpu.memory_space<vmem>>, vector<2000x128xf32>
    tpu.vector_store %arg7[%swap3A, %swap3A_58], %add3A_57 {strides = array<i32>} : memref<2000x128xf32, #tpu.memory_space<vmem>>, vector<2000x128xf32>,
    return
  }
  func.func @transform_0(%arg0: i32) -> (i32, i32, i32) {
    %c0_i32 = arith.constant 0 : i32
    %c0_i32_0 = arith.constant 0 : i32
    %c0_i32_1 = arith.constant 0 : i32
    return %c0_i32, %arg0, %c0_i32_0 : i32, i32, i32
  }
  func.func @transform_1(%arg0: i32) -> (i32, i32) {
    %c0_i32 = arith.constant 0 : i32
    %c0_i32_0 = arith.constant 0 : i32
    return %arg0, %c0_i32 : i32, i32
  }
  func.func @transform_2(%arg0: i32) -> (i32, i32) {
    %c0_i32 = arith.constant 0 : i32
    %c0_i32_0 = arith.constant 0 : i32
    %c0_i32_1 = arith.constant 0 : i32
    return %c0_i32, %c0_i32_0 : i32, i32
  }
  func.func @transform_3(%arg0: i32) -> (i32, i32) {
    %c0_i32 = arith.constant 0 : i32
    %c0_i32_0 = arith.constant 0 : i32
    %c0_i32_1 = arith.constant 0 : i32
    return %c0_i32, %c0_i32_0 : i32, i32
  }
  func.func @transform_4(%arg0: i32) -> (i32, i32) {
    %c0_i32 = arith.constant 0 : i32
    %c0_i32_0 = arith.constant 0 : i32
    %c0_i32_1 = arith.constant 0 : i32
    return %c0_i32, %c0_i32_0 : i32, i32
  }
  func.func @transform_5(%arg0: i32) -> (i32, i32) {
    %c0_i32 = arith.constant 0 : i32
    %c0_i32_0 = arith.constant 0 : i32
    %c0_i32_1 = arith.constant 0 : i32
    return %c0_i32, %c0_i32_0 : i32, i32
  }
  func.func @transform_6(%arg0: i32) -> (i32, i32) {
    %c0_i32 = arith.constant 0 : i32
    %c0_i32_0 = arith.constant 0 : i32
    return %arg0, %c0_i32 : i32, i32
  }
}

</mosaic_0001>

<sc_bundles>
// kernel: kernel.5.cloned.1.call-start
scs
__scs_entry_jumppad:
0x0: {  	(pc) =	sbr.rel $0x88, $3  }
0x1: {  	(tag) =	ssettag $0x0;
	lr =	simm.s32 $0x1  }
0x2: {  	[smem:$0x3F98] =	sst lr;
	_ =	strace $0xD0000000  }
0x3: {  	_ = 	snop  }
0x4: {  	_ = 	snop  }
0x5: {  	_ = 	snop  }
0x6: {  	_ = 	snop  }
0x7: {  	_ = 	snop  }
__scs_overlays_trampoline_lowered:
0x8: {  	[smem:$0x3FA7] =	sst s0  }
0x9: {  	[smem:$0x3FA8] =	sst s1  }
0xa: {  	[smem:$0x3FA9] =	sst s2  }
0xb: {  	[smem:$0x3FAA] =	sst s3  }
0xc: {  	[smem:$0x3FAB] =	sst s4  }
0xd: {  	[smem:$0x3FAC] =	sst s5  }
0xe: {  	[smem:$0x3FAD] =	sst s6  }
0xf: {  	[smem:$0x3FAE] =	sst s7  }
0x10: {  	[smem:$0x3FAF] =	sst s8  }
0x11: {  	[smem:$0x3FB0] =	sst s9;
	s0 =	simm.s32 @!p0 $0x0  }
0x12: {  	s1 =	sld [smem:$0x3F96];
	s0 =	simm.s32 @p0 $0x1  }
0x13: {  	[smem:$0x3FB1] =	sst s0;
	s0 =	simm.s32 @!p1 $0x0  }
0x14: {  	s2 =	sld [smem:$0x3F95];
	s0 =	simm.s32 @p1 $0x1  }
0x15: {  	[smem:$0x3FB2] =	sst s0;
	s0 =	simm.s32 @!p2 $0x0  }
0x16: {  	s3 =	sld [smem:$0x3FDB];
	s0 =	simm.s32 @p2 $0x1  }
0x17: {  	s4 =	simm.s32 $0x1BF5;
	[smem:$0x3FB4] =	sst s0  }
0x18: {  	s0 =	sld [smem:$0x3F97];
	_ =	swait.ge [sflag:s4], $0x0  }
0x19: {  	s7 =	sld [smem:$0x3F98]  }
0x1a: {  	s8 =	sadd.s32 $0xFFFFE003, lr  }
0x1b: {  	s9 =	sadd.s32 $0xFFFFFEF7, lr;
	s5 =	simm.s32 $0xFFFFFFFF;
	p2 =	slt.u32 s8, $0xFFFFF086  }
0x1c: {  	p1 =	slt.u32 s9, $0xF7A;
	s5 =	simm.s32 @!p2 $0x0  }
0x1d: {  	s5 =	simm.s32 @p1 $0x1;
	p0 =	seq.s32 s7, s2  }
0x1e: {  	s7 =	smul.u32 @!p0 $0xF7A, s2;
	p2 =	seq.s32 @!p0 s5, $0x0  }
0x1f: {  	s9 =	smul.u32 $0xF7A, s1;
	s8 =	simm.s32 @!p0 $0x1BF5;
	p2 =	por !p2, p0  }
0x20: {  	[sflag:s8] =	ssyncset.s32 @!p0 $0xFFFFF086;
	s6 =	sadd.s32 @!p0 s3, s7;
	s7 =	simm.s32 @!p0 $0x108  }
0x21: {  	s3 =	sadd.s32 s3, s9;
	s6 =	sadd.s32 @!p0 $0x88, s6;
	s7 =	simm.s32 @p2 $0x1082  }
0x22: {  	[simem:s7], [sflag:s8] =	dma.local @!p0 [hbm:s6], $0xF7A  }
0x23: {  	s9 =	sor.u32 $0xD0000000, s2;
	s6 =	simm.s32 $0x108;
	_ =	swait.ge @!p0 [sflag:s8], $0x0  }
0x24: {  	s3 =	sadd.s32 $0x88, s3;
	s6 =	simm.s32 @!p1 $0x1082;
	[sflag:s4] =	ssyncset.s32 $0xFFFFF086  }
0x25: {  	[simem:s6], [sflag:s4] =	dma.local [hbm:s3], $0xF7A  }
0x26: {  	[smem:$0x3F98] =	sst s1;
	(tag) =	ssettag s2;
	_ =	strace s9  }
0x27: {  	s1 =	sld [smem:$0x3FA8]  }
0x28: {  	s2 =	sld [smem:$0x3FA9]  }
0x29: {  	s4 =	sld [smem:$0x3FAB]  }
0x2a: {  	p0 =	seq.s32 s5, $0x0;
	s5 =	sld [smem:$0x3FAC]  }
0x2b: {  	s6 =	sld [smem:$0x3FAD]  }
0x2c: {  	s7 =	sld [smem:$0x3FAE]  }
0x2d: {  	s3 =	simm.s32 $0x108;
	s8 =	sld [smem:$0x3FAF]  }
0x2e: {  	s3 =	simm.s32 @!p0 $0x1082;
	s9 =	sld [smem:$0x3FB0]  }
0x2f: {  	lr =	sadd.s32 s0, s3;
	s0 =	sld [smem:$0x3FA7]  }
0x30: {  	s3 =	sld [smem:$0x3FAA]  }
0x31: {  	[smem:$0x3FB3] =	sst s10  }
0x32: {  	s10 =	sld [smem:$0x3FB1];
	_ =	sdelay $0x3  }
0x33: {  	p0 =	seq.s32 s10, $0x1;
	s10 =	sld [smem:$0x3FB3];
	_ =	sdelay $0x3  }
0x34: {  	[smem:$0x3FB3] =	sst s10  }
0x35: {  	s10 =	sld [smem:$0x3FB2];
	_ =	sdelay $0x3  }
0x36: {  	p1 =	seq.s32 s10, $0x1;
	s10 =	sld [smem:$0x3FB3];
	_ =	sdelay $0x3  }
0x37: {  	[smem:$0x3FB3] =	sst s10  }
0x38: {  	s10 =	sld [smem:$0x3FB4]  }
0x39: {  	_ = 	snop;
	(pc) =	sbr.ind lr, $3  }
0x3a: {  	_ = 	snop  }
0x3b: {  	_ = 	snop  }
0x3c: {  	p2 =	seq.s32 s10, $0x1;
	s10 =	sld [smem:$0x3FB3]  }
0x3d: {  	_ =	shalt  }
0x3e: {  	_ =	shalt  }
0x3f: {  	_ =	shalt  }
0x40: {  	_ =	shalt  }
0x41: {  	_ =	shalt  }
0x42: {  	_ =	shalt  }
0x43: {  	_ =	shalt  }
0x44: {  	_ =	shalt  }
0x45: {  	_ =	shalt  }
0x46: {  	_ =	shalt  }
0x47: {  	_ =	shalt  }
0x48: {  	_ =	shalt  }
0x49: {  	_ =	shalt  }
0x4a: {  	_ =	shalt  }
0x4b: {  	_ =	shalt  }
0x4c: {  	_ =	shalt  }
0x4d: {  	_ =	shalt  }
0x4e: {  	_ =	shalt  }
0x4f: {  	_ =	shalt  }
0x50: {  	_ =	shalt  }
0x51: {  	_ =	shalt  }
0x52: {  	_ =	shalt  }
0x53: {  	_ =	shalt  }
0x54: {  	_ =	shalt  }
0x55: {  	_ =	shalt  }
0x56: {  	_ =	shalt  }
0x57: {  	_ =	shalt  }
0x58: {  	_ =	shalt  }
0x59: {  	_ =	shalt  }
0x5a: {  	_ =	shalt  }
0x5b: {  	_ =	shalt  }
0x5c: {  	_ =	shalt  }
0x5d: {  	_ =	shalt  }
0x5e: {  	_ =	shalt  }
0x5f: {  	_ =	shalt  }
0x60: {  	_ =	shalt  }
0x61: {  	_ =	shalt  }
0x62: {  	_ =	shalt  }
0x63: {  	_ =	shalt  }
0x64: {  	_ =	shalt  }
0x65: {  	_ =	shalt  }
0x66: {  	_ =	shalt  }
0x67: {  	_ =	shalt  }
0x68: {  	_ =	shalt  }
0x69: {  	_ =	shalt  }
0x6a: {  	_ =	shalt  }
0x6b: {  	_ =	shalt  }
0x6c: {  	_ =	shalt  }
0x6d: {  	_ =	shalt  }
0x6e: {  	_ =	shalt  }
0x6f: {  	_ =	shalt  }
0x70: {  	_ =	shalt  }
0x71: {  	_ =	shalt  }
0x72: {  	_ =	shalt  }
0x73: {  	_ =	shalt  }
0x74: {  	_ =	shalt  }
0x75: {  	_ =	shalt  }
0x76: {  	_ =	shalt  }
0x77: {  	_ =	shalt  }
0x78: {  	_ =	shalt  }
0x79: {  	_ =	shalt  }
0x7a: {  	_ =	shalt  }
0x7b: {  	_ =	shalt  }
0x7c: {  	_ =	shalt  }
0x7d: {  	_ =	shalt  }
0x7e: {  	_ =	shalt  }
0x7f: {  	_ =	shalt  }
0x80: {  	_ =	shalt  }
0x81: {  	_ =	shalt  }
0x82: {  	_ =	shalt  }
0x83: {  	_ =	shalt  }
0x84: {  	_ =	shalt  }
0x85: {  	_ =	shalt  }
0x86: {  	_ =	shalt  }
0x87: {  	_ =	shalt  }
.Lfunc_end0:
.L_simem_size_0:
called_computation_lowered:
.L_overlay_start_0:
0x88: {  	s2 =	sld [smem:$0x3FD9]  }
0x89: {  	s3 =	sld [smem:$0x3FFE];
	_ =	sdelay $0x1  }
0x8a: {  	s1 =	srdreg.scid  }
0x8b: {  	s0 =	sand.u32 $0x1, s1  }
0x8c: {  	s17 =	sshll.u32 s0, $0xA;
	s2 =	sadd.s32 s3, s2  }
0x8d: {  	s2 =	sadd.s32 s2, s17  }
0x8e: {  	[smem:$0x3FBF] =	sst s2  }
0x8f: {  	_ = 	snop  }
0x90: {  	s2 =	sld [smem:$0x3FD0];
	(tm) =	ssettm $0x1  }
0x91: {  	s18 =	sld [smem:$0x3FFB];
	_ =	sdelay $0x3  }
0x92: {  	_ =	strace s18  }
0x93: {  	s3 =	sld [smem:$0x3FFC];
	_ =	sdelay $0x3  }
0x94: {  	_ =	strace s3  }
0x95: {  	s3 =	sld [smem:$0x3FFD];
	_ =	sdelay $0x3  }
0x96: {  	_ =	strace s3  }
0x97: {  	_ =	strace $0x8FFFFFFF  }
0x98: {  	s19 =	sld [smem:$0x3FDB];
	_ =	sdelay $0x1  }
0x99: {  	s4 =	simm.s32 $_scs_section_size  }
0x9a: {  	s5 =	simm.s32 $_size__tile_overlayer_lowered;
	s6 =	simm.s32 $_tile_overlayer_lowered  }
0x9b: {  	s22 =	simm.s32 $0x1BFF;
	s21 =	sshll.u32 s6, $0x1;
	s3 =	sadd.s32 s4, s19  }
0x9c: {  	s7 =	simm.s32 $0x0;
	s20 =	sshll.u32 s5, $0x1;
	s5 =	sadd.s32 s21, s3  }
0x9d: {  	[timem:s7], [sflag:s22] =	dma.local [hbm:s5], s20  }
0x9e: {  	_ =	swait.ge [sflag:s22], s20  }
0x9f: {  	s4 =	ssub.s32 $0x0, s20;
	[sflag:s22] =	ssyncset.done $0x0  }
0xa0: {  	[sflag:s22] =	ssyncadd.s32 s4;
	_ =	sdelay $0x1  }
0xa1: {  	s23 =	simm.s32 $0x1B8B  }
0xa2: {  	_ =	swait.ge [sflag:s23], $0x1  }
0xa3: {  	[sflag:s23] =	ssyncset.done $0x0  }
0xa4: {  	s25 =	simm.s32 $0x1B8E;
	s24 =	sld [smem:$0x3FFE];
	[sflag:s23] =	ssyncadd.s32 $0xFFFFFFFF  }
0xa5: {  	s26 =	simm.s32 $execute0_lowered;
	[smem:$0x3FD2] =	sst s25  }
0xa6: {  	s5 =	sshll.u32 s26, $0x1;
	_ =	strace $0x80000046;
	[dreg:$0x1] =	wrdreg $0xFFFFFFFF  }
0xa7: {  	s28 =	simm.s32 $_size_execute0_lowered;
	s3 =	sadd.s32 s3, s5;
	[dreg:$0x0] =	wrdreg $0x0  }
0xa8: {  	s5 =	sshll.u32 s28, $0x1;
	[dreg:$0x2] =	wrdreg s3  }
0xa9: {  	[dreg:$0x3] =	wrdreg s5  }
0xaa: {  	[dreg:$0x4] =	wrdreg $0xC0  }
0xab: {  	_ =	task [dreg:s7], $0x5FFFF  }
0xac: {  	[dreg:$0x1] =	wrdreg $0xFFFFFFFF  }
0xad: {  	[dreg:$0x0] =	wrdreg $0x60  }
0xae: {  	[dreg:$0x2] =	wrdreg s24  }
0xaf: {  	[dreg:$0x3] =	wrdreg s2  }
0xb0: {  	[dreg:$0x4] =	wrdreg $0xA0000  }
0xb1: {  	[dreg:$0x5] =	wrdreg $0x9  }
0xb2: {  	_ =	task.clear_ibuf [dreg:s7], $0x6FFFF;
	_ =	strace $0x90000046  }
0xb3: {  	s29 =	simm.s32 $0x9;
	_ =	strace $0x80000048  }
0xb4: {  	_ =	swait.ge [sflag:s29], $0x1  }
0xb5: {  	[sflag:s29] =	ssyncadd.s32 $0xFFFFFFFF  }
0xb6: {  	_ =	strace $0x90000048  }
0xb7: {  	_ =	sfence  }
0xb8: {  	s30 =	sld [smem:$0x0];
	_ =	sdelay $0x2  }
0xb9: {  	s31 =	sshll.u32 s1, $0xD;
	s1 =	sshrl.u32 s1, $0x2  }
0xba: {  	s3 =	sand.u32 $0x4000, s31;
	s1 =	sadd.s32 s1, s30  }
0xbb: {  	s0 =	sor.u32 s3, s0;
	s1 =	sshll.u32 s1, $0x11  }
0xbc: {  	s0 =	sor.u32 s1, s0  }
0xbd: {  	s0 =	sadd.s32 $0x8F2B, s0  }
0xbe: {  	[sflag:s0] =	ssyncadd.remote.s32 $0x1  }
0xbf: {  	_ =	sfence.sel $0xFFFF  }
0xc0: {  	[dreg:$0x0] =	wrdreg $0xFFFFFFFF;
	(pc) =	sbr.abs _section_cstart, $3  }
0xc1: {  	[dreg:$0x1] =	wrdreg $0xFFFFFFFF  }
0xc2: {  	_ =	task.clear_ibuf [dreg:s7], $0x2FFFF;
	_ =	strace $0x9FFFFFFF  }
0xc3: {  	(tm) =	ssettm $0x7FFFFFFF  }
tec
execute0_lowered:
.L_overlay_start_1:
0x0: {  	(tag) =	ssettag $0x1  }
0x1: {  	s0 =	rddreg [dreg:$0x0]  }
0x2: {  	s2 =	rddreg [dreg:$0x1]  }
0x3: {  	s1 =	rddreg [dreg:$0x2];
	s4 =	srdreg.scid;
	s3 =	simm.s32 $0x0  }
0x4: {  	s10 =	stileid.u32;
	s29 =	simm.s32 $0x5;
	s30 =	simm.s32 $0x80  }
0x5: {  	s31 =	simm.s32 $0x6000;
	s28 =	simm.s32 $0x6;
	s5 =	sand.u32 $0x1, s4  }
0x6: {  	[smem:$0x7FF] =	sst s3;
	s7 =	smul.u32 $0x13C00, s10;
	s11 =	sadd.s32 $0x13A000, s0  }
0x7: {  	s6 =	smul.u32 $0x13C000, s5;
	s4 =	sshll.u32 s5, $0x4;
	_ =	strace $0x80000047  }
0x8: {  	s5 =	ssub.s32 $0x2, s5;
	s8 =	sor.u32 s10, s4;
	s10 =	smul.u32 $0x4F000, s10  }
0x9: {  	s4 =	sadd.s32 $0x1800, s0;
	s24 =	sshrl.u32 s5, $0x1;
	s9 =	smul.u32 $0x500, s8  }
0xa: {  	s6 =	sadd.s32 s7, s6;
	s23 =	smul.u32 $0x2800, s8;
	s5 =	ssub.s32 s5, s24  }
0xb: {  	s6 =	sshrl.u32 s6, $0x3;
	s12 =	sshrl.u32 s10, $0x2;
	s10 =	simm.s32 $0x1880  }
0xc: {  	s0 =	sadd.s32 s6, s0;
	s25 =	sadd.s32 s11, s9;
	s26 =	sshrl.u32 s23, $0x3  }
0xd: {  	s13 =	sadd.s32 s2, s9;
	s7 =	sadd.s32 s12, s1;
	[dreg:$0x4] =	wrdreg s25  }
0xe: {  	s9 =	simm.s32 $0x3;
	s12 =	simm.s32 $0x1900;
	[dreg:$0x5] =	wrdreg s13  }
0xf: {  	s14 =	sadd.s32 $0x100, s26;
	s16 =	sadd.s32 $0x4000, s7;
	s17 =	sadd.s32 $0x8000, s7  }
0x10: {  	s18 =	sadd.s32 $0xC000, s7;
	s19 =	sadd.s32 $0x200, s26;
	[dreg:$0x14] =	wrdreg s7  }
0x11: {  	s20 =	sadd.s32 $0x10000, s7;
	s22 =	sadd.s32 $0x300, s26;
	[dreg:$0x8] =	wrdreg s16  }
0x12: {  	s6 =	sadd.s32 $0x400, s26;
	s0 =	sadd.s32 $0x144000, s0;
	[dreg:$0x9] =	wrdreg s17  }
0x13: {  	s26 =	smax.u32 s5, $0x1;
	s7 =	simm.s32 $0x1000;
	[dreg:$0xa] =	wrdreg s18  }
0x14: {  	s5 =	simm.s32 $0x2;
	s13 =	simm.s32 $0xA00;
	[dreg:$0xb] =	wrdreg s20  }
0x15: {  	s15 =	sadd.s32 s11, s14;
	s8 =	sadd.s32 s2, s14;
	[dreg:$0x12] =	wrdreg s0  }
0x16: {  	s21 =	sadd.s32 s11, s19;
	s23 =	sadd.s32 s11, s22;
	[dreg:$0x13] =	wrdreg s26  }
0x17: {  	s24 =	sadd.s32 s2, s22;
	s25 =	sadd.s32 s11, s6;
	[dreg:$0x6] =	wrdreg s15  }
0x18: {  	s26 =	simm.s32 $0x7;
	s0 =	simm.s32 $0x1;
	[dreg:$0x7] =	wrdreg s8  }
0x19: {  	s22 =	simm.s32 $0x880;
	s11 =	simm.s32 $0x980;
	[dreg:$0xc] =	wrdreg s21  }
0x1a: {  	s14 =	simm.s32 $0x1980;
	s16 =	simm.s32 $0x1A00;
	[dreg:$0xe] =	wrdreg s23  }
0x1b: {  	s17 =	simm.s32 $0xB00;
	s20 =	simm.s32 $0x1A80;
	[dreg:$0xf] =	wrdreg s24  }
0x1c: {  	s18 =	simm.s32 $0x1B00;
	s8 =	sadd.s32 s2, s19;
	[dreg:$0x10] =	wrdreg s25  }
0x1d: {  	s2 =	sadd.s32 s2, s6;
	s6 =	simm.s32 $0x800;
	s24 =	simm.s32 $0x1800  }
0x1e: {  	s25 =	simm.s32 $0x2000;
	s21 =	simm.s32 $0x0;
	[dreg:$0xd] =	wrdreg s8  }
0x1f: {  	v0 =	vimm.f32 $0.0e+00;
	s15 =	simm.s32 $0xA80;
	s23 =	simm.s32 $0xB80;
	[dreg:$0x11] =	wrdreg s2  }
.LBB2_1:
0x20: {  	s2 =	rddreg [dreg:$0x4]  }
0x21: {  	[tilespmem:s3], [sflag:$0x3] =	stream.linear.gather [hbm4b:s2+s3], $0x800, $0x38;
	[tilespmem:$0x1DC00] =	vst v63  }
0x22: {  	s19 =	rddreg [dreg:$0x5]  }
0x23: {  	[tilespmem:s7], [sflag:$0x5] =	stream.linear.gather [hbm4b:s19+s3], $0x800, $0x38;
	[tilespmem:$0x1DC00] =	vst v63  }
0x24: {  	s8 =	rddreg [dreg:$0x6]  }
0x25: {  	[tilespmem:s6], [sflag:$0x4] =	stream.linear.gather [hbm4b:s8+s3], $0x800, $0x38;
	[tilespmem:$0x1DC00] =	vst v63  }
0x26: {  	s2 =	simm.s32 $0x0;
	s19 =	rddreg [dreg:$0x7];
	s6 =	simm.s32 $0x200  }
0x27: {  	[tilespmem:s24], [sflag:$0x6] =	stream.linear.gather [hbm4b:s19+s3], $0x800, $0x38;
	[tilespmem:$0x1DC00] =	vst v63  }
.LBB2_2:
0x28: {  	p0 =	sne.s32 s6, $0xFE00;
	[tilespmem:s2+$0x2070] =	vst v0  }
0x29: {  	[tilespmem:s2+$0x2000] =	vst v0  }
0x2a: {  	[tilespmem:s2+$0x2010] =	vst v0  }
.Ltmp0:
0x2b: {  	[tilespmem:s2+$0x2020] =	vst v0;
	(pc) =	sbr.rel @p0 .LBB2_2-.Ltmp0, $4  }
0x2c: {  	[tilespmem:s2+$0x2030] =	vst v0  }
0x2d: {  	[tilespmem:s2+$0x2040] =	vst v0  }
0x2e: {  	[tilespmem:s2+$0x2050] =	vst v0  }
0x2f: {  	[tilespmem:s2+$0x2060] =	vst v0;
	s2 =	sshra.s32 s6, $0x2;
	s6 =	sadd.s32 $0x200, s6  }
0x30: {  	[tilespmem:s2+$0x2070] =	vst v0  }
0x31: {  	[tilespmem:s2+$0x2000] =	vst v0  }
0x32: {  	[tilespmem:s2+$0x2010] =	vst v0  }
0x33: {  	[tilespmem:s2+$0x2020] =	vst v0  }
0x34: {  	[tilespmem:s2+$0x2030] =	vst v0  }
0x35: {  	[tilespmem:s2+$0x2040] =	vst v0  }
0x36: {  	[tilespmem:s2+$0x2050] =	vst v0  }
0x37: {  	[tilespmem:s2+$0x2060] =	vst v0;
	s6 =	rddreg [dreg:$0x14]  }
0x38: {  	[spmem:s6] =	stream.linear.scatter [tilespmem:s25], [sflag:$0x7], $0x4000, $0x38;
	[tilespmem:$0x1DC00] =	vst v63  }
0x39: {  	_ =	swait.ge [sflag:s26], $0x4000  }
0x3a: {  	[sflag:s26] =	ssyncset.done $0x0  }
0x3b: {  	s8 =	rddreg [dreg:$0x8];
	[sflag:s26] =	ssyncadd.s32 $0xFFFFC000  }
0x3c: {  	[spmem:s8] =	stream.linear.scatter [tilespmem:s25], [sflag:$0x7], $0x4000, $0x38;
	[tilespmem:$0x1DC00] =	vst v63  }
0x3d: {  	_ =	swait.ge [sflag:s26], $0x4000  }
0x3e: {  	[sflag:s26] =	ssyncset.done $0x0  }
0x3f: {  	s19 =	rddreg [dreg:$0x9];
	[sflag:s26] =	ssyncadd.s32 $0xFFFFC000  }
0x40: {  	[spmem:s19] =	stream.linear.scatter [tilespmem:s25], [sflag:$0x7], $0x4000, $0x38;
	[tilespmem:$0x1DC00] =	vst v63  }
0x41: {  	_ =	swait.ge [sflag:s26], $0x4000  }
0x42: {  	[sflag:s26] =	ssyncset.done $0x0  }
0x43: {  	s24 =	rddreg [dreg:$0xa];
	[sflag:s26] =	ssyncadd.s32 $0xFFFFC000  }
0x44: {  	[spmem:s24] =	stream.linear.scatter [tilespmem:s25], [sflag:$0x7], $0x4000, $0x38;
	[tilespmem:$0x1DC00] =	vst v63  }
0x45: {  	_ =	swait.ge [sflag:s26], $0x4000  }
0x46: {  	[sflag:s26] =	ssyncset.done $0x0  }
0x47: {  	s6 =	rddreg [dreg:$0xb];
	[sflag:s26] =	ssyncadd.s32 $0xFFFFC000  }
0x48: {  	[spmem:s6] =	stream.linear.scatter [tilespmem:s25], [sflag:$0x7], $0x3C00, $0x38;
	[tilespmem:$0x1DC00] =	vst v63  }
0x49: {  	_ =	swait.ge [sflag:s26], $0x3C00  }
0x4a: {  	[sflag:s26] =	ssyncset.done $0x0  }
0x4b: {  	[sflag:s26] =	ssyncadd.s32 $0xFFFFC400  }
0x4c: {  	_ =	swait.ge [sflag:s9], $0x800  }
0x4d: {  	[sflag:s9] =	ssyncset.done $0x0  }
0x4e: {  	[sflag:s9] =	ssyncadd.s32 $0xFFFFF800  }
0x4f: {  	_ =	swait.ge [sflag:s29], $0x800  }
0x50: {  	[sflag:s29] =	ssyncset.done $0x0  }
0x51: {  	[sflag:s29] =	ssyncadd.s32 $0xFFFFF800  }
0x52: {  	[tilespmem:s25], [sflag:$0x1] =	stream.indirect.gather [hbm4b:s4+s30], $0x80, s3, s30, $0xb8;
	[tilespmem:$0x1DC00] =	vst v63  }
0x53: {  	[bflag:$0x0] =	sbarrier.arrive $0xFFFF  }
0x54: {  	[tilespmem:s31], [sflag:$0x2] =	stream.indirect.gather [hbm4b:s4+s30], $0x80, s30, s30, $0xb8;
	[tilespmem:$0x1DC00] =	vst v63  }
0x55: {  	_ =	swait.ge [sflag:s0], $0x4000  }
0x56: {  	[sflag:s0] =	ssyncset.done $0x0  }
0x57: {  	[sflag:s0] =	ssyncadd.s32 $0xFFFFC000  }
0x58: {  	[spmem:s1] =	stream.indirect.scatter.add.f32 [tilespmem:s25], [sflag:$0x7], $0x80, s7, s30, $0xb8;
	[tilespmem:$0x1DC00] =	vst v63  }
0x59: {  	_ =	swait.ge [sflag:s26], $0x4000  }
0x5a: {  	[sflag:s26] =	ssyncset.done $0x0  }
0x5b: {  	s8 =	simm.s32 $0x100;
	[sflag:s26] =	ssyncadd.s32 $0xFFFFC000  }
0x5c: {  	[tilespmem:s25], [sflag:$0x1] =	stream.indirect.gather [hbm4b:s4+s30], $0x80, s8, s30, $0xb8;
	[tilespmem:$0x1DC00] =	vst v63  }
0x5d: {  	_ =	swait.ge [sflag:s5], $0x4000  }
0x5e: {  	[sflag:s5] =	ssyncset.done $0x0  }
0x5f: {  	s19 =	simm.s32 $0x1080;
	[sflag:s5] =	ssyncadd.s32 $0xFFFFC000  }
0x60: {  	[spmem:s1] =	stream.indirect.scatter.add.f32 [tilespmem:s31], [sflag:$0x7], $0x80, s19, s30, $0xb8;
	[tilespmem:$0x1DC00] =	vst v63  }
0x61: {  	_ =	swait.ge [sflag:s26], $0x4000  }
0x62: {  	[sflag:s26] =	ssyncset.done $0x0  }
0x63: {  	s24 =	simm.s32 $0x180;
	[sflag:s26] =	ssyncadd.s32 $0xFFFFC000  }
0x64: {  	[tilespmem:s31], [sflag:$0x2] =	stream.indirect.gather [hbm4b:s4+s30], $0x80, s24, s30, $0xb8;
	[tilespmem:$0x1DC00] =	vst v63  }
0x65: {  	_ =	swait.ge [sflag:s0], $0x4000  }
0x66: {  	[sflag:s0] =	ssyncset.done $0x0  }
0x67: {  	s6 =	simm.s32 $0x1100;
	[sflag:s0] =	ssyncadd.s32 $0xFFFFC000  }
0x68: {  	[spmem:s1] =	stream.indirect.scatter.add.f32 [tilespmem:s25], [sflag:$0x7], $0x80, s6, s30, $0xb8;
	[tilespmem:$0x1DC00] =	vst v63  }
0x69: {  	_ =	swait.ge [sflag:s26], $0x4000  }
0x6a: {  	[sflag:s26] =	ssyncset.done $0x0  }
0x6b: {  	s8 =	simm.s32 $0x200;
	[sflag:s26] =	ssyncadd.s32 $0xFFFFC000  }
0x6c: {  	[tilespmem:s25], [sflag:$0x1] =	stream.indirect.gather [hbm4b:s4+s30], $0x80, s8, s30, $0xb8;
	[tilespmem:$0x1DC00] =	vst v63  }
0x6d: {  	_ =	swait.ge [sflag:s5], $0x4000  }
0x6e: {  	[sflag:s5] =	ssyncset.done $0x0  }
0x6f: {  	s19 =	simm.s32 $0x1180;
	[sflag:s5] =	ssyncadd.s32 $0xFFFFC000  }
0x70: {  	[spmem:s1] =	stream.indirect.scatter.add.f32 [tilespmem:s31], [sflag:$0x7], $0x80, s19, s30, $0xb8;
	[tilespmem:$0x1DC00] =	vst v63  }
0x71: {  	_ =	swait.ge [sflag:s26], $0x4000  }
0x72: {  	[sflag:s26] =	ssyncset.done $0x0  }
0x73: {  	s24 =	simm.s32 $0x280;
	[sflag:s26] =	ssyncadd.s32 $0xFFFFC000  }
0x74: {  	[tilespmem:s31], [sflag:$0x2] =	stream.indirect.gather [hbm4b:s4+s30], $0x80, s24, s30, $0xb8;
	[tilespmem:$0x1DC00] =	vst v63  }
0x75: {  	_ =	swait.ge [sflag:s0], $0x4000  }
0x76: {  	[sflag:s0] =	ssyncset.done $0x0  }
0x77: {  	s6 =	simm.s32 $0x1200;
	[sflag:s0] =	ssyncadd.s32 $0xFFFFC000  }
0x78: {  	[spmem:s1] =	stream.indirect.scatter.add.f32 [tilespmem:s25], [sflag:$0x7], $0x80, s6, s30, $0xb8;
	[tilespmem:$0x1DC00] =	vst v63  }
0x79: {  	_ =	swait.ge [sflag:s26], $0x4000  }
0x7a: {  	[sflag:s26] =	ssyncset.done $0x0  }
0x7b: {  	s8 =	simm.s32 $0x300;
	[sflag:s26] =	ssyncadd.s32 $0xFFFFC000  }
0x7c: {  	[tilespmem:s25], [sflag:$0x1] =	stream.indirect.gather [hbm4b:s4+s30], $0x80, s8, s30, $0xb8;
	[tilespmem:$0x1DC00] =	vst v63  }
0x7d: {  	_ =	swait.ge [sflag:s5], $0x4000  }
0x7e: {  	[sflag:s5] =	ssyncset.done $0x0  }
0x7f: {  	s19 =	simm.s32 $0x1280;
	[sflag:s5] =	ssyncadd.s32 $0xFFFFC000  }
0x80: {  	[spmem:s1] =	stream.indirect.scatter.add.f32 [tilespmem:s31], [sflag:$0x7], $0x80, s19, s30, $0xb8;
	[tilespmem:$0x1DC00] =	vst v63  }
0x81: {  	_ =	swait.ge [sflag:s26], $0x4000  }
0x82: {  	[sflag:s26] =	ssyncset.done $0x0  }
0x83: {  	s24 =	simm.s32 $0x380;
	[sflag:s26] =	ssyncadd.s32 $0xFFFFC000  }
0x84: {  	[tilespmem:s31], [sflag:$0x2] =	stream.indirect.gather [hbm4b:s4+s30], $0x80, s24, s30, $0xb8;
	[tilespmem:$0x1DC00] =	vst v63  }
0x85: {  	_ =	swait.ge [sflag:s0], $0x4000  }
0x86: {  	[sflag:s0] =	ssyncset.done $0x0  }
0x87: {  	s6 =	simm.s32 $0x1300;
	[sflag:s0] =	ssyncadd.s32 $0xFFFFC000  }
0x88: {  	[spmem:s1] =	stream.indirect.scatter.add.f32 [tilespmem:s25], [sflag:$0x7], $0x80, s6, s30, $0xb8;
	[tilespmem:$0x1DC00] =	vst v63  }
0x89: {  	_ =	swait.ge [sflag:s26], $0x4000  }
0x8a: {  	[sflag:s26] =	ssyncset.done $0x0  }
0x8b: {  	s8 =	simm.s32 $0x400;
	[sflag:s26] =	ssyncadd.s32 $0xFFFFC000  }
0x8c: {  	[tilespmem:s25], [sflag:$0x1] =	stream.indirect.gather [hbm4b:s4+s30], $0x80, s8, s30, $0xb8;
	[tilespmem:$0x1DC00] =	vst v63  }
0x8d: {  	_ =	swait.ge [sflag:s5], $0x4000  }
0x8e: {  	[sflag:s5] =	ssyncset.done $0x0  }
0x8f: {  	s19 =	simm.s32 $0x1380;
	[sflag:s5] =	ssyncadd.s32 $0xFFFFC000  }
0x90: {  	[spmem:s1] =	stream.indirect.scatter.add.f32 [tilespmem:s31], [sflag:$0x7], $0x80, s19, s30, $0xb8;
	[tilespmem:$0x1DC00] =	vst v63  }
0x91: {  	_ =	swait.ge [sflag:s26], $0x4000  }
0x92: {  	[sflag:s26] =	ssyncset.done $0x0  }
0x93: {  	s24 =	simm.s32 $0x480;
	[sflag:s26] =	ssyncadd.s32 $0xFFFFC000  }
0x94: {  	[tilespmem:s31], [sflag:$0x2] =	stream.indirect.gather [hbm4b:s4+s30], $0x80, s24, s30, $0xb8;
	[tilespmem:$0x1DC00] =	vst v63  }
0x95: {  	_ =	swait.ge [sflag:s0], $0x4000  }
0x96: {  	[sflag:s0] =	ssyncset.done $0x0  }
0x97: {  	s6 =	simm.s32 $0x1400;
	[sflag:s0] =	ssyncadd.s32 $0xFFFFC000  }
0x98: {  	[spmem:s1] =	stream.indirect.scatter.add.f32 [tilespmem:s25], [sflag:$0x7], $0x80, s6, s30, $0xb8;
	[tilespmem:$0x1DC00] =	vst v63  }
0x99: {  	_ =	swait.ge [sflag:s26], $0x4000  }
0x9a: {  	[sflag:s26] =	ssyncset.done $0x0  }
0x9b: {  	s8 =	simm.s32 $0x500;
	[sflag:s26] =	ssyncadd.s32 $0xFFFFC000  }
0x9c: {  	[tilespmem:s25], [sflag:$0x1] =	stream.indirect.gather [hbm4b:s4+s30], $0x80, s8, s30, $0xb8;
	[tilespmem:$0x1DC00] =	vst v63  }
0x9d: {  	_ =	swait.ge [sflag:s5], $0x4000  }
0x9e: {  	[sflag:s5] =	ssyncset.done $0x0  }
0x9f: {  	s19 =	simm.s32 $0x1480;
	[sflag:s5] =	ssyncadd.s32 $0xFFFFC000  }
0xa0: {  	[spmem:s1] =	stream.indirect.scatter.add.f32 [tilespmem:s31], [sflag:$0x7], $0x80, s19, s30, $0xb8;
	[tilespmem:$0x1DC00] =	vst v63  }
0xa1: {  	_ =	swait.ge [sflag:s26], $0x4000  }
0xa2: {  	[sflag:s26] =	ssyncset.done $0x0  }
0xa3: {  	s24 =	simm.s32 $0x580;
	[sflag:s26] =	ssyncadd.s32 $0xFFFFC000  }
0xa4: {  	[tilespmem:s31], [sflag:$0x2] =	stream.indirect.gather [hbm4b:s4+s30], $0x80, s24, s30, $0xb8;
	[tilespmem:$0x1DC00] =	vst v63  }
0xa5: {  	_ =	swait.ge [sflag:s0], $0x4000  }
0xa6: {  	[sflag:s0] =	ssyncset.done $0x0  }
0xa7: {  	s6 =	simm.s32 $0x1500;
	[sflag:s0] =	ssyncadd.s32 $0xFFFFC000  }
0xa8: {  	[spmem:s1] =	stream.indirect.scatter.add.f32 [tilespmem:s25], [sflag:$0x7], $0x80, s6, s30, $0xb8;
	[tilespmem:$0x1DC00] =	vst v63  }
0xa9: {  	_ =	swait.ge [sflag:s26], $0x4000  }
0xaa: {  	[sflag:s26] =	ssyncset.done $0x0  }
0xab: {  	s8 =	simm.s32 $0x600;
	[sflag:s26] =	ssyncadd.s32 $0xFFFFC000  }
0xac: {  	[tilespmem:s25], [sflag:$0x1] =	stream.indirect.gather [hbm4b:s4+s30], $0x80, s8, s30, $0xb8;
	[tilespmem:$0x1DC00] =	vst v63  }
0xad: {  	_ =	swait.ge [sflag:s5], $0x4000  }
0xae: {  	[sflag:s5] =	ssyncset.done $0x0  }
0xaf: {  	s19 =	simm.s32 $0x1580;
	[sflag:s5] =	ssyncadd.s32 $0xFFFFC000  }
0xb0: {  	[spmem:s1] =	stream.indirect.scatter.add.f32 [tilespmem:s31], [sflag:$0x7], $0x80, s19, s30, $0xb8;
	[tilespmem:$0x1DC00] =	vst v63  }
0xb1: {  	_ =	swait.ge [sflag:s26], $0x4000  }
0xb2: {  	[sflag:s26] =	ssyncset.done $0x0  }
0xb3: {  	s24 =	simm.s32 $0x680;
	[sflag:s26] =	ssyncadd.s32 $0xFFFFC000  }
0xb4: {  	[tilespmem:s31], [sflag:$0x2] =	stream.indirect.gather [hbm4b:s4+s30], $0x80, s24, s30, $0xb8;
	[tilespmem:$0x1DC00] =	vst v63  }
0xb5: {  	_ =	swait.ge [sflag:s0], $0x4000  }
0xb6: {  	[sflag:s0] =	ssyncset.done $0x0  }
0xb7: {  	s6 =	simm.s32 $0x1600;
	[sflag:s0] =	ssyncadd.s32 $0xFFFFC000  }
0xb8: {  	[spmem:s1] =	stream.indirect.scatter.add.f32 [tilespmem:s25], [sflag:$0x7], $0x80, s6, s30, $0xb8;
	[tilespmem:$0x1DC00] =	vst v63  }
0xb9: {  	_ =	swait.ge [sflag:s26], $0x4000  }
0xba: {  	[sflag:s26] =	ssyncset.done $0x0  }
0xbb: {  	s8 =	simm.s32 $0x700;
	[sflag:s26] =	ssyncadd.s32 $0xFFFFC000  }
0xbc: {  	[tilespmem:s25], [sflag:$0x1] =	stream.indirect.gather [hbm4b:s4+s30], $0x80, s8, s30, $0xb8;
	[tilespmem:$0x1DC00] =	vst v63  }
0xbd: {  	_ =	swait.ge [sflag:s5], $0x4000  }
0xbe: {  	[sflag:s5] =	ssyncset.done $0x0  }
0xbf: {  	s19 =	simm.s32 $0x1680;
	[sflag:s5] =	ssyncadd.s32 $0xFFFFC000  }
0xc0: {  	[spmem:s1] =	stream.indirect.scatter.add.f32 [tilespmem:s31], [sflag:$0x7], $0x80, s19, s30, $0xb8;
	[tilespmem:$0x1DC00] =	vst v63  }
0xc1: {  	_ =	swait.ge [sflag:s26], $0x4000  }
0xc2: {  	[sflag:s26] =	ssyncset.done $0x0  }
0xc3: {  	s24 =	simm.s32 $0x780;
	[sflag:s26] =	ssyncadd.s32 $0xFFFFC000  }
0xc4: {  	[tilespmem:s31], [sflag:$0x2] =	stream.indirect.gather [hbm4b:s4+s30], $0x80, s24, s30, $0xb8;
	[tilespmem:$0x1DC00] =	vst v63  }
0xc5: {  	_ =	swait.ge [sflag:s0], $0x4000  }
0xc6: {  	[sflag:s0] =	ssyncset.done $0x0  }
0xc7: {  	s6 =	simm.s32 $0x1700;
	[sflag:s0] =	ssyncadd.s32 $0xFFFFC000  }
0xc8: {  	[spmem:s1] =	stream.indirect.scatter.add.f32 [tilespmem:s25], [sflag:$0x7], $0x80, s6, s30, $0xb8;
	[tilespmem:$0x1DC00] =	vst v63  }
0xc9: {  	_ =	swait.ge [sflag:s26], $0x4000  }
0xca: {  	[sflag:s26] =	ssyncset.done $0x0  }
0xcb: {  	s19 =	simm.s32 $0x4;
	[sflag:s26] =	ssyncadd.s32 $0xFFFFC000  }
0xcc: {  	_ =	swait.ge [sflag:s19], $0x800  }
0xcd: {  	[sflag:s19] =	ssyncset.done $0x0  }
0xce: {  	[sflag:s19] =	ssyncadd.s32 $0xFFFFF800  }
0xcf: {  	_ =	swait.ge [sflag:s28], $0x800  }
0xd0: {  	[sflag:s28] =	ssyncset.done $0x0  }
0xd1: {  	s24 =	simm.s32 $0x800;
	[sflag:s28] =	ssyncadd.s32 $0xFFFFF800  }
0xd2: {  	[tilespmem:s25], [sflag:$0x1] =	stream.indirect.gather [hbm4b:s4+s30], $0x80, s24, s30, $0xb8;
	[tilespmem:$0x1DC00] =	vst v63  }
0xd3: {  	_ =	swait.ge [sflag:s5], $0x4000  }
0xd4: {  	[sflag:s5] =	ssyncset.done $0x0  }
0xd5: {  	s8 =	simm.s32 $0x1780;
	[sflag:s5] =	ssyncadd.s32 $0xFFFFC000  }
0xd6: {  	[spmem:s1] =	stream.indirect.scatter.add.f32 [tilespmem:s31], [sflag:$0x7], $0x80, s8, s30, $0xb8;
	[tilespmem:$0x1DC00] =	vst v63  }
0xd7: {  	_ =	swait.ge [sflag:s26], $0x4000  }
0xd8: {  	[sflag:s26] =	ssyncset.done $0x0  }
0xd9: {  	s6 =	rddreg [dreg:$0xc];
	[sflag:s26] =	ssyncadd.s32 $0xFFFFC000  }
0xda: {  	[tilespmem:s3], [sflag:$0x3] =	stream.linear.gather [hbm4b:s6+s3], $0x800, $0x38;
	[tilespmem:$0x1DC00] =	vst v63  }
0xdb: {  	s8 =	rddreg [dreg:$0xd]  }
0xdc: {  	[tilespmem:s7], [sflag:$0x5] =	stream.linear.gather [hbm4b:s8+s3], $0x800, $0x38;
	[tilespmem:$0x1DC00] =	vst v63  }
0xdd: {  	_ = 	snop  }
0xde: {  	[tilespmem:s31], [sflag:$0x2] =	stream.indirect.gather [hbm4b:s4+s30], $0x80, s22, s30, $0xb8;
	[tilespmem:$0x1DC00] =	vst v63  }
0xdf: {  	_ =	swait.ge [sflag:s0], $0x4000  }
0xe0: {  	[sflag:s0] =	ssyncset.done $0x0  }
0xe1: {  	s7 =	simm.s32 $0x1800;
	[sflag:s0] =	ssyncadd.s32 $0xFFFFC000  }
0xe2: {  	[spmem:s1] =	stream.indirect.scatter.add.f32 [tilespmem:s25], [sflag:$0x7], $0x80, s7, s30, $0xb8;
	[tilespmem:$0x1DC00] =	vst v63  }
0xe3: {  	_ =	swait.ge [sflag:s26], $0x4000  }
0xe4: {  	[sflag:s26] =	ssyncset.done $0x0  }
0xe5: {  	s6 =	simm.s32 $0x900;
	[sflag:s26] =	ssyncadd.s32 $0xFFFFC000  }
0xe6: {  	[tilespmem:s25], [sflag:$0x1] =	stream.indirect.gather [hbm4b:s4+s30], $0x80, s6, s30, $0xb8;
	[tilespmem:$0x1DC00] =	vst v63  }
0xe7: {  	_ =	swait.ge [sflag:s5], $0x4000  }
0xe8: {  	[sflag:s5] =	ssyncset.done $0x0  }
0xe9: {  	[sflag:s5] =	ssyncadd.s32 $0xFFFFC000  }
0xea: {  	[spmem:s1] =	stream.indirect.scatter.add.f32 [tilespmem:s31], [sflag:$0x7], $0x80, s10, s30, $0xb8;
	[tilespmem:$0x1DC00] =	vst v63  }
0xeb: {  	_ =	swait.ge [sflag:s26], $0x4000  }
0xec: {  	[sflag:s26] =	ssyncset.done $0x0  }
0xed: {  	[sflag:s26] =	ssyncadd.s32 $0xFFFFC000  }
0xee: {  	[tilespmem:s31], [sflag:$0x2] =	stream.indirect.gather [hbm4b:s4+s30], $0x80, s11, s30, $0xb8;
	[tilespmem:$0x1DC00] =	vst v63  }
0xef: {  	_ =	swait.ge [sflag:s0], $0x4000  }
0xf0: {  	[sflag:s0] =	ssyncset.done $0x0  }
0xf1: {  	[sflag:s0] =	ssyncadd.s32 $0xFFFFC000  }
0xf2: {  	[spmem:s1] =	stream.indirect.scatter.add.f32 [tilespmem:s25], [sflag:$0x7], $0x80, s12, s30, $0xb8;
	[tilespmem:$0x1DC00] =	vst v63  }
0xf3: {  	_ =	swait.ge [sflag:s26], $0x4000  }
0xf4: {  	[sflag:s26] =	ssyncset.done $0x0  }
0xf5: {  	[sflag:s26] =	ssyncadd.s32 $0xFFFFC000  }
0xf6: {  	[tilespmem:s25], [sflag:$0x1] =	stream.indirect.gather [hbm4b:s4+s30], $0x80, s13, s30, $0xb8;
	[tilespmem:$0x1DC00] =	vst v63  }
0xf7: {  	_ =	swait.ge [sflag:s5], $0x4000  }
0xf8: {  	[sflag:s5] =	ssyncset.done $0x0  }
0xf9: {  	[sflag:s5] =	ssyncadd.s32 $0xFFFFC000  }
0xfa: {  	[spmem:s1] =	stream.indirect.scatter.add.f32 [tilespmem:s31], [sflag:$0x7], $0x80, s14, s30, $0xb8;
	[tilespmem:$0x1DC00] =	vst v63  }
0xfb: {  	_ =	swait.ge [sflag:s26], $0x4000  }
0xfc: {  	[sflag:s26] =	ssyncset.done $0x0  }
0xfd: {  	[sflag:s26] =	ssyncadd.s32 $0xFFFFC000  }
0xfe: {  	[tilespmem:s31], [sflag:$0x2] =	stream.indirect.gather [hbm4b:s4+s30], $0x80, s15, s30, $0xb8;
	[tilespmem:$0x1DC00] =	vst v63  }
0xff: {  	_ =	swait.ge [sflag:s0], $0x4000  }
0x100: {  	[sflag:s0] =	ssyncset.done $0x0  }
0x101: {  	[sflag:s0] =	ssyncadd.s32 $0xFFFFC000  }
0x102: {  	[spmem:s1] =	stream.indirect.scatter.add.f32 [tilespmem:s25], [sflag:$0x7], $0x80, s16, s30, $0xb8;
	[tilespmem:$0x1DC00] =	vst v63  }
0x103: {  	_ =	swait.ge [sflag:s26], $0x4000  }
0x104: {  	[sflag:s26] =	ssyncset.done $0x0  }
0x105: {  	[sflag:s26] =	ssyncadd.s32 $0xFFFFC000  }
0x106: {  	[tilespmem:s25], [sflag:$0x1] =	stream.indirect.gather [hbm4b:s4+s30], $0x80, s17, s30, $0xb8;
	[tilespmem:$0x1DC00] =	vst v63  }
0x107: {  	_ =	swait.ge [sflag:s5], $0x4000  }
0x108: {  	[sflag:s5] =	ssyncset.done $0x0  }
0x109: {  	[sflag:s5] =	ssyncadd.s32 $0xFFFFC000  }
0x10a: {  	[spmem:s1] =	stream.indirect.scatter.add.f32 [tilespmem:s31], [sflag:$0x7], $0x80, s20, s30, $0xb8;
	[tilespmem:$0x1DC00] =	vst v63  }
0x10b: {  	_ =	swait.ge [sflag:s26], $0x4000  }
0x10c: {  	[sflag:s26] =	ssyncset.done $0x0  }
0x10d: {  	[sflag:s26] =	ssyncadd.s32 $0xFFFFC000  }
0x10e: {  	[tilespmem:s31], [sflag:$0x2] =	stream.indirect.gather [hbm4b:s4+s30], $0x80, s23, s30, $0xb8;
	[tilespmem:$0x1DC00] =	vst v63  }
0x10f: {  	_ =	swait.ge [sflag:s0], $0x4000  }
0x110: {  	[sflag:s0] =	ssyncset.done $0x0  }
0x111: {  	[sflag:s0] =	ssyncadd.s32 $0xFFFFC000  }
0x112: {  	[spmem:s1] =	stream.indirect.scatter.add.f32 [tilespmem:s25], [sflag:$0x7], $0x80, s18, s30, $0xb8;
	[tilespmem:$0x1DC00] =	vst v63  }
0x113: {  	_ =	swait.ge [sflag:s26], $0x4000  }
0x114: {  	[sflag:s26] =	ssyncset.done $0x0  }
0x115: {  	s8 =	simm.s32 $0xC00;
	[sflag:s26] =	ssyncadd.s32 $0xFFFFC000  }
0x116: {  	[tilespmem:s25], [sflag:$0x1] =	stream.indirect.gather [hbm4b:s4+s30], $0x80, s8, s30, $0xb8;
	[tilespmem:$0x1DC00] =	vst v63  }
0x117: {  	_ =	swait.ge [sflag:s5], $0x4000  }
0x118: {  	[sflag:s5] =	ssyncset.done $0x0  }
0x119: {  	s2 =	simm.s32 $0x1B80;
	[sflag:s5] =	ssyncadd.s32 $0xFFFFC000  }
0x11a: {  	[spmem:s1] =	stream.indirect.scatter.add.f32 [tilespmem:s31], [sflag:$0x7], $0x80, s2, s30, $0xb8;
	[tilespmem:$0x1DC00] =	vst v63  }
0x11b: {  	_ =	swait.ge [sflag:s26], $0x4000  }
0x11c: {  	[sflag:s26] =	ssyncset.done $0x0  }
0x11d: {  	s2 =	simm.s32 $0xC80;
	[sflag:s26] =	ssyncadd.s32 $0xFFFFC000  }
0x11e: {  	[tilespmem:s31], [sflag:$0x2] =	stream.indirect.gather [hbm4b:s4+s30], $0x80, s2, s30, $0xb8;
	[tilespmem:$0x1DC00] =	vst v63  }
0x11f: {  	_ =	swait.ge [sflag:s0], $0x4000  }
0x120: {  	[sflag:s0] =	ssyncset.done $0x0  }
0x121: {  	s2 =	simm.s32 $0x1C00;
	[sflag:s0] =	ssyncadd.s32 $0xFFFFC000  }
0x122: {  	[spmem:s1] =	stream.indirect.scatter.add.f32 [tilespmem:s25], [sflag:$0x7], $0x80, s2, s30, $0xb8;
	[tilespmem:$0x1DC00] =	vst v63  }
0x123: {  	_ =	swait.ge [sflag:s26], $0x4000  }
0x124: {  	[sflag:s26] =	ssyncset.done $0x0  }
0x125: {  	s2 =	simm.s32 $0xD00;
	[sflag:s26] =	ssyncadd.s32 $0xFFFFC000  }
0x126: {  	[tilespmem:s25], [sflag:$0x1] =	stream.indirect.gather [hbm4b:s4+s30], $0x80, s2, s30, $0xb8;
	[tilespmem:$0x1DC00] =	vst v63  }
0x127: {  	_ =	swait.ge [sflag:s5], $0x4000  }
0x128: {  	[sflag:s5] =	ssyncset.done $0x0  }
0x129: {  	s2 =	simm.s32 $0x1C80;
	[sflag:s5] =	ssyncadd.s32 $0xFFFFC000  }
0x12a: {  	[spmem:s1] =	stream.indirect.scatter.add.f32 [tilespmem:s31], [sflag:$0x7], $0x80, s2, s30, $0xb8;
	[tilespmem:$0x1DC00] =	vst v63  }
0x12b: {  	_ =	swait.ge [sflag:s26], $0x4000  }
0x12c: {  	[sflag:s26] =	ssyncset.done $0x0  }
0x12d: {  	s2 =	simm.s32 $0xD80;
	[sflag:s26] =	ssyncadd.s32 $0xFFFFC000  }
0x12e: {  	[tilespmem:s31], [sflag:$0x2] =	stream.indirect.gather [hbm4b:s4+s30], $0x80, s2, s30, $0xb8;
	[tilespmem:$0x1DC00] =	vst v63  }
0x12f: {  	_ =	swait.ge [sflag:s0], $0x4000  }
0x130: {  	[sflag:s0] =	ssyncset.done $0x0  }
0x131: {  	s2 =	simm.s32 $0x1D00;
	[sflag:s0] =	ssyncadd.s32 $0xFFFFC000  }
0x132: {  	[spmem:s1] =	stream.indirect.scatter.add.f32 [tilespmem:s25], [sflag:$0x7], $0x80, s2, s30, $0xb8;
	[tilespmem:$0x1DC00] =	vst v63  }
0x133: {  	_ =	swait.ge [sflag:s26], $0x4000  }
0x134: {  	[sflag:s26] =	ssyncset.done $0x0  }
0x135: {  	s2 =	simm.s32 $0xE00;
	[sflag:s26] =	ssyncadd.s32 $0xFFFFC000  }
0x136: {  	[tilespmem:s25], [sflag:$0x1] =	stream.indirect.gather [hbm4b:s4+s30], $0x80, s2, s30, $0xb8;
	[tilespmem:$0x1DC00] =	vst v63  }
0x137: {  	_ =	swait.ge [sflag:s5], $0x4000  }
0x138: {  	[sflag:s5] =	ssyncset.done $0x0  }
0x139: {  	s2 =	simm.s32 $0x1D80;
	[sflag:s5] =	ssyncadd.s32 $0xFFFFC000  }
0x13a: {  	[spmem:s1] =	stream.indirect.scatter.add.f32 [tilespmem:s31], [sflag:$0x7], $0x80, s2, s30, $0xb8;
	[tilespmem:$0x1DC00] =	vst v63  }
0x13b: {  	_ =	swait.ge [sflag:s26], $0x4000  }
0x13c: {  	[sflag:s26] =	ssyncset.done $0x0  }
0x13d: {  	s2 =	simm.s32 $0xE80;
	[sflag:s26] =	ssyncadd.s32 $0xFFFFC000  }
0x13e: {  	[tilespmem:s31], [sflag:$0x2] =	stream.indirect.gather [hbm4b:s4+s30], $0x80, s2, s30, $0xb8;
	[tilespmem:$0x1DC00] =	vst v63  }
0x13f: {  	_ =	swait.ge [sflag:s0], $0x4000  }
0x140: {  	[sflag:s0] =	ssyncset.done $0x0  }
0x141: {  	s2 =	simm.s32 $0x1E00;
	[sflag:s0] =	ssyncadd.s32 $0xFFFFC000  }
0x142: {  	[spmem:s1] =	stream.indirect.scatter.add.f32 [tilespmem:s25], [sflag:$0x7], $0x80, s2, s30, $0xb8;
	[tilespmem:$0x1DC00] =	vst v63  }
0x143: {  	_ =	swait.ge [sflag:s26], $0x4000  }
0x144: {  	[sflag:s26] =	ssyncset.done $0x0  }
0x145: {  	s2 =	simm.s32 $0xF00;
	[sflag:s26] =	ssyncadd.s32 $0xFFFFC000  }
0x146: {  	[tilespmem:s25], [sflag:$0x1] =	stream.indirect.gather [hbm4b:s4+s30], $0x80, s2, s30, $0xb8;
	[tilespmem:$0x1DC00] =	vst v63  }
0x147: {  	_ =	swait.ge [sflag:s5], $0x4000  }
0x148: {  	[sflag:s5] =	ssyncset.done $0x0  }
0x149: {  	s2 =	simm.s32 $0x1E80;
	[sflag:s5] =	ssyncadd.s32 $0xFFFFC000  }
0x14a: {  	[spmem:s1] =	stream.indirect.scatter.add.f32 [tilespmem:s31], [sflag:$0x7], $0x80, s2, s30, $0xb8;
	[tilespmem:$0x1DC00] =	vst v63  }
0x14b: {  	_ =	swait.ge [sflag:s26], $0x4000  }
0x14c: {  	[sflag:s26] =	ssyncset.done $0x0  }
0x14d: {  	s2 =	simm.s32 $0xF80;
	[sflag:s26] =	ssyncadd.s32 $0xFFFFC000  }
0x14e: {  	[tilespmem:s31], [sflag:$0x2] =	stream.indirect.gather [hbm4b:s4+s30], $0x80, s2, s30, $0xb8;
	[tilespmem:$0x1DC00] =	vst v63  }
0x14f: {  	_ =	swait.ge [sflag:s0], $0x4000  }
0x150: {  	[sflag:s0] =	ssyncset.done $0x0  }
0x151: {  	s2 =	simm.s32 $0x1F00;
	[sflag:s0] =	ssyncadd.s32 $0xFFFFC000  }
0x152: {  	[spmem:s1] =	stream.indirect.scatter.add.f32 [tilespmem:s25], [sflag:$0x7], $0x80, s2, s30, $0xb8;
	[tilespmem:$0x1DC00] =	vst v63  }
0x153: {  	_ =	swait.ge [sflag:s26], $0x4000  }
0x154: {  	[sflag:s26] =	ssyncset.done $0x0  }
0x155: {  	[sflag:s26] =	ssyncadd.s32 $0xFFFFC000  }
0x156: {  	_ =	swait.ge [sflag:s9], $0x800  }
0x157: {  	[sflag:s9] =	ssyncset.done $0x0  }
0x158: {  	[sflag:s9] =	ssyncadd.s32 $0xFFFFF800  }
0x159: {  	_ =	swait.ge [sflag:s29], $0x800  }
0x15a: {  	[sflag:s29] =	ssyncset.done $0x0  }
0x15b: {  	[sflag:s29] =	ssyncadd.s32 $0xFFFFF800  }
0x15c: {  	[tilespmem:s25], [sflag:$0x1] =	stream.indirect.gather [hbm4b:s4+s30], $0x80, s3, s30, $0xb8;
	[tilespmem:$0x1DC00] =	vst v63  }
0x15d: {  	_ =	swait.ge [sflag:s5], $0x4000  }
0x15e: {  	[sflag:s5] =	ssyncset.done $0x0  }
0x15f: {  	s2 =	simm.s32 $0x1F80;
	[sflag:s5] =	ssyncadd.s32 $0xFFFFC000  }
0x160: {  	[spmem:s1] =	stream.indirect.scatter.add.f32 [tilespmem:s31], [sflag:$0x7], $0x80, s2, s30, $0xb8;
	[tilespmem:$0x1DC00] =	vst v63  }
0x161: {  	_ =	swait.ge [sflag:s26], $0x4000  }
0x162: {  	[sflag:s26] =	ssyncset.done $0x0  }
0x163: {  	s2 =	rddreg [dreg:$0xe];
	[sflag:s26] =	ssyncadd.s32 $0xFFFFC000  }
0x164: {  	[tilespmem:s24], [sflag:$0x4] =	stream.linear.gather [hbm4b:s2+s3], $0x800, $0x38;
	[tilespmem:$0x1DC00] =	vst v63  }
0x165: {  	s2 =	rddreg [dreg:$0xf]  }
0x166: {  	[tilespmem:s7], [sflag:$0x6] =	stream.linear.gather [hbm4b:s2+s3], $0x800, $0x38;
	[tilespmem:$0x1DC00] =	vst v63  }
0x167: {  	_ = 	snop  }
0x168: {  	[tilespmem:s31], [sflag:$0x2] =	stream.indirect.gather [hbm4b:s4+s30], $0x80, s30, s30, $0xb8;
	[tilespmem:$0x1DC00] =	vst v63  }
0x169: {  	_ =	swait.ge [sflag:s0], $0x4000  }
0x16a: {  	[sflag:s0] =	ssyncset.done $0x0  }
0x16b: {  	s7 =	simm.s32 $0x1000;
	[sflag:s0] =	ssyncadd.s32 $0xFFFFC000  }
0x16c: {  	[spmem:s1] =	stream.indirect.scatter.add.f32 [tilespmem:s25], [sflag:$0x7], $0x80, s7, s30, $0xb8;
	[tilespmem:$0x1DC00] =	vst v63  }
0x16d: {  	_ =	swait.ge [sflag:s26], $0x4000  }
0x16e: {  	[sflag:s26] =	ssyncset.done $0x0  }
0x16f: {  	s2 =	simm.s32 $0x100;
	[sflag:s26] =	ssyncadd.s32 $0xFFFFC000  }
0x170: {  	[tilespmem:s25], [sflag:$0x1] =	stream.indirect.gather [hbm4b:s4+s30], $0x80, s2, s30, $0xb8;
	[tilespmem:$0x1DC00] =	vst v63  }
0x171: {  	_ =	swait.ge [sflag:s5], $0x4000  }
0x172: {  	[sflag:s5] =	ssyncset.done $0x0  }
0x173: {  	s2 =	simm.s32 $0x1080;
	[sflag:s5] =	ssyncadd.s32 $0xFFFFC000  }
0x174: {  	[spmem:s1] =	stream.indirect.scatter.add.f32 [tilespmem:s31], [sflag:$0x7], $0x80, s2, s30, $0xb8;
	[tilespmem:$0x1DC00] =	vst v63  }
0x175: {  	_ =	swait.ge [sflag:s26], $0x4000  }
0x176: {  	[sflag:s26] =	ssyncset.done $0x0  }
0x177: {  	s2 =	simm.s32 $0x180;
	[sflag:s26] =	ssyncadd.s32 $0xFFFFC000  }
0x178: {  	[tilespmem:s31], [sflag:$0x2] =	stream.indirect.gather [hbm4b:s4+s30], $0x80, s2, s30, $0xb8;
	[tilespmem:$0x1DC00] =	vst v63  }
0x179: {  	_ =	swait.ge [sflag:s0], $0x4000  }
0x17a: {  	[sflag:s0] =	ssyncset.done $0x0  }
0x17b: {  	s2 =	simm.s32 $0x1100;
	[sflag:s0] =	ssyncadd.s32 $0xFFFFC000  }
0x17c: {  	[spmem:s1] =	stream.indirect.scatter.add.f32 [tilespmem:s25], [sflag:$0x7], $0x80, s2, s30, $0xb8;
	[tilespmem:$0x1DC00] =	vst v63  }
0x17d: {  	_ =	swait.ge [sflag:s26], $0x4000  }
0x17e: {  	[sflag:s26] =	ssyncset.done $0x0  }
0x17f: {  	s2 =	simm.s32 $0x200;
	[sflag:s26] =	ssyncadd.s32 $0xFFFFC000  }
0x180: {  	[tilespmem:s25], [sflag:$0x1] =	stream.indirect.gather [hbm4b:s4+s30], $0x80, s2, s30, $0xb8;
	[tilespmem:$0x1DC00] =	vst v63  }
0x181: {  	_ =	swait.ge [sflag:s5], $0x4000  }
0x182: {  	[sflag:s5] =	ssyncset.done $0x0  }
0x183: {  	s2 =	simm.s32 $0x1180;
	[sflag:s5] =	ssyncadd.s32 $0xFFFFC000  }
0x184: {  	[spmem:s1] =	stream.indirect.scatter.add.f32 [tilespmem:s31], [sflag:$0x7], $0x80, s2, s30, $0xb8;
	[tilespmem:$0x1DC00] =	vst v63  }
0x185: {  	_ =	swait.ge [sflag:s26], $0x4000  }
0x186: {  	[sflag:s26] =	ssyncset.done $0x0  }
0x187: {  	s2 =	simm.s32 $0x280;
	[sflag:s26] =	ssyncadd.s32 $0xFFFFC000  }
0x188: {  	[tilespmem:s31], [sflag:$0x2] =	stream.indirect.gather [hbm4b:s4+s30], $0x80, s2, s30, $0xb8;
	[tilespmem:$0x1DC00] =	vst v63  }
0x189: {  	_ =	swait.ge [sflag:s0], $0x4000  }
0x18a: {  	[sflag:s0] =	ssyncset.done $0x0  }
0x18b: {  	s2 =	simm.s32 $0x1200;
	[sflag:s0] =	ssyncadd.s32 $0xFFFFC000  }
0x18c: {  	[spmem:s1] =	stream.indirect.scatter.add.f32 [tilespmem:s25], [sflag:$0x7], $0x80, s2, s30, $0xb8;
	[tilespmem:$0x1DC00] =	vst v63  }
0x18d: {  	_ =	swait.ge [sflag:s26], $0x4000  }
0x18e: {  	[sflag:s26] =	ssyncset.done $0x0  }
0x18f: {  	s2 =	simm.s32 $0x300;
	[sflag:s26] =	ssyncadd.s32 $0xFFFFC000  }
0x190: {  	[tilespmem:s25], [sflag:$0x1] =	stream.indirect.gather [hbm4b:s4+s30], $0x80, s2, s30, $0xb8;
	[tilespmem:$0x1DC00] =	vst v63  }
0x191: {  	_ =	swait.ge [sflag:s5], $0x4000  }
0x192: {  	[sflag:s5] =	ssyncset.done $0x0  }
0x193: {  	s2 =	simm.s32 $0x1280;
	[sflag:s5] =	ssyncadd.s32 $0xFFFFC000  }
0x194: {  	[spmem:s1] =	stream.indirect.scatter.add.f32 [tilespmem:s31], [sflag:$0x7], $0x80, s2, s30, $0xb8;
	[tilespmem:$0x1DC00] =	vst v63  }
0x195: {  	_ =	swait.ge [sflag:s26], $0x4000  }
0x196: {  	[sflag:s26] =	ssyncset.done $0x0  }
0x197: {  	s2 =	simm.s32 $0x380;
	[sflag:s26] =	ssyncadd.s32 $0xFFFFC000  }
0x198: {  	[tilespmem:s31], [sflag:$0x2] =	stream.indirect.gather [hbm4b:s4+s30], $0x80, s2, s30, $0xb8;
	[tilespmem:$0x1DC00] =	vst v63  }
0x199: {  	_ =	swait.ge [sflag:s0], $0x4000  }
0x19a: {  	[sflag:s0] =	ssyncset.done $0x0  }
0x19b: {  	s2 =	simm.s32 $0x1300;
	[sflag:s0] =	ssyncadd.s32 $0xFFFFC000  }
0x19c: {  	[spmem:s1] =	stream.indirect.scatter.add.f32 [tilespmem:s25], [sflag:$0x7], $0x80, s2, s30, $0xb8;
	[tilespmem:$0x1DC00] =	vst v63  }
0x19d: {  	_ =	swait.ge [sflag:s26], $0x4000  }
0x19e: {  	[sflag:s26] =	ssyncset.done $0x0  }
0x19f: {  	s2 =	simm.s32 $0x400;
	[sflag:s26] =	ssyncadd.s32 $0xFFFFC000  }
0x1a0: {  	[tilespmem:s25], [sflag:$0x1] =	stream.indirect.gather [hbm4b:s4+s30], $0x80, s2, s30, $0xb8;
	[tilespmem:$0x1DC00] =	vst v63  }
0x1a1: {  	_ =	swait.ge [sflag:s5], $0x4000  }
0x1a2: {  	[sflag:s5] =	ssyncset.done $0x0  }
0x1a3: {  	s2 =	simm.s32 $0x1380;
	[sflag:s5] =	ssyncadd.s32 $0xFFFFC000  }
0x1a4: {  	[spmem:s1] =	stream.indirect.scatter.add.f32 [tilespmem:s31], [sflag:$0x7], $0x80, s2, s30, $0xb8;
	[tilespmem:$0x1DC00] =	vst v63  }
0x1a5: {  	_ =	swait.ge [sflag:s26], $0x4000  }
0x1a6: {  	[sflag:s26] =	ssyncset.done $0x0  }
0x1a7: {  	s2 =	simm.s32 $0x480;
	[sflag:s26] =	ssyncadd.s32 $0xFFFFC000  }
0x1a8: {  	[tilespmem:s31], [sflag:$0x2] =	stream.indirect.gather [hbm4b:s4+s30], $0x80, s2, s30, $0xb8;
	[tilespmem:$0x1DC00] =	vst v63  }
0x1a9: {  	_ =	swait.ge [sflag:s0], $0x4000  }
0x1aa: {  	[sflag:s0] =	ssyncset.done $0x0  }
0x1ab: {  	s2 =	simm.s32 $0x1400;
	[sflag:s0] =	ssyncadd.s32 $0xFFFFC000  }
0x1ac: {  	[spmem:s1] =	stream.indirect.scatter.add.f32 [tilespmem:s25], [sflag:$0x7], $0x80, s2, s30, $0xb8;
	[tilespmem:$0x1DC00] =	vst v63  }
0x1ad: {  	_ =	swait.ge [sflag:s26], $0x4000  }
0x1ae: {  	[sflag:s26] =	ssyncset.done $0x0  }
0x1af: {  	s2 =	simm.s32 $0x500;
	[sflag:s26] =	ssyncadd.s32 $0xFFFFC000  }
0x1b0: {  	[tilespmem:s25], [sflag:$0x1] =	stream.indirect.gather [hbm4b:s4+s30], $0x80, s2, s30, $0xb8;
	[tilespmem:$0x1DC00] =	vst v63  }
0x1b1: {  	_ =	swait.ge [sflag:s5], $0x4000  }
0x1b2: {  	[sflag:s5] =	ssyncset.done $0x0  }
0x1b3: {  	s2 =	simm.s32 $0x1480;
	[sflag:s5] =	ssyncadd.s32 $0xFFFFC000  }
0x1b4: {  	[spmem:s1] =	stream.indirect.scatter.add.f32 [tilespmem:s31], [sflag:$0x7], $0x80, s2, s30, $0xb8;
	[tilespmem:$0x1DC00] =	vst v63  }
0x1b5: {  	_ =	swait.ge [sflag:s26], $0x4000  }
0x1b6: {  	[sflag:s26] =	ssyncset.done $0x0  }
0x1b7: {  	s2 =	simm.s32 $0x580;
	[sflag:s26] =	ssyncadd.s32 $0xFFFFC000  }
0x1b8: {  	[tilespmem:s31], [sflag:$0x2] =	stream.indirect.gather [hbm4b:s4+s30], $0x80, s2, s30, $0xb8;
	[tilespmem:$0x1DC00] =	vst v63  }
0x1b9: {  	_ =	swait.ge [sflag:s0], $0x4000  }
0x1ba: {  	[sflag:s0] =	ssyncset.done $0x0  }
0x1bb: {  	s2 =	simm.s32 $0x1500;
	[sflag:s0] =	ssyncadd.s32 $0xFFFFC000  }
0x1bc: {  	[spmem:s1] =	stream.indirect.scatter.add.f32 [tilespmem:s25], [sflag:$0x7], $0x80, s2, s30, $0xb8;
	[tilespmem:$0x1DC00] =	vst v63  }
0x1bd: {  	_ =	swait.ge [sflag:s26], $0x4000  }
0x1be: {  	[sflag:s26] =	ssyncset.done $0x0  }
0x1bf: {  	s2 =	simm.s32 $0x600;
	[sflag:s26] =	ssyncadd.s32 $0xFFFFC000  }
0x1c0: {  	[tilespmem:s25], [sflag:$0x1] =	stream.indirect.gather [hbm4b:s4+s30], $0x80, s2, s30, $0xb8;
	[tilespmem:$0x1DC00] =	vst v63  }
0x1c1: {  	_ =	swait.ge [sflag:s5], $0x4000  }
0x1c2: {  	[sflag:s5] =	ssyncset.done $0x0  }
0x1c3: {  	s2 =	simm.s32 $0x1580;
	[sflag:s5] =	ssyncadd.s32 $0xFFFFC000  }
0x1c4: {  	[spmem:s1] =	stream.indirect.scatter.add.f32 [tilespmem:s31], [sflag:$0x7], $0x80, s2, s30, $0xb8;
	[tilespmem:$0x1DC00] =	vst v63  }
0x1c5: {  	_ =	swait.ge [sflag:s26], $0x4000  }
0x1c6: {  	[sflag:s26] =	ssyncset.done $0x0  }
0x1c7: {  	s2 =	simm.s32 $0x680;
	[sflag:s26] =	ssyncadd.s32 $0xFFFFC000  }
0x1c8: {  	[tilespmem:s31], [sflag:$0x2] =	stream.indirect.gather [hbm4b:s4+s30], $0x80, s2, s30, $0xb8;
	[tilespmem:$0x1DC00] =	vst v63  }
0x1c9: {  	_ =	swait.ge [sflag:s0], $0x4000  }
0x1ca: {  	[sflag:s0] =	ssyncset.done $0x0  }
0x1cb: {  	s2 =	simm.s32 $0x1600;
	[sflag:s0] =	ssyncadd.s32 $0xFFFFC000  }
0x1cc: {  	[spmem:s1] =	stream.indirect.scatter.add.f32 [tilespmem:s25], [sflag:$0x7], $0x80, s2, s30, $0xb8;
	[tilespmem:$0x1DC00] =	vst v63  }
0x1cd: {  	_ =	swait.ge [sflag:s26], $0x4000  }
0x1ce: {  	[sflag:s26] =	ssyncset.done $0x0  }
0x1cf: {  	s2 =	simm.s32 $0x700;
	[sflag:s26] =	ssyncadd.s32 $0xFFFFC000  }
0x1d0: {  	[tilespmem:s25], [sflag:$0x1] =	stream.indirect.gather [hbm4b:s4+s30], $0x80, s2, s30, $0xb8;
	[tilespmem:$0x1DC00] =	vst v63  }
0x1d1: {  	_ =	swait.ge [sflag:s5], $0x4000  }
0x1d2: {  	[sflag:s5] =	ssyncset.done $0x0  }
0x1d3: {  	s2 =	simm.s32 $0x1680;
	[sflag:s5] =	ssyncadd.s32 $0xFFFFC000  }
0x1d4: {  	[spmem:s1] =	stream.indirect.scatter.add.f32 [tilespmem:s31], [sflag:$0x7], $0x80, s2, s30, $0xb8;
	[tilespmem:$0x1DC00] =	vst v63  }
0x1d5: {  	_ =	swait.ge [sflag:s26], $0x4000  }
0x1d6: {  	[sflag:s26] =	ssyncset.done $0x0  }
0x1d7: {  	s2 =	simm.s32 $0x780;
	[sflag:s26] =	ssyncadd.s32 $0xFFFFC000  }
0x1d8: {  	[tilespmem:s31], [sflag:$0x2] =	stream.indirect.gather [hbm4b:s4+s30], $0x80, s2, s30, $0xb8;
	[tilespmem:$0x1DC00] =	vst v63  }
0x1d9: {  	_ =	swait.ge [sflag:s0], $0x4000  }
0x1da: {  	[sflag:s0] =	ssyncset.done $0x0  }
0x1db: {  	s2 =	simm.s32 $0x1700;
	[sflag:s0] =	ssyncadd.s32 $0xFFFFC000  }
0x1dc: {  	[spmem:s1] =	stream.indirect.scatter.add.f32 [tilespmem:s25], [sflag:$0x7], $0x80, s2, s30, $0xb8;
	[tilespmem:$0x1DC00] =	vst v63  }
0x1dd: {  	_ =	swait.ge [sflag:s26], $0x4000  }
0x1de: {  	[sflag:s26] =	ssyncset.done $0x0  }
0x1df: {  	[sflag:s26] =	ssyncadd.s32 $0xFFFFC000  }
0x1e0: {  	_ =	swait.ge [sflag:s19], $0x800  }
0x1e1: {  	[sflag:s19] =	ssyncset.done $0x0  }
0x1e2: {  	[sflag:s19] =	ssyncadd.s32 $0xFFFFF800  }
0x1e3: {  	_ =	swait.ge [sflag:s28], $0x800  }
0x1e4: {  	[sflag:s28] =	ssyncset.done $0x0  }
0x1e5: {  	[sflag:s28] =	ssyncadd.s32 $0xFFFFF800  }
0x1e6: {  	[tilespmem:s25], [sflag:$0x1] =	stream.indirect.gather [hbm4b:s4+s30], $0x80, s24, s30, $0xb8;
	[tilespmem:$0x1DC00] =	vst v63  }
0x1e7: {  	_ =	swait.ge [sflag:s5], $0x4000  }
0x1e8: {  	[sflag:s5] =	ssyncset.done $0x0  }
0x1e9: {  	s19 =	simm.s32 $0x1780;
	[sflag:s5] =	ssyncadd.s32 $0xFFFFC000  }
0x1ea: {  	[spmem:s1] =	stream.indirect.scatter.add.f32 [tilespmem:s31], [sflag:$0x7], $0x80, s19, s30, $0xb8;
	[tilespmem:$0x1DC00] =	vst v63  }
0x1eb: {  	_ =	swait.ge [sflag:s26], $0x4000  }
0x1ec: {  	[sflag:s26] =	ssyncset.done $0x0  }
0x1ed: {  	s2 =	rddreg [dreg:$0x10];
	[sflag:s26] =	ssyncadd.s32 $0xFFFFC000  }
0x1ee: {  	[tilespmem:s3], [sflag:$0x3] =	stream.linear.gather [hbm4b:s2+s3], $0x800, $0x38;
	[tilespmem:$0x1DC00] =	vst v63  }
0x1ef: {  	s2 =	rddreg [dreg:$0x11]  }
0x1f0: {  	[tilespmem:s7], [sflag:$0x5] =	stream.linear.gather [hbm4b:s2+s3], $0x800, $0x38;
	[tilespmem:$0x1DC00] =	vst v63  }
0x1f1: {  	_ = 	snop  }
0x1f2: {  	[tilespmem:s31], [sflag:$0x2] =	stream.indirect.gather [hbm4b:s4+s30], $0x80, s22, s30, $0xb8;
	[tilespmem:$0x1DC00] =	vst v63  }
0x1f3: {  	_ =	swait.ge [sflag:s0], $0x4000  }
0x1f4: {  	[sflag:s0] =	ssyncset.done $0x0  }
0x1f5: {  	s24 =	simm.s32 $0x1800;
	[sflag:s0] =	ssyncadd.s32 $0xFFFFC000  }
0x1f6: {  	[spmem:s1] =	stream.indirect.scatter.add.f32 [tilespmem:s25], [sflag:$0x7], $0x80, s24, s30, $0xb8;
	[tilespmem:$0x1DC00] =	vst v63  }
0x1f7: {  	_ =	swait.ge [sflag:s26], $0x4000  }
0x1f8: {  	[sflag:s26] =	ssyncset.done $0x0  }
0x1f9: {  	[sflag:s26] =	ssyncadd.s32 $0xFFFFC000  }
0x1fa: {  	[tilespmem:s25], [sflag:$0x1] =	stream.indirect.gather [hbm4b:s4+s30], $0x80, s6, s30, $0xb8;
	[tilespmem:$0x1DC00] =	vst v63  }
0x1fb: {  	_ =	swait.ge [sflag:s5], $0x4000  }
0x1fc: {  	[sflag:s5] =	ssyncset.done $0x0  }
0x1fd: {  	[sflag:s5] =	ssyncadd.s32 $0xFFFFC000  }
0x1fe: {  	[spmem:s1] =	stream.indirect.scatter.add.f32 [tilespmem:s31], [sflag:$0x7], $0x80, s10, s30, $0xb8;
	[tilespmem:$0x1DC00] =	vst v63  }
0x1ff: {  	_ =	swait.ge [sflag:s26], $0x4000  }
0x200: {  	[sflag:s26] =	ssyncset.done $0x0  }
0x201: {  	[sflag:s26] =	ssyncadd.s32 $0xFFFFC000  }
0x202: {  	[tilespmem:s31], [sflag:$0x2] =	stream.indirect.gather [hbm4b:s4+s30], $0x80, s11, s30, $0xb8;
	[tilespmem:$0x1DC00] =	vst v63  }
0x203: {  	_ =	swait.ge [sflag:s0], $0x4000  }
0x204: {  	[sflag:s0] =	ssyncset.done $0x0  }
0x205: {  	[sflag:s0] =	ssyncadd.s32 $0xFFFFC000  }
0x206: {  	[spmem:s1] =	stream.indirect.scatter.add.f32 [tilespmem:s25], [sflag:$0x7], $0x80, s12, s30, $0xb8;
	[tilespmem:$0x1DC00] =	vst v63  }
0x207: {  	_ =	swait.ge [sflag:s26], $0x4000  }
0x208: {  	[sflag:s26] =	ssyncset.done $0x0  }
0x209: {  	[sflag:s26] =	ssyncadd.s32 $0xFFFFC000  }
0x20a: {  	[tilespmem:s25], [sflag:$0x1] =	stream.indirect.gather [hbm4b:s4+s30], $0x80, s13, s30, $0xb8;
	[tilespmem:$0x1DC00] =	vst v63  }
0x20b: {  	_ =	swait.ge [sflag:s5], $0x4000  }
0x20c: {  	[sflag:s5] =	ssyncset.done $0x0  }
0x20d: {  	[sflag:s5] =	ssyncadd.s32 $0xFFFFC000  }
0x20e: {  	[spmem:s1] =	stream.indirect.scatter.add.f32 [tilespmem:s31], [sflag:$0x7], $0x80, s14, s30, $0xb8;
	[tilespmem:$0x1DC00] =	vst v63  }
0x20f: {  	_ =	swait.ge [sflag:s26], $0x4000  }
0x210: {  	[sflag:s26] =	ssyncset.done $0x0  }
0x211: {  	[sflag:s26] =	ssyncadd.s32 $0xFFFFC000  }
0x212: {  	[tilespmem:s31], [sflag:$0x2] =	stream.indirect.gather [hbm4b:s4+s30], $0x80, s15, s30, $0xb8;
	[tilespmem:$0x1DC00] =	vst v63  }
0x213: {  	_ =	swait.ge [sflag:s0], $0x4000  }
0x214: {  	[sflag:s0] =	ssyncset.done $0x0  }
0x215: {  	[sflag:s0] =	ssyncadd.s32 $0xFFFFC000  }
0x216: {  	[spmem:s1] =	stream.indirect.scatter.add.f32 [tilespmem:s25], [sflag:$0x7], $0x80, s16, s30, $0xb8;
	[tilespmem:$0x1DC00] =	vst v63  }
0x217: {  	_ =	swait.ge [sflag:s26], $0x4000  }
0x218: {  	[sflag:s26] =	ssyncset.done $0x0  }
0x219: {  	[sflag:s26] =	ssyncadd.s32 $0xFFFFC000  }
0x21a: {  	[tilespmem:s25], [sflag:$0x1] =	stream.indirect.gather [hbm4b:s4+s30], $0x80, s17, s30, $0xb8;
	[tilespmem:$0x1DC00] =	vst v63  }
0x21b: {  	_ =	swait.ge [sflag:s5], $0x4000  }
0x21c: {  	[sflag:s5] =	ssyncset.done $0x0  }
0x21d: {  	[sflag:s5] =	ssyncadd.s32 $0xFFFFC000  }
0x21e: {  	[spmem:s1] =	stream.indirect.scatter.add.f32 [tilespmem:s31], [sflag:$0x7], $0x80, s20, s30, $0xb8;
	[tilespmem:$0x1DC00] =	vst v63  }
0x21f: {  	_ =	swait.ge [sflag:s26], $0x4000  }
0x220: {  	[sflag:s26] =	ssyncset.done $0x0  }
0x221: {  	[sflag:s26] =	ssyncadd.s32 $0xFFFFC000  }
0x222: {  	[tilespmem:s31], [sflag:$0x2] =	stream.indirect.gather [hbm4b:s4+s30], $0x80, s23, s30, $0xb8;
	[tilespmem:$0x1DC00] =	vst v63  }
0x223: {  	_ =	swait.ge [sflag:s0], $0x4000  }
0x224: {  	[sflag:s0] =	ssyncset.done $0x0  }
0x225: {  	[sflag:s0] =	ssyncadd.s32 $0xFFFFC000  }
0x226: {  	[spmem:s1] =	stream.indirect.scatter.add.f32 [tilespmem:s25], [sflag:$0x7], $0x80, s18, s30, $0xb8;
	[tilespmem:$0x1DC00] =	vst v63  }
0x227: {  	_ =	swait.ge [sflag:s26], $0x4000  }
0x228: {  	[sflag:s26] =	ssyncset.done $0x0  }
0x229: {  	[sflag:s26] =	ssyncadd.s32 $0xFFFFC000  }
0x22a: {  	[tilespmem:s25], [sflag:$0x1] =	stream.indirect.gather [hbm4b:s4+s30], $0x80, s8, s30, $0xb8;
	[tilespmem:$0x1DC00] =	vst v63  }
0x22b: {  	_ =	swait.ge [sflag:s5], $0x4000  }
0x22c: {  	[sflag:s5] =	ssyncset.done $0x0  }
0x22d: {  	s6 =	simm.s32 $0x1B80;
	[sflag:s5] =	ssyncadd.s32 $0xFFFFC000  }
0x22e: {  	[spmem:s1] =	stream.indirect.scatter.add.f32 [tilespmem:s31], [sflag:$0x7], $0x80, s6, s30, $0xb8;
	[tilespmem:$0x1DC00] =	vst v63  }
0x22f: {  	_ =	swait.ge [sflag:s26], $0x4000  }
0x230: {  	[sflag:s26] =	ssyncset.done $0x0  }
0x231: {  	s8 =	simm.s32 $0xC80;
	[sflag:s26] =	ssyncadd.s32 $0xFFFFC000  }
0x232: {  	[tilespmem:s31], [sflag:$0x2] =	stream.indirect.gather [hbm4b:s4+s30], $0x80, s8, s30, $0xb8;
	[tilespmem:$0x1DC00] =	vst v63  }
0x233: {  	_ =	swait.ge [sflag:s0], $0x4000  }
0x234: {  	[sflag:s0] =	ssyncset.done $0x0  }
0x235: {  	s6 =	simm.s32 $0x1C00;
	[sflag:s0] =	ssyncadd.s32 $0xFFFFC000  }
0x236: {  	[spmem:s1] =	stream.indirect.scatter.add.f32 [tilespmem:s25], [sflag:$0x7], $0x80, s6, s30, $0xb8;
	[tilespmem:$0x1DC00] =	vst v63  }
0x237: {  	_ =	swait.ge [sflag:s26], $0x4000  }
0x238: {  	[sflag:s26] =	ssyncset.done $0x0  }
0x239: {  	s8 =	simm.s32 $0xD00;
	[sflag:s26] =	ssyncadd.s32 $0xFFFFC000  }
0x23a: {  	[tilespmem:s25], [sflag:$0x1] =	stream.indirect.gather [hbm4b:s4+s30], $0x80, s8, s30, $0xb8;
	[tilespmem:$0x1DC00] =	vst v63  }
0x23b: {  	_ =	swait.ge [sflag:s5], $0x4000  }
0x23c: {  	[sflag:s5] =	ssyncset.done $0x0  }
0x23d: {  	s6 =	simm.s32 $0x1C80;
	[sflag:s5] =	ssyncadd.s32 $0xFFFFC000  }
0x23e: {  	[spmem:s1] =	stream.indirect.scatter.add.f32 [tilespmem:s31], [sflag:$0x7], $0x80, s6, s30, $0xb8;
	[tilespmem:$0x1DC00] =	vst v63  }
0x23f: {  	_ =	swait.ge [sflag:s26], $0x4000  }
0x240: {  	[sflag:s26] =	ssyncset.done $0x0  }
0x241: {  	s8 =	simm.s32 $0xD80;
	[sflag:s26] =	ssyncadd.s32 $0xFFFFC000  }
0x242: {  	[tilespmem:s31], [sflag:$0x2] =	stream.indirect.gather [hbm4b:s4+s30], $0x80, s8, s30, $0xb8;
	[tilespmem:$0x1DC00] =	vst v63  }
0x243: {  	_ =	swait.ge [sflag:s0], $0x4000  }
0x244: {  	[sflag:s0] =	ssyncset.done $0x0  }
0x245: {  	s6 =	simm.s32 $0x1D00;
	[sflag:s0] =	ssyncadd.s32 $0xFFFFC000  }
0x246: {  	[spmem:s1] =	stream.indirect.scatter.add.f32 [tilespmem:s25], [sflag:$0x7], $0x80, s6, s30, $0xb8;
	[tilespmem:$0x1DC00] =	vst v63  }
0x247: {  	_ =	swait.ge [sflag:s26], $0x4000  }
0x248: {  	[sflag:s26] =	ssyncset.done $0x0  }
0x249: {  	s8 =	simm.s32 $0xE00;
	[sflag:s26] =	ssyncadd.s32 $0xFFFFC000  }
0x24a: {  	[tilespmem:s25], [sflag:$0x1] =	stream.indirect.gather [hbm4b:s4+s30], $0x80, s8, s30, $0xb8;
	[tilespmem:$0x1DC00] =	vst v63  }
0x24b: {  	_ =	swait.ge [sflag:s5], $0x4000  }
0x24c: {  	[sflag:s5] =	ssyncset.done $0x0  }
0x24d: {  	s6 =	simm.s32 $0x1D80;
	[sflag:s5] =	ssyncadd.s32 $0xFFFFC000  }
0x24e: {  	[spmem:s1] =	stream.indirect.scatter.add.f32 [tilespmem:s31], [sflag:$0x7], $0x80, s6, s30, $0xb8;
	[tilespmem:$0x1DC00] =	vst v63  }
0x24f: {  	_ =	swait.ge [sflag:s26], $0x4000  }
0x250: {  	[sflag:s26] =	ssyncset.done $0x0  }
0x251: {  	s8 =	simm.s32 $0xE80;
	[sflag:s26] =	ssyncadd.s32 $0xFFFFC000  }
0x252: {  	[tilespmem:s31], [sflag:$0x2] =	stream.indirect.gather [hbm4b:s4+s30], $0x80, s8, s30, $0xb8;
	[tilespmem:$0x1DC00] =	vst v63  }
0x253: {  	_ =	swait.ge [sflag:s0], $0x4000  }
0x254: {  	[sflag:s0] =	ssyncset.done $0x0  }
0x255: {  	s6 =	simm.s32 $0x1E00;
	[sflag:s0] =	ssyncadd.s32 $0xFFFFC000  }
0x256: {  	[spmem:s1] =	stream.indirect.scatter.add.f32 [tilespmem:s25], [sflag:$0x7], $0x80, s6, s30, $0xb8;
	[tilespmem:$0x1DC00] =	vst v63  }
0x257: {  	_ =	swait.ge [sflag:s26], $0x4000  }
0x258: {  	[sflag:s26] =	ssyncset.done $0x0  }
0x259: {  	s8 =	simm.s32 $0xF00;
	[sflag:s26] =	ssyncadd.s32 $0xFFFFC000  }
0x25a: {  	[tilespmem:s25], [sflag:$0x1] =	stream.indirect.gather [hbm4b:s4+s30], $0x80, s8, s30, $0xb8;
	[tilespmem:$0x1DC00] =	vst v63  }
0x25b: {  	_ =	swait.ge [sflag:s5], $0x4000  }
0x25c: {  	[sflag:s5] =	ssyncset.done $0x0  }
0x25d: {  	s6 =	simm.s32 $0x1E80;
	[sflag:s5] =	ssyncadd.s32 $0xFFFFC000  }
0x25e: {  	[spmem:s1] =	stream.indirect.scatter.add.f32 [tilespmem:s31], [sflag:$0x7], $0x80, s6, s30, $0xb8;
	[tilespmem:$0x1DC00] =	vst v63  }
0x25f: {  	_ =	swait.ge [sflag:s26], $0x4000  }
0x260: {  	[sflag:s26] =	ssyncset.done $0x0  }
0x261: {  	s8 =	simm.s32 $0xF80;
	[sflag:s26] =	ssyncadd.s32 $0xFFFFC000  }
0x262: {  	[tilespmem:s31], [sflag:$0x2] =	stream.indirect.gather [hbm4b:s4+s30], $0x80, s8, s30, $0xb8;
	[tilespmem:$0x1DC00] =	vst v63  }
0x263: {  	_ =	swait.ge [sflag:s0], $0x4000  }
0x264: {  	[sflag:s0] =	ssyncset.done $0x0  }
0x265: {  	s6 =	simm.s32 $0x1F00;
	[sflag:s0] =	ssyncadd.s32 $0xFFFFC000  }
0x266: {  	[spmem:s1] =	stream.indirect.scatter.add.f32 [tilespmem:s25], [sflag:$0x7], $0x80, s6, s30, $0xb8;
	[tilespmem:$0x1DC00] =	vst v63  }
0x267: {  	_ =	swait.ge [sflag:s26], $0x4000  }
0x268: {  	[sflag:s26] =	ssyncset.done $0x0  }
0x269: {  	[sflag:s26] =	ssyncadd.s32 $0xFFFFC000  }
0x26a: {  	_ =	swait.ge [sflag:s9], $0x800  }
0x26b: {  	[sflag:s9] =	ssyncset.done $0x0  }
0x26c: {  	[sflag:s9] =	ssyncadd.s32 $0xFFFFF800  }
0x26d: {  	_ =	swait.ge [sflag:s29], $0x800  }
0x26e: {  	[sflag:s29] =	ssyncset.done $0x0  }
0x26f: {  	[sflag:s29] =	ssyncadd.s32 $0xFFFFF800  }
0x270: {  	[tilespmem:s25], [sflag:$0x1] =	stream.indirect.gather [hbm4b:s4+s30], $0x80, s3, s30, $0xb8;
	[tilespmem:$0x1DC00] =	vst v63  }
0x271: {  	_ =	swait.ge [sflag:s5], $0x4000  }
0x272: {  	[sflag:s5] =	ssyncset.done $0x0  }
0x273: {  	s8 =	simm.s32 $0x1F80;
	[sflag:s5] =	ssyncadd.s32 $0xFFFFC000  }
0x274: {  	[spmem:s1] =	stream.indirect.scatter.add.f32 [tilespmem:s31], [sflag:$0x7], $0x80, s8, s30, $0xb8;
	[tilespmem:$0x1DC00] =	vst v63  }
0x275: {  	_ =	swait.ge [sflag:s26], $0x4000  }
0x276: {  	[sflag:s26] =	ssyncset.done $0x0  }
0x277: {  	[sflag:s26] =	ssyncadd.s32 $0xFFFFC000  }
0x278: {  	[tilespmem:s31], [sflag:$0x2] =	stream.indirect.gather [hbm4b:s4+s30], $0x80, s30, s30, $0xb8;
	[tilespmem:$0x1DC00] =	vst v63  }
0x279: {  	_ =	swait.ge [sflag:s0], $0x4000  }
0x27a: {  	[sflag:s0] =	ssyncset.done $0x0  }
0x27b: {  	[sflag:s0] =	ssyncadd.s32 $0xFFFFC000  }
0x27c: {  	[spmem:s1] =	stream.indirect.scatter.add.f32 [tilespmem:s25], [sflag:$0x7], $0x80, s7, s30, $0xb8;
	[tilespmem:$0x1DC00] =	vst v63  }
0x27d: {  	_ =	swait.ge [sflag:s26], $0x4000  }
0x27e: {  	[sflag:s26] =	ssyncset.done $0x0  }
0x27f: {  	s6 =	simm.s32 $0x100;
	[sflag:s26] =	ssyncadd.s32 $0xFFFFC000  }
0x280: {  	[tilespmem:s25], [sflag:$0x1] =	stream.indirect.gather [hbm4b:s4+s30], $0x80, s6, s30, $0xb8;
	[tilespmem:$0x1DC00] =	vst v63  }
0x281: {  	_ =	swait.ge [sflag:s5], $0x4000  }
0x282: {  	[sflag:s5] =	ssyncset.done $0x0  }
0x283: {  	s8 =	simm.s32 $0x1080;
	[sflag:s5] =	ssyncadd.s32 $0xFFFFC000  }
0x284: {  	[spmem:s1] =	stream.indirect.scatter.add.f32 [tilespmem:s31], [sflag:$0x7], $0x80, s8, s30, $0xb8;
	[tilespmem:$0x1DC00] =	vst v63  }
0x285: {  	_ =	swait.ge [sflag:s26], $0x4000  }
0x286: {  	[sflag:s26] =	ssyncset.done $0x0  }
0x287: {  	s6 =	simm.s32 $0x180;
	[sflag:s26] =	ssyncadd.s32 $0xFFFFC000  }
0x288: {  	[tilespmem:s31], [sflag:$0x2] =	stream.indirect.gather [hbm4b:s4+s30], $0x80, s6, s30, $0xb8;
	[tilespmem:$0x1DC00] =	vst v63  }
0x289: {  	_ =	swait.ge [sflag:s0], $0x4000  }
0x28a: {  	[sflag:s0] =	ssyncset.done $0x0  }
0x28b: {  	s8 =	simm.s32 $0x1100;
	[sflag:s0] =	ssyncadd.s32 $0xFFFFC000  }
0x28c: {  	[spmem:s1] =	stream.indirect.scatter.add.f32 [tilespmem:s25], [sflag:$0x7], $0x80, s8, s30, $0xb8;
	[tilespmem:$0x1DC00] =	vst v63  }
0x28d: {  	_ =	swait.ge [sflag:s26], $0x4000  }
0x28e: {  	[sflag:s26] =	ssyncset.done $0x0  }
0x28f: {  	s6 =	simm.s32 $0x200;
	[sflag:s26] =	ssyncadd.s32 $0xFFFFC000  }
0x290: {  	[tilespmem:s25], [sflag:$0x1] =	stream.indirect.gather [hbm4b:s4+s30], $0x80, s6, s30, $0xb8;
	[tilespmem:$0x1DC00] =	vst v63  }
0x291: {  	_ =	swait.ge [sflag:s5], $0x4000  }
0x292: {  	[sflag:s5] =	ssyncset.done $0x0  }
0x293: {  	s8 =	simm.s32 $0x1180;
	[sflag:s5] =	ssyncadd.s32 $0xFFFFC000  }
0x294: {  	[spmem:s1] =	stream.indirect.scatter.add.f32 [tilespmem:s31], [sflag:$0x7], $0x80, s8, s30, $0xb8;
	[tilespmem:$0x1DC00] =	vst v63  }
0x295: {  	_ =	swait.ge [sflag:s26], $0x4000  }
0x296: {  	[sflag:s26] =	ssyncset.done $0x0  }
0x297: {  	s6 =	simm.s32 $0x280;
	[sflag:s26] =	ssyncadd.s32 $0xFFFFC000  }
0x298: {  	[tilespmem:s31], [sflag:$0x2] =	stream.indirect.gather [hbm4b:s4+s30], $0x80, s6, s30, $0xb8;
	[tilespmem:$0x1DC00] =	vst v63  }
0x299: {  	_ =	swait.ge [sflag:s0], $0x4000  }
0x29a: {  	[sflag:s0] =	ssyncset.done $0x0  }
0x29b: {  	s8 =	simm.s32 $0x1200;
	[sflag:s0] =	ssyncadd.s32 $0xFFFFC000  }
0x29c: {  	[spmem:s1] =	stream.indirect.scatter.add.f32 [tilespmem:s25], [sflag:$0x7], $0x80, s8, s30, $0xb8;
	[tilespmem:$0x1DC00] =	vst v63  }
0x29d: {  	_ =	swait.ge [sflag:s26], $0x4000  }
0x29e: {  	[sflag:s26] =	ssyncset.done $0x0  }
0x29f: {  	s6 =	simm.s32 $0x300;
	[sflag:s26] =	ssyncadd.s32 $0xFFFFC000  }
0x2a0: {  	[tilespmem:s25], [sflag:$0x1] =	stream.indirect.gather [hbm4b:s4+s30], $0x80, s6, s30, $0xb8;
	[tilespmem:$0x1DC00] =	vst v63  }
0x2a1: {  	_ =	swait.ge [sflag:s5], $0x4000  }
0x2a2: {  	[sflag:s5] =	ssyncset.done $0x0  }
0x2a3: {  	s8 =	simm.s32 $0x1280;
	[sflag:s5] =	ssyncadd.s32 $0xFFFFC000  }
0x2a4: {  	[spmem:s1] =	stream.indirect.scatter.add.f32 [tilespmem:s31], [sflag:$0x7], $0x80, s8, s30, $0xb8;
	[tilespmem:$0x1DC00] =	vst v63  }
0x2a5: {  	_ =	swait.ge [sflag:s26], $0x4000  }
0x2a6: {  	[sflag:s26] =	ssyncset.done $0x0  }
0x2a7: {  	s6 =	simm.s32 $0x380;
	[sflag:s26] =	ssyncadd.s32 $0xFFFFC000  }
0x2a8: {  	[tilespmem:s31], [sflag:$0x2] =	stream.indirect.gather [hbm4b:s4+s30], $0x80, s6, s30, $0xb8;
	[tilespmem:$0x1DC00] =	vst v63  }
0x2a9: {  	_ =	swait.ge [sflag:s0], $0x4000  }
0x2aa: {  	[sflag:s0] =	ssyncset.done $0x0  }
0x2ab: {  	s8 =	simm.s32 $0x1300;
	[sflag:s0] =	ssyncadd.s32 $0xFFFFC000  }
0x2ac: {  	[spmem:s1] =	stream.indirect.scatter.add.f32 [tilespmem:s25], [sflag:$0x7], $0x80, s8, s30, $0xb8;
	[tilespmem:$0x1DC00] =	vst v63  }
0x2ad: {  	_ =	swait.ge [sflag:s26], $0x4000  }
0x2ae: {  	[sflag:s26] =	ssyncset.done $0x0  }
0x2af: {  	s6 =	simm.s32 $0x400;
	[sflag:s26] =	ssyncadd.s32 $0xFFFFC000  }
0x2b0: {  	[tilespmem:s25], [sflag:$0x1] =	stream.indirect.gather [hbm4b:s4+s30], $0x80, s6, s30, $0xb8;
	[tilespmem:$0x1DC00] =	vst v63  }
0x2b1: {  	_ =	swait.ge [sflag:s5], $0x4000  }
0x2b2: {  	[sflag:s5] =	ssyncset.done $0x0  }
0x2b3: {  	s8 =	simm.s32 $0x1380;
	[sflag:s5] =	ssyncadd.s32 $0xFFFFC000  }
0x2b4: {  	[spmem:s1] =	stream.indirect.scatter.add.f32 [tilespmem:s31], [sflag:$0x7], $0x80, s8, s30, $0xb8;
	[tilespmem:$0x1DC00] =	vst v63  }
0x2b5: {  	_ =	swait.ge [sflag:s26], $0x4000  }
0x2b6: {  	[sflag:s26] =	ssyncset.done $0x0  }
0x2b7: {  	s6 =	simm.s32 $0x480;
	[sflag:s26] =	ssyncadd.s32 $0xFFFFC000  }
0x2b8: {  	[tilespmem:s31], [sflag:$0x2] =	stream.indirect.gather [hbm4b:s4+s30], $0x80, s6, s30, $0xb8;
	[tilespmem:$0x1DC00] =	vst v63  }
0x2b9: {  	_ =	swait.ge [sflag:s0], $0x4000  }
0x2ba: {  	[sflag:s0] =	ssyncset.done $0x0  }
0x2bb: {  	s8 =	simm.s32 $0x1400;
	[sflag:s0] =	ssyncadd.s32 $0xFFFFC000  }
0x2bc: {  	[spmem:s1] =	stream.indirect.scatter.add.f32 [tilespmem:s25], [sflag:$0x7], $0x80, s8, s30, $0xb8;
	[tilespmem:$0x1DC00] =	vst v63  }
0x2bd: {  	_ =	swait.ge [sflag:s26], $0x4000  }
0x2be: {  	[sflag:s26] =	ssyncset.done $0x0  }
0x2bf: {  	s6 =	simm.s32 $0x500;
	[sflag:s26] =	ssyncadd.s32 $0xFFFFC000  }
0x2c0: {  	[tilespmem:s25], [sflag:$0x1] =	stream.indirect.gather [hbm4b:s4+s30], $0x80, s6, s30, $0xb8;
	[tilespmem:$0x1DC00] =	vst v63  }
0x2c1: {  	_ =	swait.ge [sflag:s5], $0x4000  }
0x2c2: {  	[sflag:s5] =	ssyncset.done $0x0  }
0x2c3: {  	s8 =	simm.s32 $0x1480;
	[sflag:s5] =	ssyncadd.s32 $0xFFFFC000  }
0x2c4: {  	[spmem:s1] =	stream.indirect.scatter.add.f32 [tilespmem:s31], [sflag:$0x7], $0x80, s8, s30, $0xb8;
	[tilespmem:$0x1DC00] =	vst v63  }
0x2c5: {  	_ =	swait.ge [sflag:s26], $0x4000  }
0x2c6: {  	[sflag:s26] =	ssyncset.done $0x0  }
0x2c7: {  	s6 =	simm.s32 $0x580;
	[sflag:s26] =	ssyncadd.s32 $0xFFFFC000  }
0x2c8: {  	[tilespmem:s31], [sflag:$0x2] =	stream.indirect.gather [hbm4b:s4+s30], $0x80, s6, s30, $0xb8;
	[tilespmem:$0x1DC00] =	vst v63  }
0x2c9: {  	_ =	swait.ge [sflag:s0], $0x4000  }
0x2ca: {  	[sflag:s0] =	ssyncset.done $0x0  }
0x2cb: {  	s8 =	simm.s32 $0x1500;
	[sflag:s0] =	ssyncadd.s32 $0xFFFFC000  }
0x2cc: {  	[spmem:s1] =	stream.indirect.scatter.add.f32 [tilespmem:s25], [sflag:$0x7], $0x80, s8, s30, $0xb8;
	[tilespmem:$0x1DC00] =	vst v63  }
0x2cd: {  	_ =	swait.ge [sflag:s26], $0x4000  }
0x2ce: {  	[sflag:s26] =	ssyncset.done $0x0  }
0x2cf: {  	s6 =	simm.s32 $0x600;
	[sflag:s26] =	ssyncadd.s32 $0xFFFFC000  }
0x2d0: {  	[tilespmem:s25], [sflag:$0x1] =	stream.indirect.gather [hbm4b:s4+s30], $0x80, s6, s30, $0xb8;
	[tilespmem:$0x1DC00] =	vst v63  }
0x2d1: {  	_ =	swait.ge [sflag:s5], $0x4000  }
0x2d2: {  	[sflag:s5] =	ssyncset.done $0x0  }
0x2d3: {  	s8 =	simm.s32 $0x1580;
	[sflag:s5] =	ssyncadd.s32 $0xFFFFC000  }
0x2d4: {  	[spmem:s1] =	stream.indirect.scatter.add.f32 [tilespmem:s31], [sflag:$0x7], $0x80, s8, s30, $0xb8;
	[tilespmem:$0x1DC00] =	vst v63  }
0x2d5: {  	_ =	swait.ge [sflag:s26], $0x4000  }
0x2d6: {  	[sflag:s26] =	ssyncset.done $0x0  }
0x2d7: {  	s6 =	simm.s32 $0x680;
	[sflag:s26] =	ssyncadd.s32 $0xFFFFC000  }
0x2d8: {  	[tilespmem:s31], [sflag:$0x2] =	stream.indirect.gather [hbm4b:s4+s30], $0x80, s6, s30, $0xb8;
	[tilespmem:$0x1DC00] =	vst v63  }
0x2d9: {  	_ =	swait.ge [sflag:s0], $0x4000  }
0x2da: {  	[sflag:s0] =	ssyncset.done $0x0  }
0x2db: {  	s8 =	simm.s32 $0x1600;
	[sflag:s0] =	ssyncadd.s32 $0xFFFFC000  }
0x2dc: {  	[spmem:s1] =	stream.indirect.scatter.add.f32 [tilespmem:s25], [sflag:$0x7], $0x80, s8, s30, $0xb8;
	[tilespmem:$0x1DC00] =	vst v63  }
0x2dd: {  	_ =	swait.ge [sflag:s26], $0x4000  }
0x2de: {  	[sflag:s26] =	ssyncset.done $0x0  }
0x2df: {  	s6 =	simm.s32 $0x700;
	[sflag:s26] =	ssyncadd.s32 $0xFFFFC000  }
0x2e0: {  	[tilespmem:s25], [sflag:$0x1] =	stream.indirect.gather [hbm4b:s4+s30], $0x80, s6, s30, $0xb8;
	[tilespmem:$0x1DC00] =	vst v63  }
0x2e1: {  	_ =	swait.ge [sflag:s5], $0x4000  }
0x2e2: {  	[sflag:s5] =	ssyncset.done $0x0  }
0x2e3: {  	s8 =	simm.s32 $0x1680;
	[sflag:s5] =	ssyncadd.s32 $0xFFFFC000  }
0x2e4: {  	[spmem:s1] =	stream.indirect.scatter.add.f32 [tilespmem:s31], [sflag:$0x7], $0x80, s8, s30, $0xb8;
	[tilespmem:$0x1DC00] =	vst v63  }
0x2e5: {  	_ =	swait.ge [sflag:s26], $0x4000  }
0x2e6: {  	[sflag:s26] =	ssyncset.done $0x0  }
0x2e7: {  	s6 =	simm.s32 $0x780;
	[sflag:s26] =	ssyncadd.s32 $0xFFFFC000  }
0x2e8: {  	[tilespmem:s31], [sflag:$0x2] =	stream.indirect.gather [hbm4b:s4+s30], $0x80, s6, s30, $0xb8;
	[tilespmem:$0x1DC00] =	vst v63  }
0x2e9: {  	_ =	swait.ge [sflag:s0], $0x4000  }
0x2ea: {  	[sflag:s0] =	ssyncset.done $0x0  }
0x2eb: {  	s8 =	simm.s32 $0x1700;
	[sflag:s0] =	ssyncadd.s32 $0xFFFFC000  }
0x2ec: {  	[spmem:s1] =	stream.indirect.scatter.add.f32 [tilespmem:s25], [sflag:$0x7], $0x80, s8, s30, $0xb8;
	[tilespmem:$0x1DC00] =	vst v63  }
0x2ed: {  	_ =	swait.ge [sflag:s26], $0x4000  }
0x2ee: {  	[sflag:s26] =	ssyncset.done $0x0  }
0x2ef: {  	[sflag:s26] =	ssyncadd.s32 $0xFFFFC000  }
0x2f0: {  	_ =	swait.ge [sflag:s5], $0x4000  }
0x2f1: {  	[sflag:s5] =	ssyncset.done $0x0  }
0x2f2: {  	[sflag:s5] =	ssyncadd.s32 $0xFFFFC000  }
0x2f3: {  	[spmem:s1] =	stream.indirect.scatter.add.f32 [tilespmem:s31], [sflag:$0x7], $0x80, s19, s30, $0xb8;
	[tilespmem:$0x1DC00] =	vst v63  }
0x2f4: {  	_ =	swait.ge [sflag:s26], $0x4000  }
0x2f5: {  	[sflag:s26] =	ssyncset.done $0x0  }
0x2f6: {  	[sflag:s26] =	ssyncadd.s32 $0xFFFFC000  }
0x2f7: {  	s6 =	stileid.u32;
	[bflag:$0x0] =	sbarrier.arrive $0xFFFF  }
0x2f8: {  	s2 =	sshll.u32 s6, $0x6;
	s8 =	rddreg [dreg:$0x14]  }
0x2f9: {  	s2 =	sor.u32 $0x1C07, s2;
	s19 =	rddreg [dreg:$0x12];
	s6 =	sshrl.u32 s8, $0x3  }
0x2fa: {  	[hbm:s19], [sflag:s2] =	dma.local [spmem:s6], $0x2780  }
0x2fb: {  	_ =	swait.ge [sflag:s26], $0x2780  }
0x2fc: {  	s21 =	sadd.s32 $0x1, s21;
	s19 =	rddreg [dreg:$0x13]  }
0x2fd: {  	p0 =	sne.s32 s21, s19  }
.Ltmp1:
0x2fe: {  	_ = 	snop;
	(pc) =	sbr.rel @p0 .LBB2_1-.Ltmp1, $3  }
0x2ff: {  	_ =	sdelay $0x1  }
0x300: {  	[sflag:s26] =	ssyncset.done $0x0  }
0x301: {  	s6 =	simm.s32 $0x800;
	[sflag:s26] =	ssyncadd.s32 $0xFFFFD880  }
0x302: {  	_ =	sfence.sel $0x180000  }
0x303: {  	[bflag:$0x0] =	sbarrier.arrive $0xFFFF  }
0x304: {  	_ =	strace $0x90000047  }
0x305: {  	s0 =	stileid.u32;
	[bflag:$0x2] =	sbarrier.arrive $0xFFFF  }
0x306: {  	p0 =	sne.s32 s0, $0x0;
	s0 =	rddreg [dreg:$0x3]  }
0x307: {  	s0 =	sadd.s32 @!p0 $0x100000, s0  }
0x308: {  	[sflag:s0] =	ssyncadd.tile.s32 @!p0 $0x1;
	_ =	shalt  }
.Lfunc_end2:
_tile_overlayer_lowered:
.L_overlay_start_2:
0x309: {  	(tag) =	ssettag $0x2  }
0x30a: {  	s0 =	rddreg [dreg:$0x0];
	s2 =	stileid.u32  }
0x30b: {  	s1 =	rddreg [dreg:$0x1];
	p0 =	sne.s32 s2, $0x0  }
0x30c: {  	s3 =	rddreg [dreg:$0x2];
	[bflag:$0x3] =	sbarrier.arrive $0xFFFF;
	s2 =	simm.s32 @!p0 $0x1C07  }
0x30d: {  	[timem:s3], [sflag:s2] =	dma.local @!p0 [hbm:s0], s1  }
0x30e: {  	s0 =	simm.s32 @!p0 $0x7  }
0x30f: {  	_ =	swait.ge @!p0 [sflag:s0], s1  }
0x310: {  	s1 =	ssub.s32 @!p0 $0x0, s1;
	[sflag:s0] =	ssyncset.done @!p0 $0x0  }
0x311: {  	[sflag:s0] =	ssyncadd.s32 @!p0 s1  }
0x312: {  	[bflag:$0x3] =	sbarrier.arrive $0xFFFF  }
0x313: {  	_ =	shalt  }

</sc_bundles>
